<compile_context>
chip_gen: v7x
topology: tpu7x:2x2x1
jax: 0.10.2.dev20260603
libtpu: 0.0.44.dev20260713+nightly
codegen_flags: <defaults>
</compile_context>

<pallas_src>
import functools

import jax
import jax.numpy as jnp
from jax import lax
from jax.experimental import pallas as pl
from jax.experimental.pallas import tpu as pltpu
from jax.experimental.pallas import tpu_sc as plsc

NC, NS = 2, 16
NW = NC * NS
CHUNK = 80

_N = 10000
_E = 320000
_S = 5
_D = 128
_H = 64

_AGGROWS = 10240
_AGGTILE = _AGGROWS // NS
_PERW = 10000
_NCH = _PERW // CHUNK
_NCHP = 128

_mesh = plsc.VectorSubcoreMesh(
    core_axis_name="c", subcore_axis_name="s", num_cores=NC, num_subcores=NS)


@functools.partial(
    pl.kernel,
    out_type=jax.ShapeDtypeStruct((NC * _S * _AGGROWS, _D), jnp.float32),
    mesh=_mesh,
    scratch_types=[
        pltpu.VMEM_SHARED((_AGGROWS, _D), jnp.float32),
        pltpu.VMEM((_NCHP, CHUNK), jnp.int32),
        pltpu.VMEM((CHUNK, _D), jnp.float32),
        pltpu.SemaphoreType.DMA,
    ],
)
def _sc_deg(dsts_hbm, ones_hbm, zeros_hbm, out_hbm, deg_sp, dib, onesbuf, ssem):
    cid = lax.axis_index("c")
    sid = lax.axis_index("s")
    wid = sid * NC + cid
    nch = _NCH
    pltpu.sync_copy(ones_hbm, onesbuf)
    for s in range(_S):
        pltpu.sync_copy(zeros_hbm, deg_sp.at[pl.ds(sid * _AGGTILE, _AGGTILE)])
        rowbase = (s * NW + wid) * _NCHP
        pltpu.sync_copy(dsts_hbm.at[pl.ds(rowbase, _NCHP)], dib)
        plsc.subcore_barrier()

        def fire(j, c):
            pltpu.async_copy(onesbuf, deg_sp.at[dib.at[j]], ssem, add=True)
            return c

        lax.fori_loop(0, nch, fire, 0)

        def drain(j, c):
            pltpu.make_async_copy(onesbuf, deg_sp.at[dib.at[j]], ssem).wait()
            return c

        lax.fori_loop(0, nch, drain, 0)
        plsc.subcore_barrier()
        pltpu.sync_copy(
            deg_sp.at[pl.ds(sid * _AGGTILE, _AGGTILE)],
            out_hbm.at[pl.ds((cid * _S + s) * _AGGROWS + sid * _AGGTILE,
                             _AGGTILE)])


@functools.partial(
    pl.kernel,
    out_type=jax.ShapeDtypeStruct((NC * _S * _AGGROWS, _D), jnp.float32),
    mesh=_mesh,
    scratch_types=[
        pltpu.VMEM_SHARED((_AGGROWS, _D), jnp.float32),
        pltpu.VMEM((_NCHP, CHUNK), jnp.int32),
        pltpu.VMEM((_NCHP, CHUNK), jnp.int32),
        pltpu.VMEM((CHUNK, _D), jnp.float32),
        pltpu.SemaphoreType.DMA,
    ],
)
def _sc_agg(srcs_hbm, dsts_hbm, hp_hbm, zeros_hbm, out_hbm,
            agg_sp, sib, dib, rows, sem):
    cid = lax.axis_index("c")
    sid = lax.axis_index("s")
    wid = sid * NC + cid
    for s in range(_S):
        pltpu.sync_copy(zeros_hbm, agg_sp.at[pl.ds(sid * _AGGTILE, _AGGTILE)])
        rowbase = (s * NW + wid) * _NCHP
        pltpu.sync_copy(srcs_hbm.at[pl.ds(rowbase, _NCHP)], sib)
        pltpu.sync_copy(dsts_hbm.at[pl.ds(rowbase, _NCHP)], dib)
        plsc.subcore_barrier()

        def body(j, c):
            pltpu.async_copy(hp_hbm.at[sib.at[j]], rows, sem).wait()
            pltpu.sync_copy(rows, agg_sp.at[dib.at[j]], add=True)
            return c

        lax.fori_loop(0, _NCH, body, 0)
        plsc.subcore_barrier()
        pltpu.sync_copy(
            agg_sp.at[pl.ds(sid * _AGGTILE, _AGGTILE)],
            out_hbm.at[pl.ds((cid * _S + s) * _AGGROWS + sid * _AGGTILE,
                             _AGGTILE)])


_R = 400


def _dis_from_deg(deg_blk):
    deg = deg_blk[0, :, :, 0] + deg_blk[1, :, :, 0] + 1.0
    return lax.rsqrt(deg)


def _k_pre_body(x_ref, w1_ref, deg_ref, p_ref, hp1_ref):
    x = x_ref[...]
    p = jnp.dot(x, w1_ref[...], preferred_element_type=jnp.float32,
                precision=lax.Precision.HIGHEST)
    p_ref[...] = p
    dis = _dis_from_deg(deg_ref[...])
    hp1_ref[...] = dis[:, :, None] * p[None, :, :]


def _k_mid_body(agg_ref, hp1_ref, x_ref, b1_ref, deg_ref, w2_ref,
                x1_ref, hp2_ref):
    dis = _dis_from_deg(deg_ref[...])
    aggsum = agg_ref[0] + agg_ref[1]
    conv = dis[:, :, None] * (aggsum + hp1_ref[...]) + b1_ref[...][None]
    x1 = jax.nn.relu(conv) + x_ref[...][None]
    x1_ref[...] = x1
    q = jnp.dot(x1, w2_ref[...], preferred_element_type=jnp.float32,
                precision=lax.Precision.HIGHEST)
    hp2_ref[...] = dis[:, :, None] * q


def _k_post_body(agg_ref, hp2_ref, x1_ref, b2_ref, deg_ref, mask_ref,
                 wc1_ref, bc1_ref, wc2_ref, bc2_ref, out_ref):
    dis = _dis_from_deg(deg_ref[...])
    x2 = (dis[:, :, None] * (agg_ref[0] + agg_ref[1] + hp2_ref[...])
          + b2_ref[...][None] + x1_ref[...])
    a = jnp.mean(x2, axis=0) * mask_ref[...]
    h = jax.nn.relu(jnp.dot(a, wc1_ref[...], preferred_element_type=jnp.float32,
                            precision=lax.Precision.HIGHEST) + bc1_ref[...])
    logit = jnp.dot(h, wc2_ref[...], preferred_element_type=jnp.float32,
                    precision=lax.Precision.HIGHEST) + bc2_ref[...]
    out_ref[...] = jax.nn.sigmoid(logit)


def _full(shape):
    return pl.BlockSpec(shape, lambda i: (0,) * len(shape))


def _rows(shape, axis):
    def imap(i, axis=axis, rank=len(shape)):
        return tuple(i if d == axis else 0 for d in range(rank))
    return pl.BlockSpec(shape, imap)


def kernel(node_features, edge_index, post_mask, W1, b1, W2, b2,
           Wc1, bc1, Wc2, bc2):
    N, D = node_features.shape
    S = edge_index.shape[0]
    E = edge_index.shape[2]
    H = Wc1.shape[1]

    shift = (jnp.arange(S, dtype=jnp.int32) * N)[:, None]

    def _staged(idx, padval):
        a = idx.reshape(S, NW, _NCH, CHUNK)
        a = jnp.pad(a, ((0, 0), (0, 0), (0, _NCHP - _NCH), (0, 0)),
                    constant_values=padval)
        return a.reshape(S * NW * _NCHP, CHUNK)

    srcs_flat = _staged(edge_index[:, 0, :] + shift, 0)
    dsts_flat = _staged(edge_index[:, 1, :], _AGGROWS - 1)

    ones_rows = jnp.zeros((CHUNK, D), jnp.float32).at[:, 0].set(1.0)
    zeros_agg = jnp.zeros((_AGGTILE, D), jnp.float32)
    maskf = post_mask.astype(jnp.float32).reshape(N, 1)
    b1r = b1.reshape(1, D)
    b2r = b2.reshape(1, D)
    bc1r = bc1.reshape(1, H)

    degtab = _sc_deg(dsts_flat, ones_rows, zeros_agg)
    deg4 = degtab.reshape(NC, S, _AGGROWS, D)[:, :, :N, :1]

    nb = N // _R
    p, hp1 = pl.pallas_call(
        _k_pre_body,
        grid=(nb,),
        in_specs=[_rows((_R, D), 0), _full((D, D)),
                  _rows((NC, S, _R, 1), 2)],
        out_specs=[_rows((_R, D), 0), _rows((S, _R, D), 1)],
        out_shape=[jax.ShapeDtypeStruct((N, D), jnp.float32),
                   jax.ShapeDtypeStruct((S, N, D), jnp.float32)],
    )(node_features, W1, deg4)

    agg1 = _sc_agg(srcs_flat, dsts_flat, hp1.reshape(S * N, D), zeros_agg)
    agg1 = agg1.reshape(NC, S, _AGGROWS, D)[:, :, :N]

    x1, hp2 = pl.pallas_call(
        _k_mid_body,
        grid=(nb,),
        in_specs=[_rows((NC, S, _R, D), 2), _rows((S, _R, D), 1),
                  _rows((_R, D), 0), _full((1, D)),
                  _rows((NC, S, _R, 1), 2), _full((D, D))],
        out_specs=[_rows((S, _R, D), 1), _rows((S, _R, D), 1)],
        out_shape=[jax.ShapeDtypeStruct((S, N, D), jnp.float32),
                   jax.ShapeDtypeStruct((S, N, D), jnp.float32)],
    )(agg1, hp1, node_features, b1r, deg4, W2)

    agg2 = _sc_agg(srcs_flat, dsts_flat, hp2.reshape(S * N, D), zeros_agg)
    agg2 = agg2.reshape(NC, S, _AGGROWS, D)[:, :, :N]

    out = pl.pallas_call(
        _k_post_body,
        grid=(nb,),
        in_specs=[_rows((NC, S, _R, D), 2), _rows((S, _R, D), 1),
                  _rows((S, _R, D), 1), _full((1, D)),
                  _rows((NC, S, _R, 1), 2), _rows((_R, 1), 0),
                  _full((D, H)), _full((1, H)), _full((H, 1)), _full((1, 1))],
        out_specs=[_rows((_R, 1), 0)],
        out_shape=[jax.ShapeDtypeStruct((N, 1), jnp.float32)],
    )(agg2, hp2, x1, b2r, deg4, maskf, Wc1, bc1r, Wc2, bc2.reshape(1, 1))[0]
    return out.reshape(N)

# --- scband reference (transcript-rebuilt; emitter-appended) ---
"""Pipeline reference for scband-graph-convolutional-network-17540646437552 (READ-ONLY COPY).

The authoritative reference and input builder live on the scoring server;
editing this copy changes nothing except your own understanding.
"""

import jax, jax.numpy as jnp
import numpy as np

N = 10000   # n_nodes
E = 320000  # n_edges per snapshot
S = 5       # num_snapshots
D = 128     # node_dim == hidden_dims
H = 64      # classifier hidden (hidden_dims[-1] // 2)


def setup_inputs(seed: int = 0) -> dict:
    key = jax.random.key(seed)
    ks = jax.random.split(key, 12)
    inp = {}
    inp["node_features"] = jax.random.normal(ks[0], (N, D), dtype=jnp.float32)
    inp["edge_index"] = jax.random.randint(ks[1], (S, 2, E), 0, N, dtype=jnp.int32)
    inp["post_mask"] = jnp.ones((N,), dtype=bool)
    # GCNConv layer params (glorot-ish scale)
    inp["W1"] = jax.random.normal(ks[2], (D, D), dtype=jnp.float32) * (1.0 / np.sqrt(D))
    inp["b1"] = jnp.zeros((D,), dtype=jnp.float32)
    inp["W2"] = jax.random.normal(ks[3], (D, D), dtype=jnp.float32) * (1.0 / np.sqrt(D))
    inp["b2"] = jnp.zeros((D,), dtype=jnp.float32)
    # classifier: Linear(D, H) -> ReLU -> Dropout(eval) -> Linear(H, 1)
    inp["Wc1"] = jax.random.normal(ks[4], (D, H), dtype=jnp.float32) * (1.0 / np.sqrt(D))
    inp["bc1"] = jnp.zeros((H,), dtype=jnp.float32)
    inp["Wc2"] = jax.random.normal(ks[5], (H, 1), dtype=jnp.float32) * (1.0 / np.sqrt(H))
    inp["bc2"] = jnp.zeros((1,), dtype=jnp.float32)
    return inp


def _gcn_conv(x, src, dst, norm, W, b):
    # PyG GCNConv (eval): h = x @ W; aggregate norm-weighted messages by dst; add bias
    h = x @ W
    msg = h[src] * norm[:, None]
    agg = jnp.zeros((N, W.shape[1]), dtype=x.dtype).at[dst].add(msg)
    return agg + b


def _forward(node_features, edge_index, post_mask, W1, b1, W2, b2, Wc1, bc1, Wc2, bc2):
    ar = jnp.arange(N, dtype=edge_index.dtype)
    snapshot_embeddings = []
    for s in range(S):
        # add self-loops and compute symmetric normalization (PyG gcn_norm)
        src = jnp.concatenate([edge_index[s, 0], ar])
        dst = jnp.concatenate([edge_index[s, 1], ar])
        deg = jnp.zeros((N,), dtype=jnp.float32).at[dst].add(1.0)
        dis = jnp.where(deg > 0, jax.lax.rsqrt(jnp.maximum(deg, 1e-12)), 0.0)
        norm = dis[src] * dis[dst]
        # layer 0: conv -> relu (dropout is identity in eval) -> skip
        x = node_features
        x_new = _gcn_conv(x, src, dst, norm, W1, b1)
        x_new = jax.nn.relu(x_new)
        x = x_new + x  # skip_connections, dims match (128 == 128)
        # layer 1 (last): conv -> skip (no relu on last layer)
        x_new = _gcn_conv(x, src, dst, norm, W2, b2)
        x = x_new + x
        snapshot_embeddings.append(x)
    stacked = jnp.stack(snapshot_embeddings)
    aggregated = jnp.mean(stacked, axis=0)  # snapshot_aggregation='mean'
    post = jnp.where(post_mask[:, None], aggregated, 0.0)
    h = jax.nn.relu(post @ Wc1 + bc1)
    logits = (h @ Wc2 + bc2).squeeze(-1)
    return jax.nn.sigmoid(logits)


def reference(node_features, edge_index, post_mask, W1, b1, W2, b2, Wc1, bc1, Wc2, bc2):
    return _forward(node_features, edge_index, post_mask, W1, b1, W2, b2, Wc1, bc1, Wc2, bc2)

if __name__ == "__main__":
    import jax
    _d = setup_inputs()
    print(jax.jit(kernel)(*tuple(_d.values())))

</pallas_src>

<mosaic_0001>
#map = affine_map<(d0, d1) -> (0, 0)>
module attributes {stable_mosaic.version = 14 : i64} {
  func.func @_sc_agg(%arg0: i32, %arg1: i32, %arg2: memref<20480x80xi32, #tpu.memory_space<hbm>>, %arg3: memref<20480x80xi32, #tpu.memory_space<hbm>>, %arg4: memref<50000x128xf32, #tpu.memory_space<hbm>>, %arg5: memref<640x128xf32, #tpu.memory_space<hbm>>, %arg6: memref<102400x128xf32, #tpu.memory_space<hbm>>, %arg7: memref<10240x128xf32, #tpu.memory_space<vmem_shared>>, %arg8: memref<128x80xi32, #tpu.memory_space<vmem>>, %arg9: memref<128x80xi32, #tpu.memory_space<vmem>>, %arg10: memref<80x128xf32, #tpu.memory_space<vmem>>, %arg11: memref<!tpu.dma_semaphore, #tpu.memory_space<semaphore_mem>>) attributes {dimension_semantics = [#tpu.dimension_semantics<core_parallel>, #tpu.dimension_semantics<subcore_parallel>], iteration_bounds = array<i64: 2, 16>, scalar_prefetch = 0 : i64, scratch_operands = 5 : i64, tpu.core_type = #tpu.core_type<sc_vector_subcore>, window_params = [{transform_indices = #map}, {transform_indices = #map}, {transform_indices = #map}, {transform_indices = #map}, {transform_indices = #map}]} {
    %mul3A = arith.constant 2 : i32
    %mul3A_0 = arith.muli %arg1, %mul3A : i32
    %add3A = arith.addi %mul3A_0, %arg0 : i32
    %mul3A_1 = arith.constant 640 : i32
    %mul3A_2 = arith.muli %arg1, %mul3A_1 : i32
    "tpu.region"() ({
      %run_scoped3A = tpu.sem_alloc : memref<!tpu.dma_semaphore, #tpu.memory_space<semaphore_mem>>
      %dma_start3A = arith.constant 0 : i32
      %dma_start3A_124 = tpu.memref_slice %arg7[%mul3A_2, %dma_start3A] : memref<10240x128xf32, #tpu.memory_space<vmem_shared>> -> memref<640x128xf32, #tpu.memory_space<vmem_shared>>
      tpu.enqueue_dma source(%arg5 : memref<640x128xf32, #tpu.memory_space<hbm>>) target(%dma_start3A_124 : memref<640x128xf32, #tpu.memory_space<vmem_shared>>) target_semaphore(%run_scoped3A : memref<!tpu.dma_semaphore, #tpu.memory_space<semaphore_mem>>)
      %dma_wait3A = arith.constant 0 : i32
      %dma_wait3A_125 = tpu.memref_slice %arg7[%mul3A_2, %dma_wait3A] : memref<10240x128xf32, #tpu.memory_space<vmem_shared>> -> memref<640x128xf32, #tpu.memory_space<vmem_shared>>
      tpu.wait_dma2 semaphore(%run_scoped3A : memref<!tpu.dma_semaphore, #tpu.memory_space<semaphore_mem>>) src(%arg5 : memref<640x128xf32, #tpu.memory_space<hbm>>) dst(%dma_wait3A_125 : memref<640x128xf32, #tpu.memory_space<vmem_shared>>)
      tpu.yield
    }) : () -> ()
    %add3A_3 = arith.constant 0 : i32
    %add3A_4 = arith.addi %add3A_3, %add3A : i32
    %mul3A_5 = arith.constant 128 : i32
    %mul3A_6 = arith.muli %add3A_4, %mul3A_5 : i32
    "tpu.region"() ({
      %run_scoped3A = tpu.sem_alloc : memref<!tpu.dma_semaphore, #tpu.memory_space<semaphore_mem>>
      %dma_start3A = arith.constant 0 : i32
      %dma_start3A_124 = tpu.memref_slice %arg2[%mul3A_6, %dma_start3A] : memref<20480x80xi32, #tpu.memory_space<hbm>> -> memref<128x80xi32, #tpu.memory_space<hbm>>
      %dma_start3A_125 = arith.constant 0 : i32
      %dma_start3A_126 = tpu.memref_slice %arg2[%mul3A_6, %dma_start3A_125] : memref<20480x80xi32, #tpu.memory_space<hbm>> -> memref<128x80xi32, #tpu.memory_space<hbm>>
      tpu.enqueue_dma source(%dma_start3A_126 : memref<128x80xi32, #tpu.memory_space<hbm>>) target(%arg8 : memref<128x80xi32, #tpu.memory_space<vmem>>) target_semaphore(%run_scoped3A : memref<!tpu.dma_semaphore, #tpu.memory_space<semaphore_mem>>)
      %dma_wait3A = arith.constant 0 : i32
      %dma_wait3A_127 = tpu.memref_slice %arg2[%mul3A_6, %dma_wait3A] : memref<20480x80xi32, #tpu.memory_space<hbm>> -> memref<128x80xi32, #tpu.memory_space<hbm>>
      %dma_wait3A_128 = arith.constant 0 : i32
      %dma_wait3A_129 = tpu.memref_slice %arg2[%mul3A_6, %dma_wait3A_128] : memref<20480x80xi32, #tpu.memory_space<hbm>> -> memref<128x80xi32, #tpu.memory_space<hbm>>
      tpu.wait_dma2 semaphore(%run_scoped3A : memref<!tpu.dma_semaphore, #tpu.memory_space<semaphore_mem>>) src(%dma_wait3A_129 : memref<128x80xi32, #tpu.memory_space<hbm>>) dst(%arg8 : memref<128x80xi32, #tpu.memory_space<vmem>>)
      tpu.yield
    }) : () -> ()
    "tpu.region"() ({
      %run_scoped3A = tpu.sem_alloc : memref<!tpu.dma_semaphore, #tpu.memory_space<semaphore_mem>>
      %dma_start3A = arith.constant 0 : i32
      %dma_start3A_124 = tpu.memref_slice %arg3[%mul3A_6, %dma_start3A] : memref<20480x80xi32, #tpu.memory_space<hbm>> -> memref<128x80xi32, #tpu.memory_space<hbm>>
      %dma_start3A_125 = arith.constant 0 : i32
      %dma_start3A_126 = tpu.memref_slice %arg3[%mul3A_6, %dma_start3A_125] : memref<20480x80xi32, #tpu.memory_space<hbm>> -> memref<128x80xi32, #tpu.memory_space<hbm>>
      tpu.enqueue_dma source(%dma_start3A_126 : memref<128x80xi32, #tpu.memory_space<hbm>>) target(%arg9 : memref<128x80xi32, #tpu.memory_space<vmem>>) target_semaphore(%run_scoped3A : memref<!tpu.dma_semaphore, #tpu.memory_space<semaphore_mem>>)
      %dma_wait3A = arith.constant 0 : i32
      %dma_wait3A_127 = tpu.memref_slice %arg3[%mul3A_6, %dma_wait3A] : memref<20480x80xi32, #tpu.memory_space<hbm>> -> memref<128x80xi32, #tpu.memory_space<hbm>>
      %dma_wait3A_128 = arith.constant 0 : i32
      %dma_wait3A_129 = tpu.memref_slice %arg3[%mul3A_6, %dma_wait3A_128] : memref<20480x80xi32, #tpu.memory_space<hbm>> -> memref<128x80xi32, #tpu.memory_space<hbm>>
      tpu.wait_dma2 semaphore(%run_scoped3A : memref<!tpu.dma_semaphore, #tpu.memory_space<semaphore_mem>>) src(%dma_wait3A_129 : memref<128x80xi32, #tpu.memory_space<hbm>>) dst(%arg9 : memref<128x80xi32, #tpu.memory_space<vmem>>)
      tpu.yield
    }) : () -> ()
    %barrier3A = arith.constant 0 : index
    tpu.barrier barrier_id(%barrier3A)
    %scan3A = arith.constant 0 : i32
    %scan3A_7 = arith.constant 0 : i32
    %scan3A_8 = arith.constant 125 : i32
    %scan3A_9 = arith.addi %scan3A_7, %scan3A_8 : i32
    %scan3A_10 = arith.constant 1 : i32
    scf.for %scan3A_124 = %scan3A_7 to %scan3A_9 step %scan3A_10  : i32 {
      %dma_start3A = arith.constant 0 : i32
      %dma_start3A_125 = tpu.memref_slice %arg8[%scan3A_124, %dma_start3A] : memref<128x80xi32, #tpu.memory_space<vmem>> -> memref<1x80xi32, #tpu.memory_space<vmem>>
      %dma_start3A_126 = tpu.memref_squeeze %dma_start3A_125 : memref<1x80xi32, #tpu.memory_space<vmem>> -> memref<80xi32, #tpu.memory_space<vmem>>
      %dma_start3A_127 = arith.constant 0 : i32
      %dma_start3A_128 = arith.constant 0 : i32
      %dma_start3A_129 = tpu.memref_slice %arg4[%dma_start3A_127, %dma_start3A_128] : memref<50000x128xf32, #tpu.memory_space<hbm>> -> memref<50000x128xf32, #tpu.memory_space<hbm>>
      tpu.enqueue_indirect_dma source(%dma_start3A_129 : memref<50000x128xf32, #tpu.memory_space<hbm>>) target(%arg10 : memref<80x128xf32, #tpu.memory_space<vmem>>) offsets(%dma_start3A_126 : memref<80xi32, #tpu.memory_space<vmem>>) semaphore(%arg11 : memref<!tpu.dma_semaphore, #tpu.memory_space<semaphore_mem>>)
      %dma_wait3A = arith.constant 0 : i32
      %dma_wait3A_130 = tpu.memref_slice %arg8[%scan3A_124, %dma_wait3A] : memref<128x80xi32, #tpu.memory_space<vmem>> -> memref<1x80xi32, #tpu.memory_space<vmem>>
      %dma_wait3A_131 = tpu.memref_squeeze %dma_wait3A_130 : memref<1x80xi32, #tpu.memory_space<vmem>> -> memref<80xi32, #tpu.memory_space<vmem>>
      %dma_wait3A_132 = arith.constant 0 : i32
      %dma_wait3A_133 = arith.constant 0 : i32
      %dma_wait3A_134 = tpu.memref_slice %arg4[%dma_wait3A_132, %dma_wait3A_133] : memref<50000x128xf32, #tpu.memory_space<hbm>> -> memref<50000x128xf32, #tpu.memory_space<hbm>>
      tpu.wait_indirect_dma semaphore(%arg11 : memref<!tpu.dma_semaphore, #tpu.memory_space<semaphore_mem>>) src(%dma_wait3A_134 : memref<50000x128xf32, #tpu.memory_space<hbm>>) dst(%arg10 : memref<80x128xf32, #tpu.memory_space<vmem>>)
      "tpu.region"() ({
        %run_scoped3A = tpu.sem_alloc : memref<!tpu.dma_semaphore, #tpu.memory_space<semaphore_mem>>
        %dma_start3A_135 = arith.constant 0 : i32
        %dma_start3A_136 = tpu.memref_slice %arg9[%scan3A_124, %dma_start3A_135] : memref<128x80xi32, #tpu.memory_space<vmem>> -> memref<1x80xi32, #tpu.memory_space<vmem>>
        %dma_start3A_137 = tpu.memref_squeeze %dma_start3A_136 : memref<1x80xi32, #tpu.memory_space<vmem>> -> memref<80xi32, #tpu.memory_space<vmem>>
        %dma_start3A_138 = arith.constant 0 : i32
        %dma_start3A_139 = arith.constant 0 : i32
        %dma_start3A_140 = tpu.memref_slice %arg7[%dma_start3A_138, %dma_start3A_139] : memref<10240x128xf32, #tpu.memory_space<vmem_shared>> -> memref<10240x128xf32, #tpu.memory_space<vmem_shared>>
        tpu.enqueue_indirect_dma source(%arg10 : memref<80x128xf32, #tpu.memory_space<vmem>>) target(%dma_start3A_140 : memref<10240x128xf32, #tpu.memory_space<vmem_shared>>) offsets(%dma_start3A_137 : memref<80xi32, #tpu.memory_space<vmem>>) semaphore(%run_scoped3A : memref<!tpu.dma_semaphore, #tpu.memory_space<semaphore_mem>>) {add = true}
        %dma_wait3A_141 = arith.constant 0 : i32
        %dma_wait3A_142 = tpu.memref_slice %arg9[%scan3A_124, %dma_wait3A_141] : memref<128x80xi32, #tpu.memory_space<vmem>> -> memref<1x80xi32, #tpu.memory_space<vmem>>
        %dma_wait3A_143 = tpu.memref_squeeze %dma_wait3A_142 : memref<1x80xi32, #tpu.memory_space<vmem>> -> memref<80xi32, #tpu.memory_space<vmem>>
        %dma_wait3A_144 = arith.constant 0 : i32
        %dma_wait3A_145 = arith.constant 0 : i32
        %dma_wait3A_146 = tpu.memref_slice %arg7[%dma_wait3A_144, %dma_wait3A_145] : memref<10240x128xf32, #tpu.memory_space<vmem_shared>> -> memref<10240x128xf32, #tpu.memory_space<vmem_shared>>
        tpu.wait_indirect_dma semaphore(%run_scoped3A : memref<!tpu.dma_semaphore, #tpu.memory_space<semaphore_mem>>) src(%arg10 : memref<80x128xf32, #tpu.memory_space<vmem>>) dst(%dma_wait3A_146 : memref<10240x128xf32, #tpu.memory_space<vmem_shared>>)
        tpu.yield
      }) : () -> ()
    }
    %scan3A_11 = arith.constant 125 : i32
    %barrier3A_12 = arith.constant 0 : index
    tpu.barrier barrier_id(%barrier3A_12)
    %mul3A_13 = arith.constant 640 : i32
    %mul3A_14 = arith.muli %arg1, %mul3A_13 : i32
    %mul3A_15 = arith.constant 5 : i32
    %mul3A_16 = arith.muli %arg0, %mul3A_15 : i32
    %add3A_17 = arith.constant 0 : i32
    %add3A_18 = arith.addi %mul3A_16, %add3A_17 : i32
    %mul3A_19 = arith.constant 10240 : i32
    %mul3A_20 = arith.muli %add3A_18, %mul3A_19 : i32
    %mul3A_21 = arith.constant 640 : i32
    %mul3A_22 = arith.muli %arg1, %mul3A_21 : i32
    %add3A_23 = arith.addi %mul3A_20, %mul3A_22 : i32
    "tpu.region"() ({
      %run_scoped3A = tpu.sem_alloc : memref<!tpu.dma_semaphore, #tpu.memory_space<semaphore_mem>>
      %dma_start3A = arith.constant 0 : i32
      %dma_start3A_124 = tpu.memref_slice %arg6[%add3A_23, %dma_start3A] : memref<102400x128xf32, #tpu.memory_space<hbm>> -> memref<640x128xf32, #tpu.memory_space<hbm>>
      %dma_start3A_125 = arith.constant 0 : i32
      %dma_start3A_126 = tpu.memref_slice %arg7[%mul3A_14, %dma_start3A_125] : memref<10240x128xf32, #tpu.memory_space<vmem_shared>> -> memref<640x128xf32, #tpu.memory_space<vmem_shared>>
      tpu.enqueue_dma source(%dma_start3A_126 : memref<640x128xf32, #tpu.memory_space<vmem_shared>>) target(%dma_start3A_124 : memref<640x128xf32, #tpu.memory_space<hbm>>) target_semaphore(%run_scoped3A : memref<!tpu.dma_semaphore, #tpu.memory_space<semaphore_mem>>)
      %dma_wait3A = arith.constant 0 : i32
      %dma_wait3A_127 = tpu.memref_slice %arg6[%add3A_23, %dma_wait3A] : memref<102400x128xf32, #tpu.memory_space<hbm>> -> memref<640x128xf32, #tpu.memory_space<hbm>>
      %dma_wait3A_128 = arith.constant 0 : i32
      %dma_wait3A_129 = tpu.memref_slice %arg7[%mul3A_14, %dma_wait3A_128] : memref<10240x128xf32, #tpu.memory_space<vmem_shared>> -> memref<640x128xf32, #tpu.memory_space<vmem_shared>>
      tpu.wait_dma2 semaphore(%run_scoped3A : memref<!tpu.dma_semaphore, #tpu.memory_space<semaphore_mem>>) src(%dma_wait3A_129 : memref<640x128xf32, #tpu.memory_space<vmem_shared>>) dst(%dma_wait3A_127 : memref<640x128xf32, #tpu.memory_space<hbm>>)
      tpu.yield
    }) : () -> ()
    %mul3A_24 = arith.constant 640 : i32
    %mul3A_25 = arith.muli %arg1, %mul3A_24 : i32
    "tpu.region"() ({
      %run_scoped3A = tpu.sem_alloc : memref<!tpu.dma_semaphore, #tpu.memory_space<semaphore_mem>>
      %dma_start3A = arith.constant 0 : i32
      %dma_start3A_124 = tpu.memref_slice %arg7[%mul3A_25, %dma_start3A] : memref<10240x128xf32, #tpu.memory_space<vmem_shared>> -> memref<640x128xf32, #tpu.memory_space<vmem_shared>>
      tpu.enqueue_dma source(%arg5 : memref<640x128xf32, #tpu.memory_space<hbm>>) target(%dma_start3A_124 : memref<640x128xf32, #tpu.memory_space<vmem_shared>>) target_semaphore(%run_scoped3A : memref<!tpu.dma_semaphore, #tpu.memory_space<semaphore_mem>>)
      %dma_wait3A = arith.constant 0 : i32
      %dma_wait3A_125 = tpu.memref_slice %arg7[%mul3A_25, %dma_wait3A] : memref<10240x128xf32, #tpu.memory_space<vmem_shared>> -> memref<640x128xf32, #tpu.memory_space<vmem_shared>>
      tpu.wait_dma2 semaphore(%run_scoped3A : memref<!tpu.dma_semaphore, #tpu.memory_space<semaphore_mem>>) src(%arg5 : memref<640x128xf32, #tpu.memory_space<hbm>>) dst(%dma_wait3A_125 : memref<640x128xf32, #tpu.memory_space<vmem_shared>>)
      tpu.yield
    }) : () -> ()
    %add3A_26 = arith.constant 32 : i32
    %add3A_27 = arith.addi %add3A_26, %add3A : i32
    %mul3A_28 = arith.constant 128 : i32
    %mul3A_29 = arith.muli %add3A_27, %mul3A_28 : i32
    "tpu.region"() ({
      %run_scoped3A = tpu.sem_alloc : memref<!tpu.dma_semaphore, #tpu.memory_space<semaphore_mem>>
      %dma_start3A = arith.constant 0 : i32
      %dma_start3A_124 = tpu.memref_slice %arg2[%mul3A_29, %dma_start3A] : memref<20480x80xi32, #tpu.memory_space<hbm>> -> memref<128x80xi32, #tpu.memory_space<hbm>>
      %dma_start3A_125 = arith.constant 0 : i32
      %dma_start3A_126 = tpu.memref_slice %arg2[%mul3A_29, %dma_start3A_125] : memref<20480x80xi32, #tpu.memory_space<hbm>> -> memref<128x80xi32, #tpu.memory_space<hbm>>
      tpu.enqueue_dma source(%dma_start3A_126 : memref<128x80xi32, #tpu.memory_space<hbm>>) target(%arg8 : memref<128x80xi32, #tpu.memory_space<vmem>>) target_semaphore(%run_scoped3A : memref<!tpu.dma_semaphore, #tpu.memory_space<semaphore_mem>>)
      %dma_wait3A = arith.constant 0 : i32
      %dma_wait3A_127 = tpu.memref_slice %arg2[%mul3A_29, %dma_wait3A] : memref<20480x80xi32, #tpu.memory_space<hbm>> -> memref<128x80xi32, #tpu.memory_space<hbm>>
      %dma_wait3A_128 = arith.constant 0 : i32
      %dma_wait3A_129 = tpu.memref_slice %arg2[%mul3A_29, %dma_wait3A_128] : memref<20480x80xi32, #tpu.memory_space<hbm>> -> memref<128x80xi32, #tpu.memory_space<hbm>>
      tpu.wait_dma2 semaphore(%run_scoped3A : memref<!tpu.dma_semaphore, #tpu.memory_space<semaphore_mem>>) src(%dma_wait3A_129 : memref<128x80xi32, #tpu.memory_space<hbm>>) dst(%arg8 : memref<128x80xi32, #tpu.memory_space<vmem>>)
      tpu.yield
    }) : () -> ()
    "tpu.region"() ({
      %run_scoped3A = tpu.sem_alloc : memref<!tpu.dma_semaphore, #tpu.memory_space<semaphore_mem>>
      %dma_start3A = arith.constant 0 : i32
      %dma_start3A_124 = tpu.memref_slice %arg3[%mul3A_29, %dma_start3A] : memref<20480x80xi32, #tpu.memory_space<hbm>> -> memref<128x80xi32, #tpu.memory_space<hbm>>
      %dma_start3A_125 = arith.constant 0 : i32
      %dma_start3A_126 = tpu.memref_slice %arg3[%mul3A_29, %dma_start3A_125] : memref<20480x80xi32, #tpu.memory_space<hbm>> -> memref<128x80xi32, #tpu.memory_space<hbm>>
      tpu.enqueue_dma source(%dma_start3A_126 : memref<128x80xi32, #tpu.memory_space<hbm>>) target(%arg9 : memref<128x80xi32, #tpu.memory_space<vmem>>) target_semaphore(%run_scoped3A : memref<!tpu.dma_semaphore, #tpu.memory_space<semaphore_mem>>)
      %dma_wait3A = arith.constant 0 : i32
      %dma_wait3A_127 = tpu.memref_slice %arg3[%mul3A_29, %dma_wait3A] : memref<20480x80xi32, #tpu.memory_space<hbm>> -> memref<128x80xi32, #tpu.memory_space<hbm>>
      %dma_wait3A_128 = arith.constant 0 : i32
      %dma_wait3A_129 = tpu.memref_slice %arg3[%mul3A_29, %dma_wait3A_128] : memref<20480x80xi32, #tpu.memory_space<hbm>> -> memref<128x80xi32, #tpu.memory_space<hbm>>
      tpu.wait_dma2 semaphore(%run_scoped3A : memref<!tpu.dma_semaphore, #tpu.memory_space<semaphore_mem>>) src(%dma_wait3A_129 : memref<128x80xi32, #tpu.memory_space<hbm>>) dst(%arg9 : memref<128x80xi32, #tpu.memory_space<vmem>>)
      tpu.yield
    }) : () -> ()
    %barrier3A_30 = arith.constant 0 : index
    tpu.barrier barrier_id(%barrier3A_30)
    %scan3A_31 = arith.constant 0 : i32
    %scan3A_32 = arith.constant 0 : i32
    %scan3A_33 = arith.constant 125 : i32
    %scan3A_34 = arith.addi %scan3A_32, %scan3A_33 : i32
    %scan3A_35 = arith.constant 1 : i32
    scf.for %scan3A_124 = %scan3A_32 to %scan3A_34 step %scan3A_35  : i32 {
      %dma_start3A = arith.constant 0 : i32
      %dma_start3A_125 = tpu.memref_slice %arg8[%scan3A_124, %dma_start3A] : memref<128x80xi32, #tpu.memory_space<vmem>> -> memref<1x80xi32, #tpu.memory_space<vmem>>
      %dma_start3A_126 = tpu.memref_squeeze %dma_start3A_125 : memref<1x80xi32, #tpu.memory_space<vmem>> -> memref<80xi32, #tpu.memory_space<vmem>>
      %dma_start3A_127 = arith.constant 0 : i32
      %dma_start3A_128 = arith.constant 0 : i32
      %dma_start3A_129 = tpu.memref_slice %arg4[%dma_start3A_127, %dma_start3A_128] : memref<50000x128xf32, #tpu.memory_space<hbm>> -> memref<50000x128xf32, #tpu.memory_space<hbm>>
      tpu.enqueue_indirect_dma source(%dma_start3A_129 : memref<50000x128xf32, #tpu.memory_space<hbm>>) target(%arg10 : memref<80x128xf32, #tpu.memory_space<vmem>>) offsets(%dma_start3A_126 : memref<80xi32, #tpu.memory_space<vmem>>) semaphore(%arg11 : memref<!tpu.dma_semaphore, #tpu.memory_space<semaphore_mem>>)
      %dma_wait3A = arith.constant 0 : i32
      %dma_wait3A_130 = tpu.memref_slice %arg8[%scan3A_124, %dma_wait3A] : memref<128x80xi32, #tpu.memory_space<vmem>> -> memref<1x80xi32, #tpu.memory_space<vmem>>
      %dma_wait3A_131 = tpu.memref_squeeze %dma_wait3A_130 : memref<1x80xi32, #tpu.memory_space<vmem>> -> memref<80xi32, #tpu.memory_space<vmem>>
      %dma_wait3A_132 = arith.constant 0 : i32
      %dma_wait3A_133 = arith.constant 0 : i32
      %dma_wait3A_134 = tpu.memref_slice %arg4[%dma_wait3A_132, %dma_wait3A_133] : memref<50000x128xf32, #tpu.memory_space<hbm>> -> memref<50000x128xf32, #tpu.memory_space<hbm>>
      tpu.wait_indirect_dma semaphore(%arg11 : memref<!tpu.dma_semaphore, #tpu.memory_space<semaphore_mem>>) src(%dma_wait3A_134 : memref<50000x128xf32, #tpu.memory_space<hbm>>) dst(%arg10 : memref<80x128xf32, #tpu.memory_space<vmem>>)
      "tpu.region"() ({
        %run_scoped3A = tpu.sem_alloc : memref<!tpu.dma_semaphore, #tpu.memory_space<semaphore_mem>>
        %dma_start3A_135 = arith.constant 0 : i32
        %dma_start3A_136 = tpu.memref_slice %arg9[%scan3A_124, %dma_start3A_135] : memref<128x80xi32, #tpu.memory_space<vmem>> -> memref<1x80xi32, #tpu.memory_space<vmem>>
        %dma_start3A_137 = tpu.memref_squeeze %dma_start3A_136 : memref<1x80xi32, #tpu.memory_space<vmem>> -> memref<80xi32, #tpu.memory_space<vmem>>
        %dma_start3A_138 = arith.constant 0 : i32
        %dma_start3A_139 = arith.constant 0 : i32
        %dma_start3A_140 = tpu.memref_slice %arg7[%dma_start3A_138, %dma_start3A_139] : memref<10240x128xf32, #tpu.memory_space<vmem_shared>> -> memref<10240x128xf32, #tpu.memory_space<vmem_shared>>
        tpu.enqueue_indirect_dma source(%arg10 : memref<80x128xf32, #tpu.memory_space<vmem>>) target(%dma_start3A_140 : memref<10240x128xf32, #tpu.memory_space<vmem_shared>>) offsets(%dma_start3A_137 : memref<80xi32, #tpu.memory_space<vmem>>) semaphore(%run_scoped3A : memref<!tpu.dma_semaphore, #tpu.memory_space<semaphore_mem>>) {add = true}
        %dma_wait3A_141 = arith.constant 0 : i32
        %dma_wait3A_142 = tpu.memref_slice %arg9[%scan3A_124, %dma_wait3A_141] : memref<128x80xi32, #tpu.memory_space<vmem>> -> memref<1x80xi32, #tpu.memory_space<vmem>>
        %dma_wait3A_143 = tpu.memref_squeeze %dma_wait3A_142 : memref<1x80xi32, #tpu.memory_space<vmem>> -> memref<80xi32, #tpu.memory_space<vmem>>
        %dma_wait3A_144 = arith.constant 0 : i32
        %dma_wait3A_145 = arith.constant 0 : i32
        %dma_wait3A_146 = tpu.memref_slice %arg7[%dma_wait3A_144, %dma_wait3A_145] : memref<10240x128xf32, #tpu.memory_space<vmem_shared>> -> memref<10240x128xf32, #tpu.memory_space<vmem_shared>>
        tpu.wait_indirect_dma semaphore(%run_scoped3A : memref<!tpu.dma_semaphore, #tpu.memory_space<semaphore_mem>>) src(%arg10 : memref<80x128xf32, #tpu.memory_space<vmem>>) dst(%dma_wait3A_146 : memref<10240x128xf32, #tpu.memory_space<vmem_shared>>)
        tpu.yield
      }) : () -> ()
    }
    %scan3A_36 = arith.constant 125 : i32
    %barrier3A_37 = arith.constant 0 : index
    tpu.barrier barrier_id(%barrier3A_37)
    %mul3A_38 = arith.constant 640 : i32
    %mul3A_39 = arith.muli %arg1, %mul3A_38 : i32
    %mul3A_40 = arith.constant 5 : i32
    %mul3A_41 = arith.muli %arg0, %mul3A_40 : i32
    %add3A_42 = arith.constant 1 : i32
    %add3A_43 = arith.addi %mul3A_41, %add3A_42 : i32
    %mul3A_44 = arith.constant 10240 : i32
    %mul3A_45 = arith.muli %add3A_43, %mul3A_44 : i32
    %mul3A_46 = arith.constant 640 : i32
    %mul3A_47 = arith.muli %arg1, %mul3A_46 : i32
    %add3A_48 = arith.addi %mul3A_45, %mul3A_47 : i32
    "tpu.region"() ({
      %run_scoped3A = tpu.sem_alloc : memref<!tpu.dma_semaphore, #tpu.memory_space<semaphore_mem>>
      %dma_start3A = arith.constant 0 : i32
      %dma_start3A_124 = tpu.memref_slice %arg6[%add3A_48, %dma_start3A] : memref<102400x128xf32, #tpu.memory_space<hbm>> -> memref<640x128xf32, #tpu.memory_space<hbm>>
      %dma_start3A_125 = arith.constant 0 : i32
      %dma_start3A_126 = tpu.memref_slice %arg7[%mul3A_39, %dma_start3A_125] : memref<10240x128xf32, #tpu.memory_space<vmem_shared>> -> memref<640x128xf32, #tpu.memory_space<vmem_shared>>
      tpu.enqueue_dma source(%dma_start3A_126 : memref<640x128xf32, #tpu.memory_space<vmem_shared>>) target(%dma_start3A_124 : memref<640x128xf32, #tpu.memory_space<hbm>>) target_semaphore(%run_scoped3A : memref<!tpu.dma_semaphore, #tpu.memory_space<semaphore_mem>>)
      %dma_wait3A = arith.constant 0 : i32
      %dma_wait3A_127 = tpu.memref_slice %arg6[%add3A_48, %dma_wait3A] : memref<102400x128xf32, #tpu.memory_space<hbm>> -> memref<640x128xf32, #tpu.memory_space<hbm>>
      %dma_wait3A_128 = arith.constant 0 : i32
      %dma_wait3A_129 = tpu.memref_slice %arg7[%mul3A_39, %dma_wait3A_128] : memref<10240x128xf32, #tpu.memory_space<vmem_shared>> -> memref<640x128xf32, #tpu.memory_space<vmem_shared>>
      tpu.wait_dma2 semaphore(%run_scoped3A : memref<!tpu.dma_semaphore, #tpu.memory_space<semaphore_mem>>) src(%dma_wait3A_129 : memref<640x128xf32, #tpu.memory_space<vmem_shared>>) dst(%dma_wait3A_127 : memref<640x128xf32, #tpu.memory_space<hbm>>)
      tpu.yield
    }) : () -> ()
    %mul3A_49 = arith.constant 640 : i32
    %mul3A_50 = arith.muli %arg1, %mul3A_49 : i32
    "tpu.region"() ({
      %run_scoped3A = tpu.sem_alloc : memref<!tpu.dma_semaphore, #tpu.memory_space<semaphore_mem>>
      %dma_start3A = arith.constant 0 : i32
      %dma_start3A_124 = tpu.memref_slice %arg7[%mul3A_50, %dma_start3A] : memref<10240x128xf32, #tpu.memory_space<vmem_shared>> -> memref<640x128xf32, #tpu.memory_space<vmem_shared>>
      tpu.enqueue_dma source(%arg5 : memref<640x128xf32, #tpu.memory_space<hbm>>) target(%dma_start3A_124 : memref<640x128xf32, #tpu.memory_space<vmem_shared>>) target_semaphore(%run_scoped3A : memref<!tpu.dma_semaphore, #tpu.memory_space<semaphore_mem>>)
      %dma_wait3A = arith.constant 0 : i32
      %dma_wait3A_125 = tpu.memref_slice %arg7[%mul3A_50, %dma_wait3A] : memref<10240x128xf32, #tpu.memory_space<vmem_shared>> -> memref<640x128xf32, #tpu.memory_space<vmem_shared>>
      tpu.wait_dma2 semaphore(%run_scoped3A : memref<!tpu.dma_semaphore, #tpu.memory_space<semaphore_mem>>) src(%arg5 : memref<640x128xf32, #tpu.memory_space<hbm>>) dst(%dma_wait3A_125 : memref<640x128xf32, #tpu.memory_space<vmem_shared>>)
      tpu.yield
    }) : () -> ()
    %add3A_51 = arith.constant 64 : i32
    %add3A_52 = arith.addi %add3A_51, %add3A : i32
    %mul3A_53 = arith.constant 128 : i32
    %mul3A_54 = arith.muli %add3A_52, %mul3A_53 : i32
    "tpu.region"() ({
      %run_scoped3A = tpu.sem_alloc : memref<!tpu.dma_semaphore, #tpu.memory_space<semaphore_mem>>
      %dma_start3A = arith.constant 0 : i32
      %dma_start3A_124 = tpu.memref_slice %arg2[%mul3A_54, %dma_start3A] : memref<20480x80xi32, #tpu.memory_space<hbm>> -> memref<128x80xi32, #tpu.memory_space<hbm>>
      %dma_start3A_125 = arith.constant 0 : i32
      %dma_start3A_126 = tpu.memref_slice %arg2[%mul3A_54, %dma_start3A_125] : memref<20480x80xi32, #tpu.memory_space<hbm>> -> memref<128x80xi32, #tpu.memory_space<hbm>>
      tpu.enqueue_dma source(%dma_start3A_126 : memref<128x80xi32, #tpu.memory_space<hbm>>) target(%arg8 : memref<128x80xi32, #tpu.memory_space<vmem>>) target_semaphore(%run_scoped3A : memref<!tpu.dma_semaphore, #tpu.memory_space<semaphore_mem>>)
      %dma_wait3A = arith.constant 0 : i32
      %dma_wait3A_127 = tpu.memref_slice %arg2[%mul3A_54, %dma_wait3A] : memref<20480x80xi32, #tpu.memory_space<hbm>> -> memref<128x80xi32, #tpu.memory_space<hbm>>
      %dma_wait3A_128 = arith.constant 0 : i32
      %dma_wait3A_129 = tpu.memref_slice %arg2[%mul3A_54, %dma_wait3A_128] : memref<20480x80xi32, #tpu.memory_space<hbm>> -> memref<128x80xi32, #tpu.memory_space<hbm>>
      tpu.wait_dma2 semaphore(%run_scoped3A : memref<!tpu.dma_semaphore, #tpu.memory_space<semaphore_mem>>) src(%dma_wait3A_129 : memref<128x80xi32, #tpu.memory_space<hbm>>) dst(%arg8 : memref<128x80xi32, #tpu.memory_space<vmem>>)
      tpu.yield
    }) : () -> ()
    "tpu.region"() ({
      %run_scoped3A = tpu.sem_alloc : memref<!tpu.dma_semaphore, #tpu.memory_space<semaphore_mem>>
      %dma_start3A = arith.constant 0 : i32
      %dma_start3A_124 = tpu.memref_slice %arg3[%mul3A_54, %dma_start3A] : memref<20480x80xi32, #tpu.memory_space<hbm>> -> memref<128x80xi32, #tpu.memory_space<hbm>>
      %dma_start3A_125 = arith.constant 0 : i32
      %dma_start3A_126 = tpu.memref_slice %arg3[%mul3A_54, %dma_start3A_125] : memref<20480x80xi32, #tpu.memory_space<hbm>> -> memref<128x80xi32, #tpu.memory_space<hbm>>
      tpu.enqueue_dma source(%dma_start3A_126 : memref<128x80xi32, #tpu.memory_space<hbm>>) target(%arg9 : memref<128x80xi32, #tpu.memory_space<vmem>>) target_semaphore(%run_scoped3A : memref<!tpu.dma_semaphore, #tpu.memory_space<semaphore_mem>>)
      %dma_wait3A = arith.constant 0 : i32
      %dma_wait3A_127 = tpu.memref_slice %arg3[%mul3A_54, %dma_wait3A] : memref<20480x80xi32, #tpu.memory_space<hbm>> -> memref<128x80xi32, #tpu.memory_space<hbm>>
      %dma_wait3A_128 = arith.constant 0 : i32
      %dma_wait3A_129 = tpu.memref_slice %arg3[%mul3A_54, %dma_wait3A_128] : memref<20480x80xi32, #tpu.memory_space<hbm>> -> memref<128x80xi32, #tpu.memory_space<hbm>>
      tpu.wait_dma2 semaphore(%run_scoped3A : memref<!tpu.dma_semaphore, #tpu.memory_space<semaphore_mem>>) src(%dma_wait3A_129 : memref<128x80xi32, #tpu.memory_space<hbm>>) dst(%arg9 : memref<128x80xi32, #tpu.memory_space<vmem>>)
      tpu.yield
    }) : () -> ()
    %barrier3A_55 = arith.constant 0 : index
    tpu.barrier barrier_id(%barrier3A_55)
    %scan3A_56 = arith.constant 0 : i32
    %scan3A_57 = arith.constant 0 : i32
    %scan3A_58 = arith.constant 125 : i32
    %scan3A_59 = arith.addi %scan3A_57, %scan3A_58 : i32
    %scan3A_60 = arith.constant 1 : i32
    scf.for %scan3A_124 = %scan3A_57 to %scan3A_59 step %scan3A_60  : i32 {
      %dma_start3A = arith.constant 0 : i32
      %dma_start3A_125 = tpu.memref_slice %arg8[%scan3A_124, %dma_start3A] : memref<128x80xi32, #tpu.memory_space<vmem>> -> memref<1x80xi32, #tpu.memory_space<vmem>>
      %dma_start3A_126 = tpu.memref_squeeze %dma_start3A_125 : memref<1x80xi32, #tpu.memory_space<vmem>> -> memref<80xi32, #tpu.memory_space<vmem>>
      %dma_start3A_127 = arith.constant 0 : i32
      %dma_start3A_128 = arith.constant 0 : i32
      %dma_start3A_129 = tpu.memref_slice %arg4[%dma_start3A_127, %dma_start3A_128] : memref<50000x128xf32, #tpu.memory_space<hbm>> -> memref<50000x128xf32, #tpu.memory_space<hbm>>
      tpu.enqueue_indirect_dma source(%dma_start3A_129 : memref<50000x128xf32, #tpu.memory_space<hbm>>) target(%arg10 : memref<80x128xf32, #tpu.memory_space<vmem>>) offsets(%dma_start3A_126 : memref<80xi32, #tpu.memory_space<vmem>>) semaphore(%arg11 : memref<!tpu.dma_semaphore, #tpu.memory_space<semaphore_mem>>)
      %dma_wait3A = arith.constant 0 : i32
      %dma_wait3A_130 = tpu.memref_slice %arg8[%scan3A_124, %dma_wait3A] : memref<128x80xi32, #tpu.memory_space<vmem>> -> memref<1x80xi32, #tpu.memory_space<vmem>>
      %dma_wait3A_131 = tpu.memref_squeeze %dma_wait3A_130 : memref<1x80xi32, #tpu.memory_space<vmem>> -> memref<80xi32, #tpu.memory_space<vmem>>
      %dma_wait3A_132 = arith.constant 0 : i32
      %dma_wait3A_133 = arith.constant 0 : i32
      %dma_wait3A_134 = tpu.memref_slice %arg4[%dma_wait3A_132, %dma_wait3A_133] : memref<50000x128xf32, #tpu.memory_space<hbm>> -> memref<50000x128xf32, #tpu.memory_space<hbm>>
      tpu.wait_indirect_dma semaphore(%arg11 : memref<!tpu.dma_semaphore, #tpu.memory_space<semaphore_mem>>) src(%dma_wait3A_134 : memref<50000x128xf32, #tpu.memory_space<hbm>>) dst(%arg10 : memref<80x128xf32, #tpu.memory_space<vmem>>)
      "tpu.region"() ({
        %run_scoped3A = tpu.sem_alloc : memref<!tpu.dma_semaphore, #tpu.memory_space<semaphore_mem>>
        %dma_start3A_135 = arith.constant 0 : i32
        %dma_start3A_136 = tpu.memref_slice %arg9[%scan3A_124, %dma_start3A_135] : memref<128x80xi32, #tpu.memory_space<vmem>> -> memref<1x80xi32, #tpu.memory_space<vmem>>
        %dma_start3A_137 = tpu.memref_squeeze %dma_start3A_136 : memref<1x80xi32, #tpu.memory_space<vmem>> -> memref<80xi32, #tpu.memory_space<vmem>>
        %dma_start3A_138 = arith.constant 0 : i32
        %dma_start3A_139 = arith.constant 0 : i32
        %dma_start3A_140 = tpu.memref_slice %arg7[%dma_start3A_138, %dma_start3A_139] : memref<10240x128xf32, #tpu.memory_space<vmem_shared>> -> memref<10240x128xf32, #tpu.memory_space<vmem_shared>>
        tpu.enqueue_indirect_dma source(%arg10 : memref<80x128xf32, #tpu.memory_space<vmem>>) target(%dma_start3A_140 : memref<10240x128xf32, #tpu.memory_space<vmem_shared>>) offsets(%dma_start3A_137 : memref<80xi32, #tpu.memory_space<vmem>>) semaphore(%run_scoped3A : memref<!tpu.dma_semaphore, #tpu.memory_space<semaphore_mem>>) {add = true}
        %dma_wait3A_141 = arith.constant 0 : i32
        %dma_wait3A_142 = tpu.memref_slice %arg9[%scan3A_124, %dma_wait3A_141] : memref<128x80xi32, #tpu.memory_space<vmem>> -> memref<1x80xi32, #tpu.memory_space<vmem>>
        %dma_wait3A_143 = tpu.memref_squeeze %dma_wait3A_142 : memref<1x80xi32, #tpu.memory_space<vmem>> -> memref<80xi32, #tpu.memory_space<vmem>>
        %dma_wait3A_144 = arith.constant 0 : i32
        %dma_wait3A_145 = arith.constant 0 : i32
        %dma_wait3A_146 = tpu.memref_slice %arg7[%dma_wait3A_144, %dma_wait3A_145] : memref<10240x128xf32, #tpu.memory_space<vmem_shared>> -> memref<10240x128xf32, #tpu.memory_space<vmem_shared>>
        tpu.wait_indirect_dma semaphore(%run_scoped3A : memref<!tpu.dma_semaphore, #tpu.memory_space<semaphore_mem>>) src(%arg10 : memref<80x128xf32, #tpu.memory_space<vmem>>) dst(%dma_wait3A_146 : memref<10240x128xf32, #tpu.memory_space<vmem_shared>>)
        tpu.yield
      }) : () -> ()
    }
    %scan3A_61 = arith.constant 125 : i32
    %barrier3A_62 = arith.constant 0 : index
    tpu.barrier barrier_id(%barrier3A_62)
    %mul3A_63 = arith.constant 640 : i32
    %mul3A_64 = arith.muli %arg1, %mul3A_63 : i32
    %mul3A_65 = arith.constant 5 : i32
    %mul3A_66 = arith.muli %arg0, %mul3A_65 : i32
    %add3A_67 = arith.constant 2 : i32
    %add3A_68 = arith.addi %mul3A_66, %add3A_67 : i32
    %mul3A_69 = arith.constant 10240 : i32
    %mul3A_70 = arith.muli %add3A_68, %mul3A_69 : i32
    %mul3A_71 = arith.constant 640 : i32
    %mul3A_72 = arith.muli %arg1, %mul3A_71 : i32
    %add3A_73 = arith.addi %mul3A_70, %mul3A_72 : i32
    "tpu.region"() ({
      %run_scoped3A = tpu.sem_alloc : memref<!tpu.dma_semaphore, #tpu.memory_space<semaphore_mem>>
      %dma_start3A = arith.constant 0 : i32
      %dma_start3A_124 = tpu.memref_slice %arg6[%add3A_73, %dma_start3A] : memref<102400x128xf32, #tpu.memory_space<hbm>> -> memref<640x128xf32, #tpu.memory_space<hbm>>
      %dma_start3A_125 = arith.constant 0 : i32
      %dma_start3A_126 = tpu.memref_slice %arg7[%mul3A_64, %dma_start3A_125] : memref<10240x128xf32, #tpu.memory_space<vmem_shared>> -> memref<640x128xf32, #tpu.memory_space<vmem_shared>>
      tpu.enqueue_dma source(%dma_start3A_126 : memref<640x128xf32, #tpu.memory_space<vmem_shared>>) target(%dma_start3A_124 : memref<640x128xf32, #tpu.memory_space<hbm>>) target_semaphore(%run_scoped3A : memref<!tpu.dma_semaphore, #tpu.memory_space<semaphore_mem>>)
      %dma_wait3A = arith.constant 0 : i32
      %dma_wait3A_127 = tpu.memref_slice %arg6[%add3A_73, %dma_wait3A] : memref<102400x128xf32, #tpu.memory_space<hbm>> -> memref<640x128xf32, #tpu.memory_space<hbm>>
      %dma_wait3A_128 = arith.constant 0 : i32
      %dma_wait3A_129 = tpu.memref_slice %arg7[%mul3A_64, %dma_wait3A_128] : memref<10240x128xf32, #tpu.memory_space<vmem_shared>> -> memref<640x128xf32, #tpu.memory_space<vmem_shared>>
      tpu.wait_dma2 semaphore(%run_scoped3A : memref<!tpu.dma_semaphore, #tpu.memory_space<semaphore_mem>>) src(%dma_wait3A_129 : memref<640x128xf32, #tpu.memory_space<vmem_shared>>) dst(%dma_wait3A_127 : memref<640x128xf32, #tpu.memory_space<hbm>>)
      tpu.yield
    }) : () -> ()
    %mul3A_74 = arith.constant 640 : i32
    %mul3A_75 = arith.muli %arg1, %mul3A_74 : i32
    "tpu.region"() ({
      %run_scoped3A = tpu.sem_alloc : memref<!tpu.dma_semaphore, #tpu.memory_space<semaphore_mem>>
      %dma_start3A = arith.constant 0 : i32
      %dma_start3A_124 = tpu.memref_slice %arg7[%mul3A_75, %dma_start3A] : memref<10240x128xf32, #tpu.memory_space<vmem_shared>> -> memref<640x128xf32, #tpu.memory_space<vmem_shared>>
      tpu.enqueue_dma source(%arg5 : memref<640x128xf32, #tpu.memory_space<hbm>>) target(%dma_start3A_124 : memref<640x128xf32, #tpu.memory_space<vmem_shared>>) target_semaphore(%run_scoped3A : memref<!tpu.dma_semaphore, #tpu.memory_space<semaphore_mem>>)
      %dma_wait3A = arith.constant 0 : i32
      %dma_wait3A_125 = tpu.memref_slice %arg7[%mul3A_75, %dma_wait3A] : memref<10240x128xf32, #tpu.memory_space<vmem_shared>> -> memref<640x128xf32, #tpu.memory_space<vmem_shared>>
      tpu.wait_dma2 semaphore(%run_scoped3A : memref<!tpu.dma_semaphore, #tpu.memory_space<semaphore_mem>>) src(%arg5 : memref<640x128xf32, #tpu.memory_space<hbm>>) dst(%dma_wait3A_125 : memref<640x128xf32, #tpu.memory_space<vmem_shared>>)
      tpu.yield
    }) : () -> ()
    %add3A_76 = arith.constant 96 : i32
    %add3A_77 = arith.addi %add3A_76, %add3A : i32
    %mul3A_78 = arith.constant 128 : i32
    %mul3A_79 = arith.muli %add3A_77, %mul3A_78 : i32
    "tpu.region"() ({
      %run_scoped3A = tpu.sem_alloc : memref<!tpu.dma_semaphore, #tpu.memory_space<semaphore_mem>>
      %dma_start3A = arith.constant 0 : i32
      %dma_start3A_124 = tpu.memref_slice %arg2[%mul3A_79, %dma_start3A] : memref<20480x80xi32, #tpu.memory_space<hbm>> -> memref<128x80xi32, #tpu.memory_space<hbm>>
      %dma_start3A_125 = arith.constant 0 : i32
      %dma_start3A_126 = tpu.memref_slice %arg2[%mul3A_79, %dma_start3A_125] : memref<20480x80xi32, #tpu.memory_space<hbm>> -> memref<128x80xi32, #tpu.memory_space<hbm>>
      tpu.enqueue_dma source(%dma_start3A_126 : memref<128x80xi32, #tpu.memory_space<hbm>>) target(%arg8 : memref<128x80xi32, #tpu.memory_space<vmem>>) target_semaphore(%run_scoped3A : memref<!tpu.dma_semaphore, #tpu.memory_space<semaphore_mem>>)
      %dma_wait3A = arith.constant 0 : i32
      %dma_wait3A_127 = tpu.memref_slice %arg2[%mul3A_79, %dma_wait3A] : memref<20480x80xi32, #tpu.memory_space<hbm>> -> memref<128x80xi32, #tpu.memory_space<hbm>>
      %dma_wait3A_128 = arith.constant 0 : i32
      %dma_wait3A_129 = tpu.memref_slice %arg2[%mul3A_79, %dma_wait3A_128] : memref<20480x80xi32, #tpu.memory_space<hbm>> -> memref<128x80xi32, #tpu.memory_space<hbm>>
      tpu.wait_dma2 semaphore(%run_scoped3A : memref<!tpu.dma_semaphore, #tpu.memory_space<semaphore_mem>>) src(%dma_wait3A_129 : memref<128x80xi32, #tpu.memory_space<hbm>>) dst(%arg8 : memref<128x80xi32, #tpu.memory_space<vmem>>)
      tpu.yield
    }) : () -> ()
    "tpu.region"() ({
      %run_scoped3A = tpu.sem_alloc : memref<!tpu.dma_semaphore, #tpu.memory_space<semaphore_mem>>
      %dma_start3A = arith.constant 0 : i32
      %dma_start3A_124 = tpu.memref_slice %arg3[%mul3A_79, %dma_start3A] : memref<20480x80xi32, #tpu.memory_space<hbm>> -> memref<128x80xi32, #tpu.memory_space<hbm>>
      %dma_start3A_125 = arith.constant 0 : i32
      %dma_start3A_126 = tpu.memref_slice %arg3[%mul3A_79, %dma_start3A_125] : memref<20480x80xi32, #tpu.memory_space<hbm>> -> memref<128x80xi32, #tpu.memory_space<hbm>>
      tpu.enqueue_dma source(%dma_start3A_126 : memref<128x80xi32, #tpu.memory_space<hbm>>) target(%arg9 : memref<128x80xi32, #tpu.memory_space<vmem>>) target_semaphore(%run_scoped3A : memref<!tpu.dma_semaphore, #tpu.memory_space<semaphore_mem>>)
      %dma_wait3A = arith.constant 0 : i32
      %dma_wait3A_127 = tpu.memref_slice %arg3[%mul3A_79, %dma_wait3A] : memref<20480x80xi32, #tpu.memory_space<hbm>> -> memref<128x80xi32, #tpu.memory_space<hbm>>
      %dma_wait3A_128 = arith.constant 0 : i32
      %dma_wait3A_129 = tpu.memref_slice %arg3[%mul3A_79, %dma_wait3A_128] : memref<20480x80xi32, #tpu.memory_space<hbm>> -> memref<128x80xi32, #tpu.memory_space<hbm>>
      tpu.wait_dma2 semaphore(%run_scoped3A : memref<!tpu.dma_semaphore, #tpu.memory_space<semaphore_mem>>) src(%dma_wait3A_129 : memref<128x80xi32, #tpu.memory_space<hbm>>) dst(%arg9 : memref<128x80xi32, #tpu.memory_space<vmem>>)
      tpu.yield
    }) : () -> ()
    %barrier3A_80 = arith.constant 0 : index
    tpu.barrier barrier_id(%barrier3A_80)
    %scan3A_81 = arith.constant 0 : i32
    %scan3A_82 = arith.constant 0 : i32
    %scan3A_83 = arith.constant 125 : i32
    %scan3A_84 = arith.addi %scan3A_82, %scan3A_83 : i32
    %scan3A_85 = arith.constant 1 : i32
    scf.for %scan3A_124 = %scan3A_82 to %scan3A_84 step %scan3A_85  : i32 {
      %dma_start3A = arith.constant 0 : i32
      %dma_start3A_125 = tpu.memref_slice %arg8[%scan3A_124, %dma_start3A] : memref<128x80xi32, #tpu.memory_space<vmem>> -> memref<1x80xi32, #tpu.memory_space<vmem>>
      %dma_start3A_126 = tpu.memref_squeeze %dma_start3A_125 : memref<1x80xi32, #tpu.memory_space<vmem>> -> memref<80xi32, #tpu.memory_space<vmem>>
      %dma_start3A_127 = arith.constant 0 : i32
      %dma_start3A_128 = arith.constant 0 : i32
      %dma_start3A_129 = tpu.memref_slice %arg4[%dma_start3A_127, %dma_start3A_128] : memref<50000x128xf32, #tpu.memory_space<hbm>> -> memref<50000x128xf32, #tpu.memory_space<hbm>>
      tpu.enqueue_indirect_dma source(%dma_start3A_129 : memref<50000x128xf32, #tpu.memory_space<hbm>>) target(%arg10 : memref<80x128xf32, #tpu.memory_space<vmem>>) offsets(%dma_start3A_126 : memref<80xi32, #tpu.memory_space<vmem>>) semaphore(%arg11 : memref<!tpu.dma_semaphore, #tpu.memory_space<semaphore_mem>>)
      %dma_wait3A = arith.constant 0 : i32
      %dma_wait3A_130 = tpu.memref_slice %arg8[%scan3A_124, %dma_wait3A] : memref<128x80xi32, #tpu.memory_space<vmem>> -> memref<1x80xi32, #tpu.memory_space<vmem>>
      %dma_wait3A_131 = tpu.memref_squeeze %dma_wait3A_130 : memref<1x80xi32, #tpu.memory_space<vmem>> -> memref<80xi32, #tpu.memory_space<vmem>>
      %dma_wait3A_132 = arith.constant 0 : i32
      %dma_wait3A_133 = arith.constant 0 : i32
      %dma_wait3A_134 = tpu.memref_slice %arg4[%dma_wait3A_132, %dma_wait3A_133] : memref<50000x128xf32, #tpu.memory_space<hbm>> -> memref<50000x128xf32, #tpu.memory_space<hbm>>
      tpu.wait_indirect_dma semaphore(%arg11 : memref<!tpu.dma_semaphore, #tpu.memory_space<semaphore_mem>>) src(%dma_wait3A_134 : memref<50000x128xf32, #tpu.memory_space<hbm>>) dst(%arg10 : memref<80x128xf32, #tpu.memory_space<vmem>>)
      "tpu.region"() ({
        %run_scoped3A = tpu.sem_alloc : memref<!tpu.dma_semaphore, #tpu.memory_space<semaphore_mem>>
        %dma_start3A_135 = arith.constant 0 : i32
        %dma_start3A_136 = tpu.memref_slice %arg9[%scan3A_124, %dma_start3A_135] : memref<128x80xi32, #tpu.memory_space<vmem>> -> memref<1x80xi32, #tpu.memory_space<vmem>>
        %dma_start3A_137 = tpu.memref_squeeze %dma_start3A_136 : memref<1x80xi32, #tpu.memory_space<vmem>> -> memref<80xi32, #tpu.memory_space<vmem>>
        %dma_start3A_138 = arith.constant 0 : i32
        %dma_start3A_139 = arith.constant 0 : i32
        %dma_start3A_140 = tpu.memref_slice %arg7[%dma_start3A_138, %dma_start3A_139] : memref<10240x128xf32, #tpu.memory_space<vmem_shared>> -> memref<10240x128xf32, #tpu.memory_space<vmem_shared>>
        tpu.enqueue_indirect_dma source(%arg10 : memref<80x128xf32, #tpu.memory_space<vmem>>) target(%dma_start3A_140 : memref<10240x128xf32, #tpu.memory_space<vmem_shared>>) offsets(%dma_start3A_137 : memref<80xi32, #tpu.memory_space<vmem>>) semaphore(%run_scoped3A : memref<!tpu.dma_semaphore, #tpu.memory_space<semaphore_mem>>) {add = true}
        %dma_wait3A_141 = arith.constant 0 : i32
        %dma_wait3A_142 = tpu.memref_slice %arg9[%scan3A_124, %dma_wait3A_141] : memref<128x80xi32, #tpu.memory_space<vmem>> -> memref<1x80xi32, #tpu.memory_space<vmem>>
        %dma_wait3A_143 = tpu.memref_squeeze %dma_wait3A_142 : memref<1x80xi32, #tpu.memory_space<vmem>> -> memref<80xi32, #tpu.memory_space<vmem>>
        %dma_wait3A_144 = arith.constant 0 : i32
        %dma_wait3A_145 = arith.constant 0 : i32
        %dma_wait3A_146 = tpu.memref_slice %arg7[%dma_wait3A_144, %dma_wait3A_145] : memref<10240x128xf32, #tpu.memory_space<vmem_shared>> -> memref<10240x128xf32, #tpu.memory_space<vmem_shared>>
        tpu.wait_indirect_dma semaphore(%run_scoped3A : memref<!tpu.dma_semaphore, #tpu.memory_space<semaphore_mem>>) src(%arg10 : memref<80x128xf32, #tpu.memory_space<vmem>>) dst(%dma_wait3A_146 : memref<10240x128xf32, #tpu.memory_space<vmem_shared>>)
        tpu.yield
      }) : () -> ()
    }
    %scan3A_86 = arith.constant 125 : i32
    %barrier3A_87 = arith.constant 0 : index
    tpu.barrier barrier_id(%barrier3A_87)
    %mul3A_88 = arith.constant 640 : i32
    %mul3A_89 = arith.muli %arg1, %mul3A_88 : i32
    %mul3A_90 = arith.constant 5 : i32
    %mul3A_91 = arith.muli %arg0, %mul3A_90 : i32
    %add3A_92 = arith.constant 3 : i32
    %add3A_93 = arith.addi %mul3A_91, %add3A_92 : i32
    %mul3A_94 = arith.constant 10240 : i32
    %mul3A_95 = arith.muli %add3A_93, %mul3A_94 : i32
    %mul3A_96 = arith.constant 640 : i32
    %mul3A_97 = arith.muli %arg1, %mul3A_96 : i32
    %add3A_98 = arith.addi %mul3A_95, %mul3A_97 : i32
    "tpu.region"() ({
      %run_scoped3A = tpu.sem_alloc : memref<!tpu.dma_semaphore, #tpu.memory_space<semaphore_mem>>
      %dma_start3A = arith.constant 0 : i32
      %dma_start3A_124 = tpu.memref_slice %arg6[%add3A_98, %dma_start3A] : memref<102400x128xf32, #tpu.memory_space<hbm>> -> memref<640x128xf32, #tpu.memory_space<hbm>>
      %dma_start3A_125 = arith.constant 0 : i32
      %dma_start3A_126 = tpu.memref_slice %arg7[%mul3A_89, %dma_start3A_125] : memref<10240x128xf32, #tpu.memory_space<vmem_shared>> -> memref<640x128xf32, #tpu.memory_space<vmem_shared>>
      tpu.enqueue_dma source(%dma_start3A_126 : memref<640x128xf32, #tpu.memory_space<vmem_shared>>) target(%dma_start3A_124 : memref<640x128xf32, #tpu.memory_space<hbm>>) target_semaphore(%run_scoped3A : memref<!tpu.dma_semaphore, #tpu.memory_space<semaphore_mem>>)
      %dma_wait3A = arith.constant 0 : i32
      %dma_wait3A_127 = tpu.memref_slice %arg6[%add3A_98, %dma_wait3A] : memref<102400x128xf32, #tpu.memory_space<hbm>> -> memref<640x128xf32, #tpu.memory_space<hbm>>
      %dma_wait3A_128 = arith.constant 0 : i32
      %dma_wait3A_129 = tpu.memref_slice %arg7[%mul3A_89, %dma_wait3A_128] : memref<10240x128xf32, #tpu.memory_space<vmem_shared>> -> memref<640x128xf32, #tpu.memory_space<vmem_shared>>
      tpu.wait_dma2 semaphore(%run_scoped3A : memref<!tpu.dma_semaphore, #tpu.memory_space<semaphore_mem>>) src(%dma_wait3A_129 : memref<640x128xf32, #tpu.memory_space<vmem_shared>>) dst(%dma_wait3A_127 : memref<640x128xf32, #tpu.memory_space<hbm>>)
      tpu.yield
    }) : () -> ()
    %mul3A_99 = arith.constant 640 : i32
    %mul3A_100 = arith.muli %arg1, %mul3A_99 : i32
    "tpu.region"() ({
      %run_scoped3A = tpu.sem_alloc : memref<!tpu.dma_semaphore, #tpu.memory_space<semaphore_mem>>
      %dma_start3A = arith.constant 0 : i32
      %dma_start3A_124 = tpu.memref_slice %arg7[%mul3A_100, %dma_start3A] : memref<10240x128xf32, #tpu.memory_space<vmem_shared>> -> memref<640x128xf32, #tpu.memory_space<vmem_shared>>
      tpu.enqueue_dma source(%arg5 : memref<640x128xf32, #tpu.memory_space<hbm>>) target(%dma_start3A_124 : memref<640x128xf32, #tpu.memory_space<vmem_shared>>) target_semaphore(%run_scoped3A : memref<!tpu.dma_semaphore, #tpu.memory_space<semaphore_mem>>)
      %dma_wait3A = arith.constant 0 : i32
      %dma_wait3A_125 = tpu.memref_slice %arg7[%mul3A_100, %dma_wait3A] : memref<10240x128xf32, #tpu.memory_space<vmem_shared>> -> memref<640x128xf32, #tpu.memory_space<vmem_shared>>
      tpu.wait_dma2 semaphore(%run_scoped3A : memref<!tpu.dma_semaphore, #tpu.memory_space<semaphore_mem>>) src(%arg5 : memref<640x128xf32, #tpu.memory_space<hbm>>) dst(%dma_wait3A_125 : memref<640x128xf32, #tpu.memory_space<vmem_shared>>)
      tpu.yield
    }) : () -> ()
    %add3A_101 = arith.constant 128 : i32
    %add3A_102 = arith.addi %add3A_101, %add3A : i32
    %mul3A_103 = arith.constant 128 : i32
    %mul3A_104 = arith.muli %add3A_102, %mul3A_103 : i32
    "tpu.region"() ({
      %run_scoped3A = tpu.sem_alloc : memref<!tpu.dma_semaphore, #tpu.memory_space<semaphore_mem>>
      %dma_start3A = arith.constant 0 : i32
      %dma_start3A_124 = tpu.memref_slice %arg2[%mul3A_104, %dma_start3A] : memref<20480x80xi32, #tpu.memory_space<hbm>> -> memref<128x80xi32, #tpu.memory_space<hbm>>
      %dma_start3A_125 = arith.constant 0 : i32
      %dma_start3A_126 = tpu.memref_slice %arg2[%mul3A_104, %dma_start3A_125] : memref<20480x80xi32, #tpu.memory_space<hbm>> -> memref<128x80xi32, #tpu.memory_space<hbm>>
      tpu.enqueue_dma source(%dma_start3A_126 : memref<128x80xi32, #tpu.memory_space<hbm>>) target(%arg8 : memref<128x80xi32, #tpu.memory_space<vmem>>) target_semaphore(%run_scoped3A : memref<!tpu.dma_semaphore, #tpu.memory_space<semaphore_mem>>)
      %dma_wait3A = arith.constant 0 : i32
      %dma_wait3A_127 = tpu.memref_slice %arg2[%mul3A_104, %dma_wait3A] : memref<20480x80xi32, #tpu.memory_space<hbm>> -> memref<128x80xi32, #tpu.memory_space<hbm>>
      %dma_wait3A_128 = arith.constant 0 : i32
      %dma_wait3A_129 = tpu.memref_slice %arg2[%mul3A_104, %dma_wait3A_128] : memref<20480x80xi32, #tpu.memory_space<hbm>> -> memref<128x80xi32, #tpu.memory_space<hbm>>
      tpu.wait_dma2 semaphore(%run_scoped3A : memref<!tpu.dma_semaphore, #tpu.memory_space<semaphore_mem>>) src(%dma_wait3A_129 : memref<128x80xi32, #tpu.memory_space<hbm>>) dst(%arg8 : memref<128x80xi32, #tpu.memory_space<vmem>>)
      tpu.yield
    }) : () -> ()
    "tpu.region"() ({
      %run_scoped3A = tpu.sem_alloc : memref<!tpu.dma_semaphore, #tpu.memory_space<semaphore_mem>>
      %dma_start3A = arith.constant 0 : i32
      %dma_start3A_124 = tpu.memref_slice %arg3[%mul3A_104, %dma_start3A] : memref<20480x80xi32, #tpu.memory_space<hbm>> -> memref<128x80xi32, #tpu.memory_space<hbm>>
      %dma_start3A_125 = arith.constant 0 : i32
      %dma_start3A_126 = tpu.memref_slice %arg3[%mul3A_104, %dma_start3A_125] : memref<20480x80xi32, #tpu.memory_space<hbm>> -> memref<128x80xi32, #tpu.memory_space<hbm>>
      tpu.enqueue_dma source(%dma_start3A_126 : memref<128x80xi32, #tpu.memory_space<hbm>>) target(%arg9 : memref<128x80xi32, #tpu.memory_space<vmem>>) target_semaphore(%run_scoped3A : memref<!tpu.dma_semaphore, #tpu.memory_space<semaphore_mem>>)
      %dma_wait3A = arith.constant 0 : i32
      %dma_wait3A_127 = tpu.memref_slice %arg3[%mul3A_104, %dma_wait3A] : memref<20480x80xi32, #tpu.memory_space<hbm>> -> memref<128x80xi32, #tpu.memory_space<hbm>>
      %dma_wait3A_128 = arith.constant 0 : i32
      %dma_wait3A_129 = tpu.memref_slice %arg3[%mul3A_104, %dma_wait3A_128] : memref<20480x80xi32, #tpu.memory_space<hbm>> -> memref<128x80xi32, #tpu.memory_space<hbm>>
      tpu.wait_dma2 semaphore(%run_scoped3A : memref<!tpu.dma_semaphore, #tpu.memory_space<semaphore_mem>>) src(%dma_wait3A_129 : memref<128x80xi32, #tpu.memory_space<hbm>>) dst(%arg9 : memref<128x80xi32, #tpu.memory_space<vmem>>)
      tpu.yield
    }) : () -> ()
    %barrier3A_105 = arith.constant 0 : index
    tpu.barrier barrier_id(%barrier3A_105)
    %scan3A_106 = arith.constant 0 : i32
    %scan3A_107 = arith.constant 0 : i32
    %scan3A_108 = arith.constant 125 : i32
    %scan3A_109 = arith.addi %scan3A_107, %scan3A_108 : i32
    %scan3A_110 = arith.constant 1 : i32
    scf.for %scan3A_124 = %scan3A_107 to %scan3A_109 step %scan3A_110  : i32 {
      %dma_start3A = arith.constant 0 : i32
      %dma_start3A_125 = tpu.memref_slice %arg8[%scan3A_124, %dma_start3A] : memref<128x80xi32, #tpu.memory_space<vmem>> -> memref<1x80xi32, #tpu.memory_space<vmem>>
      %dma_start3A_126 = tpu.memref_squeeze %dma_start3A_125 : memref<1x80xi32, #tpu.memory_space<vmem>> -> memref<80xi32, #tpu.memory_space<vmem>>
      %dma_start3A_127 = arith.constant 0 : i32
      %dma_start3A_128 = arith.constant 0 : i32
      %dma_start3A_129 = tpu.memref_slice %arg4[%dma_start3A_127, %dma_start3A_128] : memref<50000x128xf32, #tpu.memory_space<hbm>> -> memref<50000x128xf32, #tpu.memory_space<hbm>>
      tpu.enqueue_indirect_dma source(%dma_start3A_129 : memref<50000x128xf32, #tpu.memory_space<hbm>>) target(%arg10 : memref<80x128xf32, #tpu.memory_space<vmem>>) offsets(%dma_start3A_126 : memref<80xi32, #tpu.memory_space<vmem>>) semaphore(%arg11 : memref<!tpu.dma_semaphore, #tpu.memory_space<semaphore_mem>>)
      %dma_wait3A = arith.constant 0 : i32
      %dma_wait3A_130 = tpu.memref_slice %arg8[%scan3A_124, %dma_wait3A] : memref<128x80xi32, #tpu.memory_space<vmem>> -> memref<1x80xi32, #tpu.memory_space<vmem>>
      %dma_wait3A_131 = tpu.memref_squeeze %dma_wait3A_130 : memref<1x80xi32, #tpu.memory_space<vmem>> -> memref<80xi32, #tpu.memory_space<vmem>>
      %dma_wait3A_132 = arith.constant 0 : i32
      %dma_wait3A_133 = arith.constant 0 : i32
      %dma_wait3A_134 = tpu.memref_slice %arg4[%dma_wait3A_132, %dma_wait3A_133] : memref<50000x128xf32, #tpu.memory_space<hbm>> -> memref<50000x128xf32, #tpu.memory_space<hbm>>
      tpu.wait_indirect_dma semaphore(%arg11 : memref<!tpu.dma_semaphore, #tpu.memory_space<semaphore_mem>>) src(%dma_wait3A_134 : memref<50000x128xf32, #tpu.memory_space<hbm>>) dst(%arg10 : memref<80x128xf32, #tpu.memory_space<vmem>>)
      "tpu.region"() ({
        %run_scoped3A = tpu.sem_alloc : memref<!tpu.dma_semaphore, #tpu.memory_space<semaphore_mem>>
        %dma_start3A_135 = arith.constant 0 : i32
        %dma_start3A_136 = tpu.memref_slice %arg9[%scan3A_124, %dma_start3A_135] : memref<128x80xi32, #tpu.memory_space<vmem>> -> memref<1x80xi32, #tpu.memory_space<vmem>>
        %dma_start3A_137 = tpu.memref_squeeze %dma_start3A_136 : memref<1x80xi32, #tpu.memory_space<vmem>> -> memref<80xi32, #tpu.memory_space<vmem>>
        %dma_start3A_138 = arith.constant 0 : i32
        %dma_start3A_139 = arith.constant 0 : i32
        %dma_start3A_140 = tpu.memref_slice %arg7[%dma_start3A_138, %dma_start3A_139] : memref<10240x128xf32, #tpu.memory_space<vmem_shared>> -> memref<10240x128xf32, #tpu.memory_space<vmem_shared>>
        tpu.enqueue_indirect_dma source(%arg10 : memref<80x128xf32, #tpu.memory_space<vmem>>) target(%dma_start3A_140 : memref<10240x128xf32, #tpu.memory_space<vmem_shared>>) offsets(%dma_start3A_137 : memref<80xi32, #tpu.memory_space<vmem>>) semaphore(%run_scoped3A : memref<!tpu.dma_semaphore, #tpu.memory_space<semaphore_mem>>) {add = true}
        %dma_wait3A_141 = arith.constant 0 : i32
        %dma_wait3A_142 = tpu.memref_slice %arg9[%scan3A_124, %dma_wait3A_141] : memref<128x80xi32, #tpu.memory_space<vmem>> -> memref<1x80xi32, #tpu.memory_space<vmem>>
        %dma_wait3A_143 = tpu.memref_squeeze %dma_wait3A_142 : memref<1x80xi32, #tpu.memory_space<vmem>> -> memref<80xi32, #tpu.memory_space<vmem>>
        %dma_wait3A_144 = arith.constant 0 : i32
        %dma_wait3A_145 = arith.constant 0 : i32
        %dma_wait3A_146 = tpu.memref_slice %arg7[%dma_wait3A_144, %dma_wait3A_145] : memref<10240x128xf32, #tpu.memory_space<vmem_shared>> -> memref<10240x128xf32, #tpu.memory_space<vmem_shared>>
        tpu.wait_indirect_dma semaphore(%run_scoped3A : memref<!tpu.dma_semaphore, #tpu.memory_space<semaphore_mem>>) src(%arg10 : memref<80x128xf32, #tpu.memory_space<vmem>>) dst(%dma_wait3A_146 : memref<10240x128xf32, #tpu.memory_space<vmem_shared>>)
        tpu.yield
      }) : () -> ()
    }
    %scan3A_111 = arith.constant 125 : i32
    %barrier3A_112 = arith.constant 0 : index
    tpu.barrier barrier_id(%barrier3A_112)
    %mul3A_113 = arith.constant 640 : i32
    %mul3A_114 = arith.muli %arg1, %mul3A_113 : i32
    %mul3A_115 = arith.constant 5 : i32
    %mul3A_116 = arith.muli %arg0, %mul3A_115 : i32
    %add3A_117 = arith.constant 4 : i32
    %add3A_118 = arith.addi %mul3A_116, %add3A_117 : i32
    %mul3A_119 = arith.constant 10240 : i32
    %mul3A_120 = arith.muli %add3A_118, %mul3A_119 : i32
    %mul3A_121 = arith.constant 640 : i32
    %mul3A_122 = arith.muli %arg1, %mul3A_121 : i32
    %add3A_123 = arith.addi %mul3A_120, %mul3A_122 : i32
    "tpu.region"() ({
      %run_scoped3A = tpu.sem_alloc : memref<!tpu.dma_semaphore, #tpu.memory_space<semaphore_mem>>
      %dma_start3A = arith.constant 0 : i32
      %dma_start3A_124 = tpu.memref_slice %arg6[%add3A_123, %dma_start3A] : memref<102400x128xf32, #tpu.memory_space<hbm>> -> memref<640x128xf32, #tpu.memory_space<hbm>>
      %dma_start3A_125 = arith.constant 0 : i32
      %dma_start3A_126 = tpu.memref_slice %arg7[%mul3A_114, %dma_start3A_125] : memref<10240x128xf32, #tpu.memory_space<vmem_shared>> -> memref<640x128xf32, #tpu.memory_space<vmem_shared>>
      tpu.enqueue_dma source(%dma_start3A_126 : memref<640x128xf32, #tpu.memory_space<vmem_shared>>) target(%dma_start3A_124 : memref<640x128xf32, #tpu.memory_space<hbm>>) target_semaphore(%run_scoped3A : memref<!tpu.dma_semaphore, #tpu.memory_space<semaphore_mem>>)
      %dma_wait3A = arith.constant 0 : i32
      %dma_wait3A_127 = tpu.memref_slice %arg6[%add3A_123, %dma_wait3A] : memref<102400x128xf32, #tpu.memory_space<hbm>> -> memref<640x128xf32, #tpu.memory_space<hbm>>
      %dma_wait3A_128 = arith.constant 0 : i32
      %dma_wait3A_129 = tpu.memref_slice %arg7[%mul3A_114, %dma_wait3A_128] : memref<10240x128xf32, #tpu.memory_space<vmem_shared>> -> memref<640x128xf32, #tpu.memory_space<vmem_shared>>
      tpu.wait_dma2 semaphore(%run_scoped3A : memref<!tpu.dma_semaphore, #tpu.memory_space<semaphore_mem>>) src(%dma_wait3A_129 : memref<640x128xf32, #tpu.memory_space<vmem_shared>>) dst(%dma_wait3A_127 : memref<640x128xf32, #tpu.memory_space<hbm>>)
      tpu.yield
    }) : () -> ()
    return
  }
}

#map = affine_map<(d0, d1) -> (0, 0)>
module attributes {stable_mosaic.version = 14 : i64} {
  func.func @_sc_deg(%arg0: i32, %arg1: i32, %arg2: memref<20480x80xi32, #tpu.memory_space<hbm>>, %arg3: memref<80x128xf32, #tpu.memory_space<hbm>>, %arg4: memref<640x128xf32, #tpu.memory_space<hbm>>, %arg5: memref<102400x128xf32, #tpu.memory_space<hbm>>, %arg6: memref<10240x128xf32, #tpu.memory_space<vmem_shared>>, %arg7: memref<128x80xi32, #tpu.memory_space<vmem>>, %arg8: memref<80x128xf32, #tpu.memory_space<vmem>>, %arg9: memref<!tpu.dma_semaphore, #tpu.memory_space<semaphore_mem>>) attributes {dimension_semantics = [#tpu.dimension_semantics<core_parallel>, #tpu.dimension_semantics<subcore_parallel>], iteration_bounds = array<i64: 2, 16>, scalar_prefetch = 0 : i64, scratch_operands = 4 : i64, tpu.core_type = #tpu.core_type<sc_vector_subcore>, window_params = [{transform_indices = #map}, {transform_indices = #map}, {transform_indices = #map}, {transform_indices = #map}]} {
    %mul3A = arith.constant 2 : i32
    %mul3A_0 = arith.muli %arg1, %mul3A : i32
    %add3A = arith.addi %mul3A_0, %arg0 : i32
    "tpu.region"() ({
      %run_scoped3A = tpu.sem_alloc : memref<!tpu.dma_semaphore, #tpu.memory_space<semaphore_mem>>
      tpu.enqueue_dma source(%arg3 : memref<80x128xf32, #tpu.memory_space<hbm>>) target(%arg8 : memref<80x128xf32, #tpu.memory_space<vmem>>) target_semaphore(%run_scoped3A : memref<!tpu.dma_semaphore, #tpu.memory_space<semaphore_mem>>)
      tpu.wait_dma2 semaphore(%run_scoped3A : memref<!tpu.dma_semaphore, #tpu.memory_space<semaphore_mem>>) src(%arg3 : memref<80x128xf32, #tpu.memory_space<hbm>>) dst(%arg8 : memref<80x128xf32, #tpu.memory_space<vmem>>)
      tpu.yield
    }) : () -> ()
    %mul3A_1 = arith.constant 640 : i32
    %mul3A_2 = arith.muli %arg1, %mul3A_1 : i32
    "tpu.region"() ({
      %run_scoped3A = tpu.sem_alloc : memref<!tpu.dma_semaphore, #tpu.memory_space<semaphore_mem>>
      %dma_start3A = arith.constant 0 : i32
      %dma_start3A_154 = tpu.memref_slice %arg6[%mul3A_2, %dma_start3A] : memref<10240x128xf32, #tpu.memory_space<vmem_shared>> -> memref<640x128xf32, #tpu.memory_space<vmem_shared>>
      tpu.enqueue_dma source(%arg4 : memref<640x128xf32, #tpu.memory_space<hbm>>) target(%dma_start3A_154 : memref<640x128xf32, #tpu.memory_space<vmem_shared>>) target_semaphore(%run_scoped3A : memref<!tpu.dma_semaphore, #tpu.memory_space<semaphore_mem>>)
      %dma_wait3A = arith.constant 0 : i32
      %dma_wait3A_155 = tpu.memref_slice %arg6[%mul3A_2, %dma_wait3A] : memref<10240x128xf32, #tpu.memory_space<vmem_shared>> -> memref<640x128xf32, #tpu.memory_space<vmem_shared>>
      tpu.wait_dma2 semaphore(%run_scoped3A : memref<!tpu.dma_semaphore, #tpu.memory_space<semaphore_mem>>) src(%arg4 : memref<640x128xf32, #tpu.memory_space<hbm>>) dst(%dma_wait3A_155 : memref<640x128xf32, #tpu.memory_space<vmem_shared>>)
      tpu.yield
    }) : () -> ()
    %add3A_3 = arith.constant 0 : i32
    %add3A_4 = arith.addi %add3A_3, %add3A : i32
    %mul3A_5 = arith.constant 128 : i32
    %mul3A_6 = arith.muli %add3A_4, %mul3A_5 : i32
    "tpu.region"() ({
      %run_scoped3A = tpu.sem_alloc : memref<!tpu.dma_semaphore, #tpu.memory_space<semaphore_mem>>
      %dma_start3A = arith.constant 0 : i32
      %dma_start3A_154 = tpu.memref_slice %arg2[%mul3A_6, %dma_start3A] : memref<20480x80xi32, #tpu.memory_space<hbm>> -> memref<128x80xi32, #tpu.memory_space<hbm>>
      %dma_start3A_155 = arith.constant 0 : i32
      %dma_start3A_156 = tpu.memref_slice %arg2[%mul3A_6, %dma_start3A_155] : memref<20480x80xi32, #tpu.memory_space<hbm>> -> memref<128x80xi32, #tpu.memory_space<hbm>>
      tpu.enqueue_dma source(%dma_start3A_156 : memref<128x80xi32, #tpu.memory_space<hbm>>) target(%arg7 : memref<128x80xi32, #tpu.memory_space<vmem>>) target_semaphore(%run_scoped3A : memref<!tpu.dma_semaphore, #tpu.memory_space<semaphore_mem>>)
      %dma_wait3A = arith.constant 0 : i32
      %dma_wait3A_157 = tpu.memref_slice %arg2[%mul3A_6, %dma_wait3A] : memref<20480x80xi32, #tpu.memory_space<hbm>> -> memref<128x80xi32, #tpu.memory_space<hbm>>
      %dma_wait3A_158 = arith.constant 0 : i32
      %dma_wait3A_159 = tpu.memref_slice %arg2[%mul3A_6, %dma_wait3A_158] : memref<20480x80xi32, #tpu.memory_space<hbm>> -> memref<128x80xi32, #tpu.memory_space<hbm>>
      tpu.wait_dma2 semaphore(%run_scoped3A : memref<!tpu.dma_semaphore, #tpu.memory_space<semaphore_mem>>) src(%dma_wait3A_159 : memref<128x80xi32, #tpu.memory_space<hbm>>) dst(%arg7 : memref<128x80xi32, #tpu.memory_space<vmem>>)
      tpu.yield
    }) : () -> ()
    %barrier3A = arith.constant 0 : index
    tpu.barrier barrier_id(%barrier3A)
    %scan3A = arith.constant 0 : i32
    %scan3A_7 = arith.constant 0 : i32
    %scan3A_8 = arith.constant 125 : i32
    %scan3A_9 = arith.addi %scan3A_7, %scan3A_8 : i32
    %scan3A_10 = arith.constant 1 : i32
    scf.for %scan3A_154 = %scan3A_7 to %scan3A_9 step %scan3A_10  : i32 {
      %dma_start3A = arith.constant 0 : i32
      %dma_start3A_155 = tpu.memref_slice %arg7[%scan3A_154, %dma_start3A] : memref<128x80xi32, #tpu.memory_space<vmem>> -> memref<1x80xi32, #tpu.memory_space<vmem>>
      %dma_start3A_156 = tpu.memref_squeeze %dma_start3A_155 : memref<1x80xi32, #tpu.memory_space<vmem>> -> memref<80xi32, #tpu.memory_space<vmem>>
      %dma_start3A_157 = arith.constant 0 : i32
      %dma_start3A_158 = arith.constant 0 : i32
      %dma_start3A_159 = tpu.memref_slice %arg6[%dma_start3A_157, %dma_start3A_158] : memref<10240x128xf32, #tpu.memory_space<vmem_shared>> -> memref<10240x128xf32, #tpu.memory_space<vmem_shared>>
      tpu.enqueue_indirect_dma source(%arg8 : memref<80x128xf32, #tpu.memory_space<vmem>>) target(%dma_start3A_159 : memref<10240x128xf32, #tpu.memory_space<vmem_shared>>) offsets(%dma_start3A_156 : memref<80xi32, #tpu.memory_space<vmem>>) semaphore(%arg9 : memref<!tpu.dma_semaphore, #tpu.memory_space<semaphore_mem>>) {add = true}
    }
    %scan3A_11 = arith.constant 125 : i32
    %scan3A_12 = arith.constant 0 : i32
    %scan3A_13 = arith.constant 0 : i32
    %scan3A_14 = arith.constant 125 : i32
    %scan3A_15 = arith.addi %scan3A_13, %scan3A_14 : i32
    %scan3A_16 = arith.constant 1 : i32
    scf.for %scan3A_154 = %scan3A_13 to %scan3A_15 step %scan3A_16  : i32 {
      %dma_wait3A = arith.constant 0 : i32
      %dma_wait3A_155 = tpu.memref_slice %arg7[%scan3A_154, %dma_wait3A] : memref<128x80xi32, #tpu.memory_space<vmem>> -> memref<1x80xi32, #tpu.memory_space<vmem>>
      %dma_wait3A_156 = tpu.memref_squeeze %dma_wait3A_155 : memref<1x80xi32, #tpu.memory_space<vmem>> -> memref<80xi32, #tpu.memory_space<vmem>>
      %dma_wait3A_157 = arith.constant 0 : i32
      %dma_wait3A_158 = arith.constant 0 : i32
      %dma_wait3A_159 = tpu.memref_slice %arg6[%dma_wait3A_157, %dma_wait3A_158] : memref<10240x128xf32, #tpu.memory_space<vmem_shared>> -> memref<10240x128xf32, #tpu.memory_space<vmem_shared>>
      tpu.wait_indirect_dma semaphore(%arg9 : memref<!tpu.dma_semaphore, #tpu.memory_space<semaphore_mem>>) src(%arg8 : memref<80x128xf32, #tpu.memory_space<vmem>>) dst(%dma_wait3A_159 : memref<10240x128xf32, #tpu.memory_space<vmem_shared>>)
    }
    %scan3A_17 = arith.constant 125 : i32
    %barrier3A_18 = arith.constant 0 : index
    tpu.barrier barrier_id(%barrier3A_18)
    %mul3A_19 = arith.constant 640 : i32
    %mul3A_20 = arith.muli %arg1, %mul3A_19 : i32
    %mul3A_21 = arith.constant 5 : i32
    %mul3A_22 = arith.muli %arg0, %mul3A_21 : i32
    %add3A_23 = arith.constant 0 : i32
    %add3A_24 = arith.addi %mul3A_22, %add3A_23 : i32
    %mul3A_25 = arith.constant 10240 : i32
    %mul3A_26 = arith.muli %add3A_24, %mul3A_25 : i32
    %mul3A_27 = arith.constant 640 : i32
    %mul3A_28 = arith.muli %arg1, %mul3A_27 : i32
    %add3A_29 = arith.addi %mul3A_26, %mul3A_28 : i32
    "tpu.region"() ({
      %run_scoped3A = tpu.sem_alloc : memref<!tpu.dma_semaphore, #tpu.memory_space<semaphore_mem>>
      %dma_start3A = arith.constant 0 : i32
      %dma_start3A_154 = tpu.memref_slice %arg5[%add3A_29, %dma_start3A] : memref<102400x128xf32, #tpu.memory_space<hbm>> -> memref<640x128xf32, #tpu.memory_space<hbm>>
      %dma_start3A_155 = arith.constant 0 : i32
      %dma_start3A_156 = tpu.memref_slice %arg6[%mul3A_20, %dma_start3A_155] : memref<10240x128xf32, #tpu.memory_space<vmem_shared>> -> memref<640x128xf32, #tpu.memory_space<vmem_shared>>
      tpu.enqueue_dma source(%dma_start3A_156 : memref<640x128xf32, #tpu.memory_space<vmem_shared>>) target(%dma_start3A_154 : memref<640x128xf32, #tpu.memory_space<hbm>>) target_semaphore(%run_scoped3A : memref<!tpu.dma_semaphore, #tpu.memory_space<semaphore_mem>>)
      %dma_wait3A = arith.constant 0 : i32
      %dma_wait3A_157 = tpu.memref_slice %arg5[%add3A_29, %dma_wait3A] : memref<102400x128xf32, #tpu.memory_space<hbm>> -> memref<640x128xf32, #tpu.memory_space<hbm>>
      %dma_wait3A_158 = arith.constant 0 : i32
      %dma_wait3A_159 = tpu.memref_slice %arg6[%mul3A_20, %dma_wait3A_158] : memref<10240x128xf32, #tpu.memory_space<vmem_shared>> -> memref<640x128xf32, #tpu.memory_space<vmem_shared>>
      tpu.wait_dma2 semaphore(%run_scoped3A : memref<!tpu.dma_semaphore, #tpu.memory_space<semaphore_mem>>) src(%dma_wait3A_159 : memref<640x128xf32, #tpu.memory_space<vmem_shared>>) dst(%dma_wait3A_157 : memref<640x128xf32, #tpu.memory_space<hbm>>)
      tpu.yield
    }) : () -> ()
    %mul3A_30 = arith.constant 640 : i32
    %mul3A_31 = arith.muli %arg1, %mul3A_30 : i32
    "tpu.region"() ({
      %run_scoped3A = tpu.sem_alloc : memref<!tpu.dma_semaphore, #tpu.memory_space<semaphore_mem>>
      %dma_start3A = arith.constant 0 : i32
      %dma_start3A_154 = tpu.memref_slice %arg6[%mul3A_31, %dma_start3A] : memref<10240x128xf32, #tpu.memory_space<vmem_shared>> -> memref<640x128xf32, #tpu.memory_space<vmem_shared>>
      tpu.enqueue_dma source(%arg4 : memref<640x128xf32, #tpu.memory_space<hbm>>) target(%dma_start3A_154 : memref<640x128xf32, #tpu.memory_space<vmem_shared>>) target_semaphore(%run_scoped3A : memref<!tpu.dma_semaphore, #tpu.memory_space<semaphore_mem>>)
      %dma_wait3A = arith.constant 0 : i32
      %dma_wait3A_155 = tpu.memref_slice %arg6[%mul3A_31, %dma_wait3A] : memref<10240x128xf32, #tpu.memory_space<vmem_shared>> -> memref<640x128xf32, #tpu.memory_space<vmem_shared>>
      tpu.wait_dma2 semaphore(%run_scoped3A : memref<!tpu.dma_semaphore, #tpu.memory_space<semaphore_mem>>) src(%arg4 : memref<640x128xf32, #tpu.memory_space<hbm>>) dst(%dma_wait3A_155 : memref<640x128xf32, #tpu.memory_space<vmem_shared>>)
      tpu.yield
    }) : () -> ()
    %add3A_32 = arith.constant 32 : i32
    %add3A_33 = arith.addi %add3A_32, %add3A : i32
    %mul3A_34 = arith.constant 128 : i32
    %mul3A_35 = arith.muli %add3A_33, %mul3A_34 : i32
    "tpu.region"() ({
      %run_scoped3A = tpu.sem_alloc : memref<!tpu.dma_semaphore, #tpu.memory_space<semaphore_mem>>
      %dma_start3A = arith.constant 0 : i32
      %dma_start3A_154 = tpu.memref_slice %arg2[%mul3A_35, %dma_start3A] : memref<20480x80xi32, #tpu.memory_space<hbm>> -> memref<128x80xi32, #tpu.memory_space<hbm>>
      %dma_start3A_155 = arith.constant 0 : i32
      %dma_start3A_156 = tpu.memref_slice %arg2[%mul3A_35, %dma_start3A_155] : memref<20480x80xi32, #tpu.memory_space<hbm>> -> memref<128x80xi32, #tpu.memory_space<hbm>>
      tpu.enqueue_dma source(%dma_start3A_156 : memref<128x80xi32, #tpu.memory_space<hbm>>) target(%arg7 : memref<128x80xi32, #tpu.memory_space<vmem>>) target_semaphore(%run_scoped3A : memref<!tpu.dma_semaphore, #tpu.memory_space<semaphore_mem>>)
      %dma_wait3A = arith.constant 0 : i32
      %dma_wait3A_157 = tpu.memref_slice %arg2[%mul3A_35, %dma_wait3A] : memref<20480x80xi32, #tpu.memory_space<hbm>> -> memref<128x80xi32, #tpu.memory_space<hbm>>
      %dma_wait3A_158 = arith.constant 0 : i32
      %dma_wait3A_159 = tpu.memref_slice %arg2[%mul3A_35, %dma_wait3A_158] : memref<20480x80xi32, #tpu.memory_space<hbm>> -> memref<128x80xi32, #tpu.memory_space<hbm>>
      tpu.wait_dma2 semaphore(%run_scoped3A : memref<!tpu.dma_semaphore, #tpu.memory_space<semaphore_mem>>) src(%dma_wait3A_159 : memref<128x80xi32, #tpu.memory_space<hbm>>) dst(%arg7 : memref<128x80xi32, #tpu.memory_space<vmem>>)
      tpu.yield
    }) : () -> ()
    %barrier3A_36 = arith.constant 0 : index
    tpu.barrier barrier_id(%barrier3A_36)
    %scan3A_37 = arith.constant 0 : i32
    %scan3A_38 = arith.constant 0 : i32
    %scan3A_39 = arith.constant 125 : i32
    %scan3A_40 = arith.addi %scan3A_38, %scan3A_39 : i32
    %scan3A_41 = arith.constant 1 : i32
    scf.for %scan3A_154 = %scan3A_38 to %scan3A_40 step %scan3A_41  : i32 {
      %dma_start3A = arith.constant 0 : i32
      %dma_start3A_155 = tpu.memref_slice %arg7[%scan3A_154, %dma_start3A] : memref<128x80xi32, #tpu.memory_space<vmem>> -> memref<1x80xi32, #tpu.memory_space<vmem>>
      %dma_start3A_156 = tpu.memref_squeeze %dma_start3A_155 : memref<1x80xi32, #tpu.memory_space<vmem>> -> memref<80xi32, #tpu.memory_space<vmem>>
      %dma_start3A_157 = arith.constant 0 : i32
      %dma_start3A_158 = arith.constant 0 : i32
      %dma_start3A_159 = tpu.memref_slice %arg6[%dma_start3A_157, %dma_start3A_158] : memref<10240x128xf32, #tpu.memory_space<vmem_shared>> -> memref<10240x128xf32, #tpu.memory_space<vmem_shared>>
      tpu.enqueue_indirect_dma source(%arg8 : memref<80x128xf32, #tpu.memory_space<vmem>>) target(%dma_start3A_159 : memref<10240x128xf32, #tpu.memory_space<vmem_shared>>) offsets(%dma_start3A_156 : memref<80xi32, #tpu.memory_space<vmem>>) semaphore(%arg9 : memref<!tpu.dma_semaphore, #tpu.memory_space<semaphore_mem>>) {add = true}
    }
    %scan3A_42 = arith.constant 125 : i32
    %scan3A_43 = arith.constant 0 : i32
    %scan3A_44 = arith.constant 0 : i32
    %scan3A_45 = arith.constant 125 : i32
    %scan3A_46 = arith.addi %scan3A_44, %scan3A_45 : i32
    %scan3A_47 = arith.constant 1 : i32
    scf.for %scan3A_154 = %scan3A_44 to %scan3A_46 step %scan3A_47  : i32 {
      %dma_wait3A = arith.constant 0 : i32
      %dma_wait3A_155 = tpu.memref_slice %arg7[%scan3A_154, %dma_wait3A] : memref<128x80xi32, #tpu.memory_space<vmem>> -> memref<1x80xi32, #tpu.memory_space<vmem>>
      %dma_wait3A_156 = tpu.memref_squeeze %dma_wait3A_155 : memref<1x80xi32, #tpu.memory_space<vmem>> -> memref<80xi32, #tpu.memory_space<vmem>>
      %dma_wait3A_157 = arith.constant 0 : i32
      %dma_wait3A_158 = arith.constant 0 : i32
      %dma_wait3A_159 = tpu.memref_slice %arg6[%dma_wait3A_157, %dma_wait3A_158] : memref<10240x128xf32, #tpu.memory_space<vmem_shared>> -> memref<10240x128xf32, #tpu.memory_space<vmem_shared>>
      tpu.wait_indirect_dma semaphore(%arg9 : memref<!tpu.dma_semaphore, #tpu.memory_space<semaphore_mem>>) src(%arg8 : memref<80x128xf32, #tpu.memory_space<vmem>>) dst(%dma_wait3A_159 : memref<10240x128xf32, #tpu.memory_space<vmem_shared>>)
    }
    %scan3A_48 = arith.constant 125 : i32
    %barrier3A_49 = arith.constant 0 : index
    tpu.barrier barrier_id(%barrier3A_49)
    %mul3A_50 = arith.constant 640 : i32
    %mul3A_51 = arith.muli %arg1, %mul3A_50 : i32
    %mul3A_52 = arith.constant 5 : i32
    %mul3A_53 = arith.muli %arg0, %mul3A_52 : i32
    %add3A_54 = arith.constant 1 : i32
    %add3A_55 = arith.addi %mul3A_53, %add3A_54 : i32
    %mul3A_56 = arith.constant 10240 : i32
    %mul3A_57 = arith.muli %add3A_55, %mul3A_56 : i32
    %mul3A_58 = arith.constant 640 : i32
    %mul3A_59 = arith.muli %arg1, %mul3A_58 : i32
    %add3A_60 = arith.addi %mul3A_57, %mul3A_59 : i32
    "tpu.region"() ({
      %run_scoped3A = tpu.sem_alloc : memref<!tpu.dma_semaphore, #tpu.memory_space<semaphore_mem>>
      %dma_start3A = arith.constant 0 : i32
      %dma_start3A_154 = tpu.memref_slice %arg5[%add3A_60, %dma_start3A] : memref<102400x128xf32, #tpu.memory_space<hbm>> -> memref<640x128xf32, #tpu.memory_space<hbm>>
      %dma_start3A_155 = arith.constant 0 : i32
      %dma_start3A_156 = tpu.memref_slice %arg6[%mul3A_51, %dma_start3A_155] : memref<10240x128xf32, #tpu.memory_space<vmem_shared>> -> memref<640x128xf32, #tpu.memory_space<vmem_shared>>
      tpu.enqueue_dma source(%dma_start3A_156 : memref<640x128xf32, #tpu.memory_space<vmem_shared>>) target(%dma_start3A_154 : memref<640x128xf32, #tpu.memory_space<hbm>>) target_semaphore(%run_scoped3A : memref<!tpu.dma_semaphore, #tpu.memory_space<semaphore_mem>>)
      %dma_wait3A = arith.constant 0 : i32
      %dma_wait3A_157 = tpu.memref_slice %arg5[%add3A_60, %dma_wait3A] : memref<102400x128xf32, #tpu.memory_space<hbm>> -> memref<640x128xf32, #tpu.memory_space<hbm>>
      %dma_wait3A_158 = arith.constant 0 : i32
      %dma_wait3A_159 = tpu.memref_slice %arg6[%mul3A_51, %dma_wait3A_158] : memref<10240x128xf32, #tpu.memory_space<vmem_shared>> -> memref<640x128xf32, #tpu.memory_space<vmem_shared>>
      tpu.wait_dma2 semaphore(%run_scoped3A : memref<!tpu.dma_semaphore, #tpu.memory_space<semaphore_mem>>) src(%dma_wait3A_159 : memref<640x128xf32, #tpu.memory_space<vmem_shared>>) dst(%dma_wait3A_157 : memref<640x128xf32, #tpu.memory_space<hbm>>)
      tpu.yield
    }) : () -> ()
    %mul3A_61 = arith.constant 640 : i32
    %mul3A_62 = arith.muli %arg1, %mul3A_61 : i32
    "tpu.region"() ({
      %run_scoped3A = tpu.sem_alloc : memref<!tpu.dma_semaphore, #tpu.memory_space<semaphore_mem>>
      %dma_start3A = arith.constant 0 : i32
      %dma_start3A_154 = tpu.memref_slice %arg6[%mul3A_62, %dma_start3A] : memref<10240x128xf32, #tpu.memory_space<vmem_shared>> -> memref<640x128xf32, #tpu.memory_space<vmem_shared>>
      tpu.enqueue_dma source(%arg4 : memref<640x128xf32, #tpu.memory_space<hbm>>) target(%dma_start3A_154 : memref<640x128xf32, #tpu.memory_space<vmem_shared>>) target_semaphore(%run_scoped3A : memref<!tpu.dma_semaphore, #tpu.memory_space<semaphore_mem>>)
      %dma_wait3A = arith.constant 0 : i32
      %dma_wait3A_155 = tpu.memref_slice %arg6[%mul3A_62, %dma_wait3A] : memref<10240x128xf32, #tpu.memory_space<vmem_shared>> -> memref<640x128xf32, #tpu.memory_space<vmem_shared>>
      tpu.wait_dma2 semaphore(%run_scoped3A : memref<!tpu.dma_semaphore, #tpu.memory_space<semaphore_mem>>) src(%arg4 : memref<640x128xf32, #tpu.memory_space<hbm>>) dst(%dma_wait3A_155 : memref<640x128xf32, #tpu.memory_space<vmem_shared>>)
      tpu.yield
    }) : () -> ()
    %add3A_63 = arith.constant 64 : i32
    %add3A_64 = arith.addi %add3A_63, %add3A : i32
    %mul3A_65 = arith.constant 128 : i32
    %mul3A_66 = arith.muli %add3A_64, %mul3A_65 : i32
    "tpu.region"() ({
      %run_scoped3A = tpu.sem_alloc : memref<!tpu.dma_semaphore, #tpu.memory_space<semaphore_mem>>
      %dma_start3A = arith.constant 0 : i32
      %dma_start3A_154 = tpu.memref_slice %arg2[%mul3A_66, %dma_start3A] : memref<20480x80xi32, #tpu.memory_space<hbm>> -> memref<128x80xi32, #tpu.memory_space<hbm>>
      %dma_start3A_155 = arith.constant 0 : i32
      %dma_start3A_156 = tpu.memref_slice %arg2[%mul3A_66, %dma_start3A_155] : memref<20480x80xi32, #tpu.memory_space<hbm>> -> memref<128x80xi32, #tpu.memory_space<hbm>>
      tpu.enqueue_dma source(%dma_start3A_156 : memref<128x80xi32, #tpu.memory_space<hbm>>) target(%arg7 : memref<128x80xi32, #tpu.memory_space<vmem>>) target_semaphore(%run_scoped3A : memref<!tpu.dma_semaphore, #tpu.memory_space<semaphore_mem>>)
      %dma_wait3A = arith.constant 0 : i32
      %dma_wait3A_157 = tpu.memref_slice %arg2[%mul3A_66, %dma_wait3A] : memref<20480x80xi32, #tpu.memory_space<hbm>> -> memref<128x80xi32, #tpu.memory_space<hbm>>
      %dma_wait3A_158 = arith.constant 0 : i32
      %dma_wait3A_159 = tpu.memref_slice %arg2[%mul3A_66, %dma_wait3A_158] : memref<20480x80xi32, #tpu.memory_space<hbm>> -> memref<128x80xi32, #tpu.memory_space<hbm>>
      tpu.wait_dma2 semaphore(%run_scoped3A : memref<!tpu.dma_semaphore, #tpu.memory_space<semaphore_mem>>) src(%dma_wait3A_159 : memref<128x80xi32, #tpu.memory_space<hbm>>) dst(%arg7 : memref<128x80xi32, #tpu.memory_space<vmem>>)
      tpu.yield
    }) : () -> ()
    %barrier3A_67 = arith.constant 0 : index
    tpu.barrier barrier_id(%barrier3A_67)
    %scan3A_68 = arith.constant 0 : i32
    %scan3A_69 = arith.constant 0 : i32
    %scan3A_70 = arith.constant 125 : i32
    %scan3A_71 = arith.addi %scan3A_69, %scan3A_70 : i32
    %scan3A_72 = arith.constant 1 : i32
    scf.for %scan3A_154 = %scan3A_69 to %scan3A_71 step %scan3A_72  : i32 {
      %dma_start3A = arith.constant 0 : i32
      %dma_start3A_155 = tpu.memref_slice %arg7[%scan3A_154, %dma_start3A] : memref<128x80xi32, #tpu.memory_space<vmem>> -> memref<1x80xi32, #tpu.memory_space<vmem>>
      %dma_start3A_156 = tpu.memref_squeeze %dma_start3A_155 : memref<1x80xi32, #tpu.memory_space<vmem>> -> memref<80xi32, #tpu.memory_space<vmem>>
      %dma_start3A_157 = arith.constant 0 : i32
      %dma_start3A_158 = arith.constant 0 : i32
      %dma_start3A_159 = tpu.memref_slice %arg6[%dma_start3A_157, %dma_start3A_158] : memref<10240x128xf32, #tpu.memory_space<vmem_shared>> -> memref<10240x128xf32, #tpu.memory_space<vmem_shared>>
      tpu.enqueue_indirect_dma source(%arg8 : memref<80x128xf32, #tpu.memory_space<vmem>>) target(%dma_start3A_159 : memref<10240x128xf32, #tpu.memory_space<vmem_shared>>) offsets(%dma_start3A_156 : memref<80xi32, #tpu.memory_space<vmem>>) semaphore(%arg9 : memref<!tpu.dma_semaphore, #tpu.memory_space<semaphore_mem>>) {add = true}
    }
    %scan3A_73 = arith.constant 125 : i32
    %scan3A_74 = arith.constant 0 : i32
    %scan3A_75 = arith.constant 0 : i32
    %scan3A_76 = arith.constant 125 : i32
    %scan3A_77 = arith.addi %scan3A_75, %scan3A_76 : i32
    %scan3A_78 = arith.constant 1 : i32
    scf.for %scan3A_154 = %scan3A_75 to %scan3A_77 step %scan3A_78  : i32 {
      %dma_wait3A = arith.constant 0 : i32
      %dma_wait3A_155 = tpu.memref_slice %arg7[%scan3A_154, %dma_wait3A] : memref<128x80xi32, #tpu.memory_space<vmem>> -> memref<1x80xi32, #tpu.memory_space<vmem>>
      %dma_wait3A_156 = tpu.memref_squeeze %dma_wait3A_155 : memref<1x80xi32, #tpu.memory_space<vmem>> -> memref<80xi32, #tpu.memory_space<vmem>>
      %dma_wait3A_157 = arith.constant 0 : i32
      %dma_wait3A_158 = arith.constant 0 : i32
      %dma_wait3A_159 = tpu.memref_slice %arg6[%dma_wait3A_157, %dma_wait3A_158] : memref<10240x128xf32, #tpu.memory_space<vmem_shared>> -> memref<10240x128xf32, #tpu.memory_space<vmem_shared>>
      tpu.wait_indirect_dma semaphore(%arg9 : memref<!tpu.dma_semaphore, #tpu.memory_space<semaphore_mem>>) src(%arg8 : memref<80x128xf32, #tpu.memory_space<vmem>>) dst(%dma_wait3A_159 : memref<10240x128xf32, #tpu.memory_space<vmem_shared>>)
    }
    %scan3A_79 = arith.constant 125 : i32
    %barrier3A_80 = arith.constant 0 : index
    tpu.barrier barrier_id(%barrier3A_80)
    %mul3A_81 = arith.constant 640 : i32
    %mul3A_82 = arith.muli %arg1, %mul3A_81 : i32
    %mul3A_83 = arith.constant 5 : i32
    %mul3A_84 = arith.muli %arg0, %mul3A_83 : i32
    %add3A_85 = arith.constant 2 : i32
    %add3A_86 = arith.addi %mul3A_84, %add3A_85 : i32
    %mul3A_87 = arith.constant 10240 : i32
    %mul3A_88 = arith.muli %add3A_86, %mul3A_87 : i32
    %mul3A_89 = arith.constant 640 : i32
    %mul3A_90 = arith.muli %arg1, %mul3A_89 : i32
    %add3A_91 = arith.addi %mul3A_88, %mul3A_90 : i32
    "tpu.region"() ({
      %run_scoped3A = tpu.sem_alloc : memref<!tpu.dma_semaphore, #tpu.memory_space<semaphore_mem>>
      %dma_start3A = arith.constant 0 : i32
      %dma_start3A_154 = tpu.memref_slice %arg5[%add3A_91, %dma_start3A] : memref<102400x128xf32, #tpu.memory_space<hbm>> -> memref<640x128xf32, #tpu.memory_space<hbm>>
      %dma_start3A_155 = arith.constant 0 : i32
      %dma_start3A_156 = tpu.memref_slice %arg6[%mul3A_82, %dma_start3A_155] : memref<10240x128xf32, #tpu.memory_space<vmem_shared>> -> memref<640x128xf32, #tpu.memory_space<vmem_shared>>
      tpu.enqueue_dma source(%dma_start3A_156 : memref<640x128xf32, #tpu.memory_space<vmem_shared>>) target(%dma_start3A_154 : memref<640x128xf32, #tpu.memory_space<hbm>>) target_semaphore(%run_scoped3A : memref<!tpu.dma_semaphore, #tpu.memory_space<semaphore_mem>>)
      %dma_wait3A = arith.constant 0 : i32
      %dma_wait3A_157 = tpu.memref_slice %arg5[%add3A_91, %dma_wait3A] : memref<102400x128xf32, #tpu.memory_space<hbm>> -> memref<640x128xf32, #tpu.memory_space<hbm>>
      %dma_wait3A_158 = arith.constant 0 : i32
      %dma_wait3A_159 = tpu.memref_slice %arg6[%mul3A_82, %dma_wait3A_158] : memref<10240x128xf32, #tpu.memory_space<vmem_shared>> -> memref<640x128xf32, #tpu.memory_space<vmem_shared>>
      tpu.wait_dma2 semaphore(%run_scoped3A : memref<!tpu.dma_semaphore, #tpu.memory_space<semaphore_mem>>) src(%dma_wait3A_159 : memref<640x128xf32, #tpu.memory_space<vmem_shared>>) dst(%dma_wait3A_157 : memref<640x128xf32, #tpu.memory_space<hbm>>)
      tpu.yield
    }) : () -> ()
    %mul3A_92 = arith.constant 640 : i32
    %mul3A_93 = arith.muli %arg1, %mul3A_92 : i32
    "tpu.region"() ({
      %run_scoped3A = tpu.sem_alloc : memref<!tpu.dma_semaphore, #tpu.memory_space<semaphore_mem>>
      %dma_start3A = arith.constant 0 : i32
      %dma_start3A_154 = tpu.memref_slice %arg6[%mul3A_93, %dma_start3A] : memref<10240x128xf32, #tpu.memory_space<vmem_shared>> -> memref<640x128xf32, #tpu.memory_space<vmem_shared>>
      tpu.enqueue_dma source(%arg4 : memref<640x128xf32, #tpu.memory_space<hbm>>) target(%dma_start3A_154 : memref<640x128xf32, #tpu.memory_space<vmem_shared>>) target_semaphore(%run_scoped3A : memref<!tpu.dma_semaphore, #tpu.memory_space<semaphore_mem>>)
      %dma_wait3A = arith.constant 0 : i32
      %dma_wait3A_155 = tpu.memref_slice %arg6[%mul3A_93, %dma_wait3A] : memref<10240x128xf32, #tpu.memory_space<vmem_shared>> -> memref<640x128xf32, #tpu.memory_space<vmem_shared>>
      tpu.wait_dma2 semaphore(%run_scoped3A : memref<!tpu.dma_semaphore, #tpu.memory_space<semaphore_mem>>) src(%arg4 : memref<640x128xf32, #tpu.memory_space<hbm>>) dst(%dma_wait3A_155 : memref<640x128xf32, #tpu.memory_space<vmem_shared>>)
      tpu.yield
    }) : () -> ()
    %add3A_94 = arith.constant 96 : i32
    %add3A_95 = arith.addi %add3A_94, %add3A : i32
    %mul3A_96 = arith.constant 128 : i32
    %mul3A_97 = arith.muli %add3A_95, %mul3A_96 : i32
    "tpu.region"() ({
      %run_scoped3A = tpu.sem_alloc : memref<!tpu.dma_semaphore, #tpu.memory_space<semaphore_mem>>
      %dma_start3A = arith.constant 0 : i32
      %dma_start3A_154 = tpu.memref_slice %arg2[%mul3A_97, %dma_start3A] : memref<20480x80xi32, #tpu.memory_space<hbm>> -> memref<128x80xi32, #tpu.memory_space<hbm>>
      %dma_start3A_155 = arith.constant 0 : i32
      %dma_start3A_156 = tpu.memref_slice %arg2[%mul3A_97, %dma_start3A_155] : memref<20480x80xi32, #tpu.memory_space<hbm>> -> memref<128x80xi32, #tpu.memory_space<hbm>>
      tpu.enqueue_dma source(%dma_start3A_156 : memref<128x80xi32, #tpu.memory_space<hbm>>) target(%arg7 : memref<128x80xi32, #tpu.memory_space<vmem>>) target_semaphore(%run_scoped3A : memref<!tpu.dma_semaphore, #tpu.memory_space<semaphore_mem>>)
      %dma_wait3A = arith.constant 0 : i32
      %dma_wait3A_157 = tpu.memref_slice %arg2[%mul3A_97, %dma_wait3A] : memref<20480x80xi32, #tpu.memory_space<hbm>> -> memref<128x80xi32, #tpu.memory_space<hbm>>
      %dma_wait3A_158 = arith.constant 0 : i32
      %dma_wait3A_159 = tpu.memref_slice %arg2[%mul3A_97, %dma_wait3A_158] : memref<20480x80xi32, #tpu.memory_space<hbm>> -> memref<128x80xi32, #tpu.memory_space<hbm>>
      tpu.wait_dma2 semaphore(%run_scoped3A : memref<!tpu.dma_semaphore, #tpu.memory_space<semaphore_mem>>) src(%dma_wait3A_159 : memref<128x80xi32, #tpu.memory_space<hbm>>) dst(%arg7 : memref<128x80xi32, #tpu.memory_space<vmem>>)
      tpu.yield
    }) : () -> ()
    %barrier3A_98 = arith.constant 0 : index
    tpu.barrier barrier_id(%barrier3A_98)
    %scan3A_99 = arith.constant 0 : i32
    %scan3A_100 = arith.constant 0 : i32
    %scan3A_101 = arith.constant 125 : i32
    %scan3A_102 = arith.addi %scan3A_100, %scan3A_101 : i32
    %scan3A_103 = arith.constant 1 : i32
    scf.for %scan3A_154 = %scan3A_100 to %scan3A_102 step %scan3A_103  : i32 {
      %dma_start3A = arith.constant 0 : i32
      %dma_start3A_155 = tpu.memref_slice %arg7[%scan3A_154, %dma_start3A] : memref<128x80xi32, #tpu.memory_space<vmem>> -> memref<1x80xi32, #tpu.memory_space<vmem>>
      %dma_start3A_156 = tpu.memref_squeeze %dma_start3A_155 : memref<1x80xi32, #tpu.memory_space<vmem>> -> memref<80xi32, #tpu.memory_space<vmem>>
      %dma_start3A_157 = arith.constant 0 : i32
      %dma_start3A_158 = arith.constant 0 : i32
      %dma_start3A_159 = tpu.memref_slice %arg6[%dma_start3A_157, %dma_start3A_158] : memref<10240x128xf32, #tpu.memory_space<vmem_shared>> -> memref<10240x128xf32, #tpu.memory_space<vmem_shared>>
      tpu.enqueue_indirect_dma source(%arg8 : memref<80x128xf32, #tpu.memory_space<vmem>>) target(%dma_start3A_159 : memref<10240x128xf32, #tpu.memory_space<vmem_shared>>) offsets(%dma_start3A_156 : memref<80xi32, #tpu.memory_space<vmem>>) semaphore(%arg9 : memref<!tpu.dma_semaphore, #tpu.memory_space<semaphore_mem>>) {add = true}
    }
    %scan3A_104 = arith.constant 125 : i32
    %scan3A_105 = arith.constant 0 : i32
    %scan3A_106 = arith.constant 0 : i32
    %scan3A_107 = arith.constant 125 : i32
    %scan3A_108 = arith.addi %scan3A_106, %scan3A_107 : i32
    %scan3A_109 = arith.constant 1 : i32
    scf.for %scan3A_154 = %scan3A_106 to %scan3A_108 step %scan3A_109  : i32 {
      %dma_wait3A = arith.constant 0 : i32
      %dma_wait3A_155 = tpu.memref_slice %arg7[%scan3A_154, %dma_wait3A] : memref<128x80xi32, #tpu.memory_space<vmem>> -> memref<1x80xi32, #tpu.memory_space<vmem>>
      %dma_wait3A_156 = tpu.memref_squeeze %dma_wait3A_155 : memref<1x80xi32, #tpu.memory_space<vmem>> -> memref<80xi32, #tpu.memory_space<vmem>>
      %dma_wait3A_157 = arith.constant 0 : i32
      %dma_wait3A_158 = arith.constant 0 : i32
      %dma_wait3A_159 = tpu.memref_slice %arg6[%dma_wait3A_157, %dma_wait3A_158] : memref<10240x128xf32, #tpu.memory_space<vmem_shared>> -> memref<10240x128xf32, #tpu.memory_space<vmem_shared>>
      tpu.wait_indirect_dma semaphore(%arg9 : memref<!tpu.dma_semaphore, #tpu.memory_space<semaphore_mem>>) src(%arg8 : memref<80x128xf32, #tpu.memory_space<vmem>>) dst(%dma_wait3A_159 : memref<10240x128xf32, #tpu.memory_space<vmem_shared>>)
    }
    %scan3A_110 = arith.constant 125 : i32
    %barrier3A_111 = arith.constant 0 : index
    tpu.barrier barrier_id(%barrier3A_111)
    %mul3A_112 = arith.constant 640 : i32
    %mul3A_113 = arith.muli %arg1, %mul3A_112 : i32
    %mul3A_114 = arith.constant 5 : i32
    %mul3A_115 = arith.muli %arg0, %mul3A_114 : i32
    %add3A_116 = arith.constant 3 : i32
    %add3A_117 = arith.addi %mul3A_115, %add3A_116 : i32
    %mul3A_118 = arith.constant 10240 : i32
    %mul3A_119 = arith.muli %add3A_117, %mul3A_118 : i32
    %mul3A_120 = arith.constant 640 : i32
    %mul3A_121 = arith.muli %arg1, %mul3A_120 : i32
    %add3A_122 = arith.addi %mul3A_119, %mul3A_121 : i32
    "tpu.region"() ({
      %run_scoped3A = tpu.sem_alloc : memref<!tpu.dma_semaphore, #tpu.memory_space<semaphore_mem>>
      %dma_start3A = arith.constant 0 : i32
      %dma_start3A_154 = tpu.memref_slice %arg5[%add3A_122, %dma_start3A] : memref<102400x128xf32, #tpu.memory_space<hbm>> -> memref<640x128xf32, #tpu.memory_space<hbm>>
      %dma_start3A_155 = arith.constant 0 : i32
      %dma_start3A_156 = tpu.memref_slice %arg6[%mul3A_113, %dma_start3A_155] : memref<10240x128xf32, #tpu.memory_space<vmem_shared>> -> memref<640x128xf32, #tpu.memory_space<vmem_shared>>
      tpu.enqueue_dma source(%dma_start3A_156 : memref<640x128xf32, #tpu.memory_space<vmem_shared>>) target(%dma_start3A_154 : memref<640x128xf32, #tpu.memory_space<hbm>>) target_semaphore(%run_scoped3A : memref<!tpu.dma_semaphore, #tpu.memory_space<semaphore_mem>>)
      %dma_wait3A = arith.constant 0 : i32
      %dma_wait3A_157 = tpu.memref_slice %arg5[%add3A_122, %dma_wait3A] : memref<102400x128xf32, #tpu.memory_space<hbm>> -> memref<640x128xf32, #tpu.memory_space<hbm>>
      %dma_wait3A_158 = arith.constant 0 : i32
      %dma_wait3A_159 = tpu.memref_slice %arg6[%mul3A_113, %dma_wait3A_158] : memref<10240x128xf32, #tpu.memory_space<vmem_shared>> -> memref<640x128xf32, #tpu.memory_space<vmem_shared>>
      tpu.wait_dma2 semaphore(%run_scoped3A : memref<!tpu.dma_semaphore, #tpu.memory_space<semaphore_mem>>) src(%dma_wait3A_159 : memref<640x128xf32, #tpu.memory_space<vmem_shared>>) dst(%dma_wait3A_157 : memref<640x128xf32, #tpu.memory_space<hbm>>)
      tpu.yield
    }) : () -> ()
    %mul3A_123 = arith.constant 640 : i32
    %mul3A_124 = arith.muli %arg1, %mul3A_123 : i32
    "tpu.region"() ({
      %run_scoped3A = tpu.sem_alloc : memref<!tpu.dma_semaphore, #tpu.memory_space<semaphore_mem>>
      %dma_start3A = arith.constant 0 : i32
      %dma_start3A_154 = tpu.memref_slice %arg6[%mul3A_124, %dma_start3A] : memref<10240x128xf32, #tpu.memory_space<vmem_shared>> -> memref<640x128xf32, #tpu.memory_space<vmem_shared>>
      tpu.enqueue_dma source(%arg4 : memref<640x128xf32, #tpu.memory_space<hbm>>) target(%dma_start3A_154 : memref<640x128xf32, #tpu.memory_space<vmem_shared>>) target_semaphore(%run_scoped3A : memref<!tpu.dma_semaphore, #tpu.memory_space<semaphore_mem>>)
      %dma_wait3A = arith.constant 0 : i32
      %dma_wait3A_155 = tpu.memref_slice %arg6[%mul3A_124, %dma_wait3A] : memref<10240x128xf32, #tpu.memory_space<vmem_shared>> -> memref<640x128xf32, #tpu.memory_space<vmem_shared>>
      tpu.wait_dma2 semaphore(%run_scoped3A : memref<!tpu.dma_semaphore, #tpu.memory_space<semaphore_mem>>) src(%arg4 : memref<640x128xf32, #tpu.memory_space<hbm>>) dst(%dma_wait3A_155 : memref<640x128xf32, #tpu.memory_space<vmem_shared>>)
      tpu.yield
    }) : () -> ()
    %add3A_125 = arith.constant 128 : i32
    %add3A_126 = arith.addi %add3A_125, %add3A : i32
    %mul3A_127 = arith.constant 128 : i32
    %mul3A_128 = arith.muli %add3A_126, %mul3A_127 : i32
    "tpu.region"() ({
      %run_scoped3A = tpu.sem_alloc : memref<!tpu.dma_semaphore, #tpu.memory_space<semaphore_mem>>
      %dma_start3A = arith.constant 0 : i32
      %dma_start3A_154 = tpu.memref_slice %arg2[%mul3A_128, %dma_start3A] : memref<20480x80xi32, #tpu.memory_space<hbm>> -> memref<128x80xi32, #tpu.memory_space<hbm>>
      %dma_start3A_155 = arith.constant 0 : i32
      %dma_start3A_156 = tpu.memref_slice %arg2[%mul3A_128, %dma_start3A_155] : memref<20480x80xi32, #tpu.memory_space<hbm>> -> memref<128x80xi32, #tpu.memory_space<hbm>>
      tpu.enqueue_dma source(%dma_start3A_156 : memref<128x80xi32, #tpu.memory_space<hbm>>) target(%arg7 : memref<128x80xi32, #tpu.memory_space<vmem>>) target_semaphore(%run_scoped3A : memref<!tpu.dma_semaphore, #tpu.memory_space<semaphore_mem>>)
      %dma_wait3A = arith.constant 0 : i32
      %dma_wait3A_157 = tpu.memref_slice %arg2[%mul3A_128, %dma_wait3A] : memref<20480x80xi32, #tpu.memory_space<hbm>> -> memref<128x80xi32, #tpu.memory_space<hbm>>
      %dma_wait3A_158 = arith.constant 0 : i32
      %dma_wait3A_159 = tpu.memref_slice %arg2[%mul3A_128, %dma_wait3A_158] : memref<20480x80xi32, #tpu.memory_space<hbm>> -> memref<128x80xi32, #tpu.memory_space<hbm>>
      tpu.wait_dma2 semaphore(%run_scoped3A : memref<!tpu.dma_semaphore, #tpu.memory_space<semaphore_mem>>) src(%dma_wait3A_159 : memref<128x80xi32, #tpu.memory_space<hbm>>) dst(%arg7 : memref<128x80xi32, #tpu.memory_space<vmem>>)
      tpu.yield
    }) : () -> ()
    %barrier3A_129 = arith.constant 0 : index
    tpu.barrier barrier_id(%barrier3A_129)
    %scan3A_130 = arith.constant 0 : i32
    %scan3A_131 = arith.constant 0 : i32
    %scan3A_132 = arith.constant 125 : i32
    %scan3A_133 = arith.addi %scan3A_131, %scan3A_132 : i32
    %scan3A_134 = arith.constant 1 : i32
    scf.for %scan3A_154 = %scan3A_131 to %scan3A_133 step %scan3A_134  : i32 {
      %dma_start3A = arith.constant 0 : i32
      %dma_start3A_155 = tpu.memref_slice %arg7[%scan3A_154, %dma_start3A] : memref<128x80xi32, #tpu.memory_space<vmem>> -> memref<1x80xi32, #tpu.memory_space<vmem>>
      %dma_start3A_156 = tpu.memref_squeeze %dma_start3A_155 : memref<1x80xi32, #tpu.memory_space<vmem>> -> memref<80xi32, #tpu.memory_space<vmem>>
      %dma_start3A_157 = arith.constant 0 : i32
      %dma_start3A_158 = arith.constant 0 : i32
      %dma_start3A_159 = tpu.memref_slice %arg6[%dma_start3A_157, %dma_start3A_158] : memref<10240x128xf32, #tpu.memory_space<vmem_shared>> -> memref<10240x128xf32, #tpu.memory_space<vmem_shared>>
      tpu.enqueue_indirect_dma source(%arg8 : memref<80x128xf32, #tpu.memory_space<vmem>>) target(%dma_start3A_159 : memref<10240x128xf32, #tpu.memory_space<vmem_shared>>) offsets(%dma_start3A_156 : memref<80xi32, #tpu.memory_space<vmem>>) semaphore(%arg9 : memref<!tpu.dma_semaphore, #tpu.memory_space<semaphore_mem>>) {add = true}
    }
    %scan3A_135 = arith.constant 125 : i32
    %scan3A_136 = arith.constant 0 : i32
    %scan3A_137 = arith.constant 0 : i32
    %scan3A_138 = arith.constant 125 : i32
    %scan3A_139 = arith.addi %scan3A_137, %scan3A_138 : i32
    %scan3A_140 = arith.constant 1 : i32
    scf.for %scan3A_154 = %scan3A_137 to %scan3A_139 step %scan3A_140  : i32 {
      %dma_wait3A = arith.constant 0 : i32
      %dma_wait3A_155 = tpu.memref_slice %arg7[%scan3A_154, %dma_wait3A] : memref<128x80xi32, #tpu.memory_space<vmem>> -> memref<1x80xi32, #tpu.memory_space<vmem>>
      %dma_wait3A_156 = tpu.memref_squeeze %dma_wait3A_155 : memref<1x80xi32, #tpu.memory_space<vmem>> -> memref<80xi32, #tpu.memory_space<vmem>>
      %dma_wait3A_157 = arith.constant 0 : i32
      %dma_wait3A_158 = arith.constant 0 : i32
      %dma_wait3A_159 = tpu.memref_slice %arg6[%dma_wait3A_157, %dma_wait3A_158] : memref<10240x128xf32, #tpu.memory_space<vmem_shared>> -> memref<10240x128xf32, #tpu.memory_space<vmem_shared>>
      tpu.wait_indirect_dma semaphore(%arg9 : memref<!tpu.dma_semaphore, #tpu.memory_space<semaphore_mem>>) src(%arg8 : memref<80x128xf32, #tpu.memory_space<vmem>>) dst(%dma_wait3A_159 : memref<10240x128xf32, #tpu.memory_space<vmem_shared>>)
    }
    %scan3A_141 = arith.constant 125 : i32
    %barrier3A_142 = arith.constant 0 : index
    tpu.barrier barrier_id(%barrier3A_142)
    %mul3A_143 = arith.constant 640 : i32
    %mul3A_144 = arith.muli %arg1, %mul3A_143 : i32
    %mul3A_145 = arith.constant 5 : i32
    %mul3A_146 = arith.muli %arg0, %mul3A_145 : i32
    %add3A_147 = arith.constant 4 : i32
    %add3A_148 = arith.addi %mul3A_146, %add3A_147 : i32
    %mul3A_149 = arith.constant 10240 : i32
    %mul3A_150 = arith.muli %add3A_148, %mul3A_149 : i32
    %mul3A_151 = arith.constant 640 : i32
    %mul3A_152 = arith.muli %arg1, %mul3A_151 : i32
    %add3A_153 = arith.addi %mul3A_150, %mul3A_152 : i32
    "tpu.region"() ({
      %run_scoped3A = tpu.sem_alloc : memref<!tpu.dma_semaphore, #tpu.memory_space<semaphore_mem>>
      %dma_start3A = arith.constant 0 : i32
      %dma_start3A_154 = tpu.memref_slice %arg5[%add3A_153, %dma_start3A] : memref<102400x128xf32, #tpu.memory_space<hbm>> -> memref<640x128xf32, #tpu.memory_space<hbm>>
      %dma_start3A_155 = arith.constant 0 : i32
      %dma_start3A_156 = tpu.memref_slice %arg6[%mul3A_144, %dma_start3A_155] : memref<10240x128xf32, #tpu.memory_space<vmem_shared>> -> memref<640x128xf32, #tpu.memory_space<vmem_shared>>
      tpu.enqueue_dma source(%dma_start3A_156 : memref<640x128xf32, #tpu.memory_space<vmem_shared>>) target(%dma_start3A_154 : memref<640x128xf32, #tpu.memory_space<hbm>>) target_semaphore(%run_scoped3A : memref<!tpu.dma_semaphore, #tpu.memory_space<semaphore_mem>>)
      %dma_wait3A = arith.constant 0 : i32
      %dma_wait3A_157 = tpu.memref_slice %arg5[%add3A_153, %dma_wait3A] : memref<102400x128xf32, #tpu.memory_space<hbm>> -> memref<640x128xf32, #tpu.memory_space<hbm>>
      %dma_wait3A_158 = arith.constant 0 : i32
      %dma_wait3A_159 = tpu.memref_slice %arg6[%mul3A_144, %dma_wait3A_158] : memref<10240x128xf32, #tpu.memory_space<vmem_shared>> -> memref<640x128xf32, #tpu.memory_space<vmem_shared>>
      tpu.wait_dma2 semaphore(%run_scoped3A : memref<!tpu.dma_semaphore, #tpu.memory_space<semaphore_mem>>) src(%dma_wait3A_159 : memref<640x128xf32, #tpu.memory_space<vmem_shared>>) dst(%dma_wait3A_157 : memref<640x128xf32, #tpu.memory_space<hbm>>)
      tpu.yield
    }) : () -> ()
    return
  }
}

#map = affine_map<(d0, d1) -> (0, 0)>
module attributes {stable_mosaic.version = 14 : i64} {
  func.func @_sc_agg(%arg0: i32, %arg1: i32, %arg2: memref<20480x80xi32, #tpu.memory_space<hbm>>, %arg3: memref<20480x80xi32, #tpu.memory_space<hbm>>, %arg4: memref<50000x128xf32, #tpu.memory_space<hbm>>, %arg5: memref<640x128xf32, #tpu.memory_space<hbm>>, %arg6: memref<102400x128xf32, #tpu.memory_space<hbm>>, %arg7: memref<10240x128xf32, #tpu.memory_space<vmem_shared>>, %arg8: memref<128x80xi32, #tpu.memory_space<vmem>>, %arg9: memref<128x80xi32, #tpu.memory_space<vmem>>, %arg10: memref<80x128xf32, #tpu.memory_space<vmem>>, %arg11: memref<!tpu.dma_semaphore, #tpu.memory_space<semaphore_mem>>) attributes {dimension_semantics = [#tpu.dimension_semantics<core_parallel>, #tpu.dimension_semantics<subcore_parallel>], iteration_bounds = array<i64: 2, 16>, scalar_prefetch = 0 : i64, scratch_operands = 5 : i64, tpu.core_type = #tpu.core_type<sc_vector_subcore>, window_params = [{transform_indices = #map}, {transform_indices = #map}, {transform_indices = #map}, {transform_indices = #map}, {transform_indices = #map}]} {
    %mul3A = arith.constant 2 : i32
    %mul3A_0 = arith.muli %arg1, %mul3A : i32
    %add3A = arith.addi %mul3A_0, %arg0 : i32
    %mul3A_1 = arith.constant 640 : i32
    %mul3A_2 = arith.muli %arg1, %mul3A_1 : i32
    "tpu.region"() ({
      %run_scoped3A = tpu.sem_alloc : memref<!tpu.dma_semaphore, #tpu.memory_space<semaphore_mem>>
      %dma_start3A = arith.constant 0 : i32
      %dma_start3A_124 = tpu.memref_slice %arg7[%mul3A_2, %dma_start3A] : memref<10240x128xf32, #tpu.memory_space<vmem_shared>> -> memref<640x128xf32, #tpu.memory_space<vmem_shared>>
      tpu.enqueue_dma source(%arg5 : memref<640x128xf32, #tpu.memory_space<hbm>>) target(%dma_start3A_124 : memref<640x128xf32, #tpu.memory_space<vmem_shared>>) target_semaphore(%run_scoped3A : memref<!tpu.dma_semaphore, #tpu.memory_space<semaphore_mem>>)
      %dma_wait3A = arith.constant 0 : i32
      %dma_wait3A_125 = tpu.memref_slice %arg7[%mul3A_2, %dma_wait3A] : memref<10240x128xf32, #tpu.memory_space<vmem_shared>> -> memref<640x128xf32, #tpu.memory_space<vmem_shared>>
      tpu.wait_dma2 semaphore(%run_scoped3A : memref<!tpu.dma_semaphore, #tpu.memory_space<semaphore_mem>>) src(%arg5 : memref<640x128xf32, #tpu.memory_space<hbm>>) dst(%dma_wait3A_125 : memref<640x128xf32, #tpu.memory_space<vmem_shared>>)
      tpu.yield
    }) : () -> ()
    %add3A_3 = arith.constant 0 : i32
    %add3A_4 = arith.addi %add3A_3, %add3A : i32
    %mul3A_5 = arith.constant 128 : i32
    %mul3A_6 = arith.muli %add3A_4, %mul3A_5 : i32
    "tpu.region"() ({
      %run_scoped3A = tpu.sem_alloc : memref<!tpu.dma_semaphore, #tpu.memory_space<semaphore_mem>>
      %dma_start3A = arith.constant 0 : i32
      %dma_start3A_124 = tpu.memref_slice %arg2[%mul3A_6, %dma_start3A] : memref<20480x80xi32, #tpu.memory_space<hbm>> -> memref<128x80xi32, #tpu.memory_space<hbm>>
      %dma_start3A_125 = arith.constant 0 : i32
      %dma_start3A_126 = tpu.memref_slice %arg2[%mul3A_6, %dma_start3A_125] : memref<20480x80xi32, #tpu.memory_space<hbm>> -> memref<128x80xi32, #tpu.memory_space<hbm>>
      tpu.enqueue_dma source(%dma_start3A_126 : memref<128x80xi32, #tpu.memory_space<hbm>>) target(%arg8 : memref<128x80xi32, #tpu.memory_space<vmem>>) target_semaphore(%run_scoped3A : memref<!tpu.dma_semaphore, #tpu.memory_space<semaphore_mem>>)
      %dma_wait3A = arith.constant 0 : i32
      %dma_wait3A_127 = tpu.memref_slice %arg2[%mul3A_6, %dma_wait3A] : memref<20480x80xi32, #tpu.memory_space<hbm>> -> memref<128x80xi32, #tpu.memory_space<hbm>>
      %dma_wait3A_128 = arith.constant 0 : i32
      %dma_wait3A_129 = tpu.memref_slice %arg2[%mul3A_6, %dma_wait3A_128] : memref<20480x80xi32, #tpu.memory_space<hbm>> -> memref<128x80xi32, #tpu.memory_space<hbm>>
      tpu.wait_dma2 semaphore(%run_scoped3A : memref<!tpu.dma_semaphore, #tpu.memory_space<semaphore_mem>>) src(%dma_wait3A_129 : memref<128x80xi32, #tpu.memory_space<hbm>>) dst(%arg8 : memref<128x80xi32, #tpu.memory_space<vmem>>)
      tpu.yield
    }) : () -> ()
    "tpu.region"() ({
      %run_scoped3A = tpu.sem_alloc : memref<!tpu.dma_semaphore, #tpu.memory_space<semaphore_mem>>
      %dma_start3A = arith.constant 0 : i32
      %dma_start3A_124 = tpu.memref_slice %arg3[%mul3A_6, %dma_start3A] : memref<20480x80xi32, #tpu.memory_space<hbm>> -> memref<128x80xi32, #tpu.memory_space<hbm>>
      %dma_start3A_125 = arith.constant 0 : i32
      %dma_start3A_126 = tpu.memref_slice %arg3[%mul3A_6, %dma_start3A_125] : memref<20480x80xi32, #tpu.memory_space<hbm>> -> memref<128x80xi32, #tpu.memory_space<hbm>>
      tpu.enqueue_dma source(%dma_start3A_126 : memref<128x80xi32, #tpu.memory_space<hbm>>) target(%arg9 : memref<128x80xi32, #tpu.memory_space<vmem>>) target_semaphore(%run_scoped3A : memref<!tpu.dma_semaphore, #tpu.memory_space<semaphore_mem>>)
      %dma_wait3A = arith.constant 0 : i32
      %dma_wait3A_127 = tpu.memref_slice %arg3[%mul3A_6, %dma_wait3A] : memref<20480x80xi32, #tpu.memory_space<hbm>> -> memref<128x80xi32, #tpu.memory_space<hbm>>
      %dma_wait3A_128 = arith.constant 0 : i32
      %dma_wait3A_129 = tpu.memref_slice %arg3[%mul3A_6, %dma_wait3A_128] : memref<20480x80xi32, #tpu.memory_space<hbm>> -> memref<128x80xi32, #tpu.memory_space<hbm>>
      tpu.wait_dma2 semaphore(%run_scoped3A : memref<!tpu.dma_semaphore, #tpu.memory_space<semaphore_mem>>) src(%dma_wait3A_129 : memref<128x80xi32, #tpu.memory_space<hbm>>) dst(%arg9 : memref<128x80xi32, #tpu.memory_space<vmem>>)
      tpu.yield
    }) : () -> ()
    %barrier3A = arith.constant 0 : index
    tpu.barrier barrier_id(%barrier3A)
    %scan3A = arith.constant 0 : i32
    %scan3A_7 = arith.constant 0 : i32
    %scan3A_8 = arith.constant 125 : i32
    %scan3A_9 = arith.addi %scan3A_7, %scan3A_8 : i32
    %scan3A_10 = arith.constant 1 : i32
    scf.for %scan3A_124 = %scan3A_7 to %scan3A_9 step %scan3A_10  : i32 {
      %dma_start3A = arith.constant 0 : i32
      %dma_start3A_125 = tpu.memref_slice %arg8[%scan3A_124, %dma_start3A] : memref<128x80xi32, #tpu.memory_space<vmem>> -> memref<1x80xi32, #tpu.memory_space<vmem>>
      %dma_start3A_126 = tpu.memref_squeeze %dma_start3A_125 : memref<1x80xi32, #tpu.memory_space<vmem>> -> memref<80xi32, #tpu.memory_space<vmem>>
      %dma_start3A_127 = arith.constant 0 : i32
      %dma_start3A_128 = arith.constant 0 : i32
      %dma_start3A_129 = tpu.memref_slice %arg4[%dma_start3A_127, %dma_start3A_128] : memref<50000x128xf32, #tpu.memory_space<hbm>> -> memref<50000x128xf32, #tpu.memory_space<hbm>>
      tpu.enqueue_indirect_dma source(%dma_start3A_129 : memref<50000x128xf32, #tpu.memory_space<hbm>>) target(%arg10 : memref<80x128xf32, #tpu.memory_space<vmem>>) offsets(%dma_start3A_126 : memref<80xi32, #tpu.memory_space<vmem>>) semaphore(%arg11 : memref<!tpu.dma_semaphore, #tpu.memory_space<semaphore_mem>>)
      %dma_wait3A = arith.constant 0 : i32
      %dma_wait3A_130 = tpu.memref_slice %arg8[%scan3A_124, %dma_wait3A] : memref<128x80xi32, #tpu.memory_space<vmem>> -> memref<1x80xi32, #tpu.memory_space<vmem>>
      %dma_wait3A_131 = tpu.memref_squeeze %dma_wait3A_130 : memref<1x80xi32, #tpu.memory_space<vmem>> -> memref<80xi32, #tpu.memory_space<vmem>>
      %dma_wait3A_132 = arith.constant 0 : i32
      %dma_wait3A_133 = arith.constant 0 : i32
      %dma_wait3A_134 = tpu.memref_slice %arg4[%dma_wait3A_132, %dma_wait3A_133] : memref<50000x128xf32, #tpu.memory_space<hbm>> -> memref<50000x128xf32, #tpu.memory_space<hbm>>
      tpu.wait_indirect_dma semaphore(%arg11 : memref<!tpu.dma_semaphore, #tpu.memory_space<semaphore_mem>>) src(%dma_wait3A_134 : memref<50000x128xf32, #tpu.memory_space<hbm>>) dst(%arg10 : memref<80x128xf32, #tpu.memory_space<vmem>>)
      "tpu.region"() ({
        %run_scoped3A = tpu.sem_alloc : memref<!tpu.dma_semaphore, #tpu.memory_space<semaphore_mem>>
        %dma_start3A_135 = arith.constant 0 : i32
        %dma_start3A_136 = tpu.memref_slice %arg9[%scan3A_124, %dma_start3A_135] : memref<128x80xi32, #tpu.memory_space<vmem>> -> memref<1x80xi32, #tpu.memory_space<vmem>>
        %dma_start3A_137 = tpu.memref_squeeze %dma_start3A_136 : memref<1x80xi32, #tpu.memory_space<vmem>> -> memref<80xi32, #tpu.memory_space<vmem>>
        %dma_start3A_138 = arith.constant 0 : i32
        %dma_start3A_139 = arith.constant 0 : i32
        %dma_start3A_140 = tpu.memref_slice %arg7[%dma_start3A_138, %dma_start3A_139] : memref<10240x128xf32, #tpu.memory_space<vmem_shared>> -> memref<10240x128xf32, #tpu.memory_space<vmem_shared>>
        tpu.enqueue_indirect_dma source(%arg10 : memref<80x128xf32, #tpu.memory_space<vmem>>) target(%dma_start3A_140 : memref<10240x128xf32, #tpu.memory_space<vmem_shared>>) offsets(%dma_start3A_137 : memref<80xi32, #tpu.memory_space<vmem>>) semaphore(%run_scoped3A : memref<!tpu.dma_semaphore, #tpu.memory_space<semaphore_mem>>) {add = true}
        %dma_wait3A_141 = arith.constant 0 : i32
        %dma_wait3A_142 = tpu.memref_slice %arg9[%scan3A_124, %dma_wait3A_141] : memref<128x80xi32, #tpu.memory_space<vmem>> -> memref<1x80xi32, #tpu.memory_space<vmem>>
        %dma_wait3A_143 = tpu.memref_squeeze %dma_wait3A_142 : memref<1x80xi32, #tpu.memory_space<vmem>> -> memref<80xi32, #tpu.memory_space<vmem>>
        %dma_wait3A_144 = arith.constant 0 : i32
        %dma_wait3A_145 = arith.constant 0 : i32
        %dma_wait3A_146 = tpu.memref_slice %arg7[%dma_wait3A_144, %dma_wait3A_145] : memref<10240x128xf32, #tpu.memory_space<vmem_shared>> -> memref<10240x128xf32, #tpu.memory_space<vmem_shared>>
        tpu.wait_indirect_dma semaphore(%run_scoped3A : memref<!tpu.dma_semaphore, #tpu.memory_space<semaphore_mem>>) src(%arg10 : memref<80x128xf32, #tpu.memory_space<vmem>>) dst(%dma_wait3A_146 : memref<10240x128xf32, #tpu.memory_space<vmem_shared>>)
        tpu.yield
      }) : () -> ()
    }
    %scan3A_11 = arith.constant 125 : i32
    %barrier3A_12 = arith.constant 0 : index
    tpu.barrier barrier_id(%barrier3A_12)
    %mul3A_13 = arith.constant 640 : i32
    %mul3A_14 = arith.muli %arg1, %mul3A_13 : i32
    %mul3A_15 = arith.constant 5 : i32
    %mul3A_16 = arith.muli %arg0, %mul3A_15 : i32
    %add3A_17 = arith.constant 0 : i32
    %add3A_18 = arith.addi %mul3A_16, %add3A_17 : i32
    %mul3A_19 = arith.constant 10240 : i32
    %mul3A_20 = arith.muli %add3A_18, %mul3A_19 : i32
    %mul3A_21 = arith.constant 640 : i32
    %mul3A_22 = arith.muli %arg1, %mul3A_21 : i32
    %add3A_23 = arith.addi %mul3A_20, %mul3A_22 : i32
    "tpu.region"() ({
      %run_scoped3A = tpu.sem_alloc : memref<!tpu.dma_semaphore, #tpu.memory_space<semaphore_mem>>
      %dma_start3A = arith.constant 0 : i32
      %dma_start3A_124 = tpu.memref_slice %arg6[%add3A_23, %dma_start3A] : memref<102400x128xf32, #tpu.memory_space<hbm>> -> memref<640x128xf32, #tpu.memory_space<hbm>>
      %dma_start3A_125 = arith.constant 0 : i32
      %dma_start3A_126 = tpu.memref_slice %arg7[%mul3A_14, %dma_start3A_125] : memref<10240x128xf32, #tpu.memory_space<vmem_shared>> -> memref<640x128xf32, #tpu.memory_space<vmem_shared>>
      tpu.enqueue_dma source(%dma_start3A_126 : memref<640x128xf32, #tpu.memory_space<vmem_shared>>) target(%dma_start3A_124 : memref<640x128xf32, #tpu.memory_space<hbm>>) target_semaphore(%run_scoped3A : memref<!tpu.dma_semaphore, #tpu.memory_space<semaphore_mem>>)
      %dma_wait3A = arith.constant 0 : i32
      %dma_wait3A_127 = tpu.memref_slice %arg6[%add3A_23, %dma_wait3A] : memref<102400x128xf32, #tpu.memory_space<hbm>> -> memref<640x128xf32, #tpu.memory_space<hbm>>
      %dma_wait3A_128 = arith.constant 0 : i32
      %dma_wait3A_129 = tpu.memref_slice %arg7[%mul3A_14, %dma_wait3A_128] : memref<10240x128xf32, #tpu.memory_space<vmem_shared>> -> memref<640x128xf32, #tpu.memory_space<vmem_shared>>
      tpu.wait_dma2 semaphore(%run_scoped3A : memref<!tpu.dma_semaphore, #tpu.memory_space<semaphore_mem>>) src(%dma_wait3A_129 : memref<640x128xf32, #tpu.memory_space<vmem_shared>>) dst(%dma_wait3A_127 : memref<640x128xf32, #tpu.memory_space<hbm>>)
      tpu.yield
    }) : () -> ()
    %mul3A_24 = arith.constant 640 : i32
    %mul3A_25 = arith.muli %arg1, %mul3A_24 : i32
    "tpu.region"() ({
      %run_scoped3A = tpu.sem_alloc : memref<!tpu.dma_semaphore, #tpu.memory_space<semaphore_mem>>
      %dma_start3A = arith.constant 0 : i32
      %dma_start3A_124 = tpu.memref_slice %arg7[%mul3A_25, %dma_start3A] : memref<10240x128xf32, #tpu.memory_space<vmem_shared>> -> memref<640x128xf32, #tpu.memory_space<vmem_shared>>
      tpu.enqueue_dma source(%arg5 : memref<640x128xf32, #tpu.memory_space<hbm>>) target(%dma_start3A_124 : memref<640x128xf32, #tpu.memory_space<vmem_shared>>) target_semaphore(%run_scoped3A : memref<!tpu.dma_semaphore, #tpu.memory_space<semaphore_mem>>)
      %dma_wait3A = arith.constant 0 : i32
      %dma_wait3A_125 = tpu.memref_slice %arg7[%mul3A_25, %dma_wait3A] : memref<10240x128xf32, #tpu.memory_space<vmem_shared>> -> memref<640x128xf32, #tpu.memory_space<vmem_shared>>
      tpu.wait_dma2 semaphore(%run_scoped3A : memref<!tpu.dma_semaphore, #tpu.memory_space<semaphore_mem>>) src(%arg5 : memref<640x128xf32, #tpu.memory_space<hbm>>) dst(%dma_wait3A_125 : memref<640x128xf32, #tpu.memory_space<vmem_shared>>)
      tpu.yield
    }) : () -> ()
    %add3A_26 = arith.constant 32 : i32
    %add3A_27 = arith.addi %add3A_26, %add3A : i32
    %mul3A_28 = arith.constant 128 : i32
    %mul3A_29 = arith.muli %add3A_27, %mul3A_28 : i32
    "tpu.region"() ({
      %run_scoped3A = tpu.sem_alloc : memref<!tpu.dma_semaphore, #tpu.memory_space<semaphore_mem>>
      %dma_start3A = arith.constant 0 : i32
      %dma_start3A_124 = tpu.memref_slice %arg2[%mul3A_29, %dma_start3A] : memref<20480x80xi32, #tpu.memory_space<hbm>> -> memref<128x80xi32, #tpu.memory_space<hbm>>
      %dma_start3A_125 = arith.constant 0 : i32
      %dma_start3A_126 = tpu.memref_slice %arg2[%mul3A_29, %dma_start3A_125] : memref<20480x80xi32, #tpu.memory_space<hbm>> -> memref<128x80xi32, #tpu.memory_space<hbm>>
      tpu.enqueue_dma source(%dma_start3A_126 : memref<128x80xi32, #tpu.memory_space<hbm>>) target(%arg8 : memref<128x80xi32, #tpu.memory_space<vmem>>) target_semaphore(%run_scoped3A : memref<!tpu.dma_semaphore, #tpu.memory_space<semaphore_mem>>)
      %dma_wait3A = arith.constant 0 : i32
      %dma_wait3A_127 = tpu.memref_slice %arg2[%mul3A_29, %dma_wait3A] : memref<20480x80xi32, #tpu.memory_space<hbm>> -> memref<128x80xi32, #tpu.memory_space<hbm>>
      %dma_wait3A_128 = arith.constant 0 : i32
      %dma_wait3A_129 = tpu.memref_slice %arg2[%mul3A_29, %dma_wait3A_128] : memref<20480x80xi32, #tpu.memory_space<hbm>> -> memref<128x80xi32, #tpu.memory_space<hbm>>
      tpu.wait_dma2 semaphore(%run_scoped3A : memref<!tpu.dma_semaphore, #tpu.memory_space<semaphore_mem>>) src(%dma_wait3A_129 : memref<128x80xi32, #tpu.memory_space<hbm>>) dst(%arg8 : memref<128x80xi32, #tpu.memory_space<vmem>>)
      tpu.yield
    }) : () -> ()
    "tpu.region"() ({
      %run_scoped3A = tpu.sem_alloc : memref<!tpu.dma_semaphore, #tpu.memory_space<semaphore_mem>>
      %dma_start3A = arith.constant 0 : i32
      %dma_start3A_124 = tpu.memref_slice %arg3[%mul3A_29, %dma_start3A] : memref<20480x80xi32, #tpu.memory_space<hbm>> -> memref<128x80xi32, #tpu.memory_space<hbm>>
      %dma_start3A_125 = arith.constant 0 : i32
      %dma_start3A_126 = tpu.memref_slice %arg3[%mul3A_29, %dma_start3A_125] : memref<20480x80xi32, #tpu.memory_space<hbm>> -> memref<128x80xi32, #tpu.memory_space<hbm>>
      tpu.enqueue_dma source(%dma_start3A_126 : memref<128x80xi32, #tpu.memory_space<hbm>>) target(%arg9 : memref<128x80xi32, #tpu.memory_space<vmem>>) target_semaphore(%run_scoped3A : memref<!tpu.dma_semaphore, #tpu.memory_space<semaphore_mem>>)
      %dma_wait3A = arith.constant 0 : i32
      %dma_wait3A_127 = tpu.memref_slice %arg3[%mul3A_29, %dma_wait3A] : memref<20480x80xi32, #tpu.memory_space<hbm>> -> memref<128x80xi32, #tpu.memory_space<hbm>>
      %dma_wait3A_128 = arith.constant 0 : i32
      %dma_wait3A_129 = tpu.memref_slice %arg3[%mul3A_29, %dma_wait3A_128] : memref<20480x80xi32, #tpu.memory_space<hbm>> -> memref<128x80xi32, #tpu.memory_space<hbm>>
      tpu.wait_dma2 semaphore(%run_scoped3A : memref<!tpu.dma_semaphore, #tpu.memory_space<semaphore_mem>>) src(%dma_wait3A_129 : memref<128x80xi32, #tpu.memory_space<hbm>>) dst(%arg9 : memref<128x80xi32, #tpu.memory_space<vmem>>)
      tpu.yield
    }) : () -> ()
    %barrier3A_30 = arith.constant 0 : index
    tpu.barrier barrier_id(%barrier3A_30)
    %scan3A_31 = arith.constant 0 : i32
    %scan3A_32 = arith.constant 0 : i32
    %scan3A_33 = arith.constant 125 : i32
    %scan3A_34 = arith.addi %scan3A_32, %scan3A_33 : i32
    %scan3A_35 = arith.constant 1 : i32
    scf.for %scan3A_124 = %scan3A_32 to %scan3A_34 step %scan3A_35  : i32 {
      %dma_start3A = arith.constant 0 : i32
      %dma_start3A_125 = tpu.memref_slice %arg8[%scan3A_124, %dma_start3A] : memref<128x80xi32, #tpu.memory_space<vmem>> -> memref<1x80xi32, #tpu.memory_space<vmem>>
      %dma_start3A_126 = tpu.memref_squeeze %dma_start3A_125 : memref<1x80xi32, #tpu.memory_space<vmem>> -> memref<80xi32, #tpu.memory_space<vmem>>
      %dma_start3A_127 = arith.constant 0 : i32
      %dma_start3A_128 = arith.constant 0 : i32
      %dma_start3A_129 = tpu.memref_slice %arg4[%dma_start3A_127, %dma_start3A_128] : memref<50000x128xf32, #tpu.memory_space<hbm>> -> memref<50000x128xf32, #tpu.memory_space<hbm>>
      tpu.enqueue_indirect_dma source(%dma_start3A_129 : memref<50000x128xf32, #tpu.memory_space<hbm>>) target(%arg10 : memref<80x128xf32, #tpu.memory_space<vmem>>) offsets(%dma_start3A_126 : memref<80xi32, #tpu.memory_space<vmem>>) semaphore(%arg11 : memref<!tpu.dma_semaphore, #tpu.memory_space<semaphore_mem>>)
      %dma_wait3A = arith.constant 0 : i32
      %dma_wait3A_130 = tpu.memref_slice %arg8[%scan3A_124, %dma_wait3A] : memref<128x80xi32, #tpu.memory_space<vmem>> -> memref<1x80xi32, #tpu.memory_space<vmem>>
      %dma_wait3A_131 = tpu.memref_squeeze %dma_wait3A_130 : memref<1x80xi32, #tpu.memory_space<vmem>> -> memref<80xi32, #tpu.memory_space<vmem>>
      %dma_wait3A_132 = arith.constant 0 : i32
      %dma_wait3A_133 = arith.constant 0 : i32
      %dma_wait3A_134 = tpu.memref_slice %arg4[%dma_wait3A_132, %dma_wait3A_133] : memref<50000x128xf32, #tpu.memory_space<hbm>> -> memref<50000x128xf32, #tpu.memory_space<hbm>>
      tpu.wait_indirect_dma semaphore(%arg11 : memref<!tpu.dma_semaphore, #tpu.memory_space<semaphore_mem>>) src(%dma_wait3A_134 : memref<50000x128xf32, #tpu.memory_space<hbm>>) dst(%arg10 : memref<80x128xf32, #tpu.memory_space<vmem>>)
      "tpu.region"() ({
        %run_scoped3A = tpu.sem_alloc : memref<!tpu.dma_semaphore, #tpu.memory_space<semaphore_mem>>
        %dma_start3A_135 = arith.constant 0 : i32
        %dma_start3A_136 = tpu.memref_slice %arg9[%scan3A_124, %dma_start3A_135] : memref<128x80xi32, #tpu.memory_space<vmem>> -> memref<1x80xi32, #tpu.memory_space<vmem>>
        %dma_start3A_137 = tpu.memref_squeeze %dma_start3A_136 : memref<1x80xi32, #tpu.memory_space<vmem>> -> memref<80xi32, #tpu.memory_space<vmem>>
        %dma_start3A_138 = arith.constant 0 : i32
        %dma_start3A_139 = arith.constant 0 : i32
        %dma_start3A_140 = tpu.memref_slice %arg7[%dma_start3A_138, %dma_start3A_139] : memref<10240x128xf32, #tpu.memory_space<vmem_shared>> -> memref<10240x128xf32, #tpu.memory_space<vmem_shared>>
        tpu.enqueue_indirect_dma source(%arg10 : memref<80x128xf32, #tpu.memory_space<vmem>>) target(%dma_start3A_140 : memref<10240x128xf32, #tpu.memory_space<vmem_shared>>) offsets(%dma_start3A_137 : memref<80xi32, #tpu.memory_space<vmem>>) semaphore(%run_scoped3A : memref<!tpu.dma_semaphore, #tpu.memory_space<semaphore_mem>>) {add = true}
        %dma_wait3A_141 = arith.constant 0 : i32
        %dma_wait3A_142 = tpu.memref_slice %arg9[%scan3A_124, %dma_wait3A_141] : memref<128x80xi32, #tpu.memory_space<vmem>> -> memref<1x80xi32, #tpu.memory_space<vmem>>
        %dma_wait3A_143 = tpu.memref_squeeze %dma_wait3A_142 : memref<1x80xi32, #tpu.memory_space<vmem>> -> memref<80xi32, #tpu.memory_space<vmem>>
        %dma_wait3A_144 = arith.constant 0 : i32
        %dma_wait3A_145 = arith.constant 0 : i32
        %dma_wait3A_146 = tpu.memref_slice %arg7[%dma_wait3A_144, %dma_wait3A_145] : memref<10240x128xf32, #tpu.memory_space<vmem_shared>> -> memref<10240x128xf32, #tpu.memory_space<vmem_shared>>
        tpu.wait_indirect_dma semaphore(%run_scoped3A : memref<!tpu.dma_semaphore, #tpu.memory_space<semaphore_mem>>) src(%arg10 : memref<80x128xf32, #tpu.memory_space<vmem>>) dst(%dma_wait3A_146 : memref<10240x128xf32, #tpu.memory_space<vmem_shared>>)
        tpu.yield
      }) : () -> ()
    }
    %scan3A_36 = arith.constant 125 : i32
    %barrier3A_37 = arith.constant 0 : index
    tpu.barrier barrier_id(%barrier3A_37)
    %mul3A_38 = arith.constant 640 : i32
    %mul3A_39 = arith.muli %arg1, %mul3A_38 : i32
    %mul3A_40 = arith.constant 5 : i32
    %mul3A_41 = arith.muli %arg0, %mul3A_40 : i32
    %add3A_42 = arith.constant 1 : i32
    %add3A_43 = arith.addi %mul3A_41, %add3A_42 : i32
    %mul3A_44 = arith.constant 10240 : i32
    %mul3A_45 = arith.muli %add3A_43, %mul3A_44 : i32
    %mul3A_46 = arith.constant 640 : i32
    %mul3A_47 = arith.muli %arg1, %mul3A_46 : i32
    %add3A_48 = arith.addi %mul3A_45, %mul3A_47 : i32
    "tpu.region"() ({
      %run_scoped3A = tpu.sem_alloc : memref<!tpu.dma_semaphore, #tpu.memory_space<semaphore_mem>>
      %dma_start3A = arith.constant 0 : i32
      %dma_start3A_124 = tpu.memref_slice %arg6[%add3A_48, %dma_start3A] : memref<102400x128xf32, #tpu.memory_space<hbm>> -> memref<640x128xf32, #tpu.memory_space<hbm>>
      %dma_start3A_125 = arith.constant 0 : i32
      %dma_start3A_126 = tpu.memref_slice %arg7[%mul3A_39, %dma_start3A_125] : memref<10240x128xf32, #tpu.memory_space<vmem_shared>> -> memref<640x128xf32, #tpu.memory_space<vmem_shared>>
      tpu.enqueue_dma source(%dma_start3A_126 : memref<640x128xf32, #tpu.memory_space<vmem_shared>>) target(%dma_start3A_124 : memref<640x128xf32, #tpu.memory_space<hbm>>) target_semaphore(%run_scoped3A : memref<!tpu.dma_semaphore, #tpu.memory_space<semaphore_mem>>)
      %dma_wait3A = arith.constant 0 : i32
      %dma_wait3A_127 = tpu.memref_slice %arg6[%add3A_48, %dma_wait3A] : memref<102400x128xf32, #tpu.memory_space<hbm>> -> memref<640x128xf32, #tpu.memory_space<hbm>>
      %dma_wait3A_128 = arith.constant 0 : i32
      %dma_wait3A_129 = tpu.memref_slice %arg7[%mul3A_39, %dma_wait3A_128] : memref<10240x128xf32, #tpu.memory_space<vmem_shared>> -> memref<640x128xf32, #tpu.memory_space<vmem_shared>>
      tpu.wait_dma2 semaphore(%run_scoped3A : memref<!tpu.dma_semaphore, #tpu.memory_space<semaphore_mem>>) src(%dma_wait3A_129 : memref<640x128xf32, #tpu.memory_space<vmem_shared>>) dst(%dma_wait3A_127 : memref<640x128xf32, #tpu.memory_space<hbm>>)
      tpu.yield
    }) : () -> ()
    %mul3A_49 = arith.constant 640 : i32
    %mul3A_50 = arith.muli %arg1, %mul3A_49 : i32
    "tpu.region"() ({
      %run_scoped3A = tpu.sem_alloc : memref<!tpu.dma_semaphore, #tpu.memory_space<semaphore_mem>>
      %dma_start3A = arith.constant 0 : i32
      %dma_start3A_124 = tpu.memref_slice %arg7[%mul3A_50, %dma_start3A] : memref<10240x128xf32, #tpu.memory_space<vmem_shared>> -> memref<640x128xf32, #tpu.memory_space<vmem_shared>>
      tpu.enqueue_dma source(%arg5 : memref<640x128xf32, #tpu.memory_space<hbm>>) target(%dma_start3A_124 : memref<640x128xf32, #tpu.memory_space<vmem_shared>>) target_semaphore(%run_scoped3A : memref<!tpu.dma_semaphore, #tpu.memory_space<semaphore_mem>>)
      %dma_wait3A = arith.constant 0 : i32
      %dma_wait3A_125 = tpu.memref_slice %arg7[%mul3A_50, %dma_wait3A] : memref<10240x128xf32, #tpu.memory_space<vmem_shared>> -> memref<640x128xf32, #tpu.memory_space<vmem_shared>>
      tpu.wait_dma2 semaphore(%run_scoped3A : memref<!tpu.dma_semaphore, #tpu.memory_space<semaphore_mem>>) src(%arg5 : memref<640x128xf32, #tpu.memory_space<hbm>>) dst(%dma_wait3A_125 : memref<640x128xf32, #tpu.memory_space<vmem_shared>>)
      tpu.yield
    }) : () -> ()
    %add3A_51 = arith.constant 64 : i32
    %add3A_52 = arith.addi %add3A_51, %add3A : i32
    %mul3A_53 = arith.constant 128 : i32
    %mul3A_54 = arith.muli %add3A_52, %mul3A_53 : i32
    "tpu.region"() ({
      %run_scoped3A = tpu.sem_alloc : memref<!tpu.dma_semaphore, #tpu.memory_space<semaphore_mem>>
      %dma_start3A = arith.constant 0 : i32
      %dma_start3A_124 = tpu.memref_slice %arg2[%mul3A_54, %dma_start3A] : memref<20480x80xi32, #tpu.memory_space<hbm>> -> memref<128x80xi32, #tpu.memory_space<hbm>>
      %dma_start3A_125 = arith.constant 0 : i32
      %dma_start3A_126 = tpu.memref_slice %arg2[%mul3A_54, %dma_start3A_125] : memref<20480x80xi32, #tpu.memory_space<hbm>> -> memref<128x80xi32, #tpu.memory_space<hbm>>
      tpu.enqueue_dma source(%dma_start3A_126 : memref<128x80xi32, #tpu.memory_space<hbm>>) target(%arg8 : memref<128x80xi32, #tpu.memory_space<vmem>>) target_semaphore(%run_scoped3A : memref<!tpu.dma_semaphore, #tpu.memory_space<semaphore_mem>>)
      %dma_wait3A = arith.constant 0 : i32
      %dma_wait3A_127 = tpu.memref_slice %arg2[%mul3A_54, %dma_wait3A] : memref<20480x80xi32, #tpu.memory_space<hbm>> -> memref<128x80xi32, #tpu.memory_space<hbm>>
      %dma_wait3A_128 = arith.constant 0 : i32
      %dma_wait3A_129 = tpu.memref_slice %arg2[%mul3A_54, %dma_wait3A_128] : memref<20480x80xi32, #tpu.memory_space<hbm>> -> memref<128x80xi32, #tpu.memory_space<hbm>>
      tpu.wait_dma2 semaphore(%run_scoped3A : memref<!tpu.dma_semaphore, #tpu.memory_space<semaphore_mem>>) src(%dma_wait3A_129 : memref<128x80xi32, #tpu.memory_space<hbm>>) dst(%arg8 : memref<128x80xi32, #tpu.memory_space<vmem>>)
      tpu.yield
    }) : () -> ()
    "tpu.region"() ({
      %run_scoped3A = tpu.sem_alloc : memref<!tpu.dma_semaphore, #tpu.memory_space<semaphore_mem>>
      %dma_start3A = arith.constant 0 : i32
      %dma_start3A_124 = tpu.memref_slice %arg3[%mul3A_54, %dma_start3A] : memref<20480x80xi32, #tpu.memory_space<hbm>> -> memref<128x80xi32, #tpu.memory_space<hbm>>
      %dma_start3A_125 = arith.constant 0 : i32
      %dma_start3A_126 = tpu.memref_slice %arg3[%mul3A_54, %dma_start3A_125] : memref<20480x80xi32, #tpu.memory_space<hbm>> -> memref<128x80xi32, #tpu.memory_space<hbm>>
      tpu.enqueue_dma source(%dma_start3A_126 : memref<128x80xi32, #tpu.memory_space<hbm>>) target(%arg9 : memref<128x80xi32, #tpu.memory_space<vmem>>) target_semaphore(%run_scoped3A : memref<!tpu.dma_semaphore, #tpu.memory_space<semaphore_mem>>)
      %dma_wait3A = arith.constant 0 : i32
      %dma_wait3A_127 = tpu.memref_slice %arg3[%mul3A_54, %dma_wait3A] : memref<20480x80xi32, #tpu.memory_space<hbm>> -> memref<128x80xi32, #tpu.memory_space<hbm>>
      %dma_wait3A_128 = arith.constant 0 : i32
      %dma_wait3A_129 = tpu.memref_slice %arg3[%mul3A_54, %dma_wait3A_128] : memref<20480x80xi32, #tpu.memory_space<hbm>> -> memref<128x80xi32, #tpu.memory_space<hbm>>
      tpu.wait_dma2 semaphore(%run_scoped3A : memref<!tpu.dma_semaphore, #tpu.memory_space<semaphore_mem>>) src(%dma_wait3A_129 : memref<128x80xi32, #tpu.memory_space<hbm>>) dst(%arg9 : memref<128x80xi32, #tpu.memory_space<vmem>>)
      tpu.yield
    }) : () -> ()
    %barrier3A_55 = arith.constant 0 : index
    tpu.barrier barrier_id(%barrier3A_55)
    %scan3A_56 = arith.constant 0 : i32
    %scan3A_57 = arith.constant 0 : i32
    %scan3A_58 = arith.constant 125 : i32
    %scan3A_59 = arith.addi %scan3A_57, %scan3A_58 : i32
    %scan3A_60 = arith.constant 1 : i32
    scf.for %scan3A_124 = %scan3A_57 to %scan3A_59 step %scan3A_60  : i32 {
      %dma_start3A = arith.constant 0 : i32
      %dma_start3A_125 = tpu.memref_slice %arg8[%scan3A_124, %dma_start3A] : memref<128x80xi32, #tpu.memory_space<vmem>> -> memref<1x80xi32, #tpu.memory_space<vmem>>
      %dma_start3A_126 = tpu.memref_squeeze %dma_start3A_125 : memref<1x80xi32, #tpu.memory_space<vmem>> -> memref<80xi32, #tpu.memory_space<vmem>>
      %dma_start3A_127 = arith.constant 0 : i32
      %dma_start3A_128 = arith.constant 0 : i32
      %dma_start3A_129 = tpu.memref_slice %arg4[%dma_start3A_127, %dma_start3A_128] : memref<50000x128xf32, #tpu.memory_space<hbm>> -> memref<50000x128xf32, #tpu.memory_space<hbm>>
      tpu.enqueue_indirect_dma source(%dma_start3A_129 : memref<50000x128xf32, #tpu.memory_space<hbm>>) target(%arg10 : memref<80x128xf32, #tpu.memory_space<vmem>>) offsets(%dma_start3A_126 : memref<80xi32, #tpu.memory_space<vmem>>) semaphore(%arg11 : memref<!tpu.dma_semaphore, #tpu.memory_space<semaphore_mem>>)
      %dma_wait3A = arith.constant 0 : i32
      %dma_wait3A_130 = tpu.memref_slice %arg8[%scan3A_124, %dma_wait3A] : memref<128x80xi32, #tpu.memory_space<vmem>> -> memref<1x80xi32, #tpu.memory_space<vmem>>
      %dma_wait3A_131 = tpu.memref_squeeze %dma_wait3A_130 : memref<1x80xi32, #tpu.memory_space<vmem>> -> memref<80xi32, #tpu.memory_space<vmem>>
      %dma_wait3A_132 = arith.constant 0 : i32
      %dma_wait3A_133 = arith.constant 0 : i32
      %dma_wait3A_134 = tpu.memref_slice %arg4[%dma_wait3A_132, %dma_wait3A_133] : memref<50000x128xf32, #tpu.memory_space<hbm>> -> memref<50000x128xf32, #tpu.memory_space<hbm>>
      tpu.wait_indirect_dma semaphore(%arg11 : memref<!tpu.dma_semaphore, #tpu.memory_space<semaphore_mem>>) src(%dma_wait3A_134 : memref<50000x128xf32, #tpu.memory_space<hbm>>) dst(%arg10 : memref<80x128xf32, #tpu.memory_space<vmem>>)
      "tpu.region"() ({
        %run_scoped3A = tpu.sem_alloc : memref<!tpu.dma_semaphore, #tpu.memory_space<semaphore_mem>>
        %dma_start3A_135 = arith.constant 0 : i32
        %dma_start3A_136 = tpu.memref_slice %arg9[%scan3A_124, %dma_start3A_135] : memref<128x80xi32, #tpu.memory_space<vmem>> -> memref<1x80xi32, #tpu.memory_space<vmem>>
        %dma_start3A_137 = tpu.memref_squeeze %dma_start3A_136 : memref<1x80xi32, #tpu.memory_space<vmem>> -> memref<80xi32, #tpu.memory_space<vmem>>
        %dma_start3A_138 = arith.constant 0 : i32
        %dma_start3A_139 = arith.constant 0 : i32
        %dma_start3A_140 = tpu.memref_slice %arg7[%dma_start3A_138, %dma_start3A_139] : memref<10240x128xf32, #tpu.memory_space<vmem_shared>> -> memref<10240x128xf32, #tpu.memory_space<vmem_shared>>
        tpu.enqueue_indirect_dma source(%arg10 : memref<80x128xf32, #tpu.memory_space<vmem>>) target(%dma_start3A_140 : memref<10240x128xf32, #tpu.memory_space<vmem_shared>>) offsets(%dma_start3A_137 : memref<80xi32, #tpu.memory_space<vmem>>) semaphore(%run_scoped3A : memref<!tpu.dma_semaphore, #tpu.memory_space<semaphore_mem>>) {add = true}
        %dma_wait3A_141 = arith.constant 0 : i32
        %dma_wait3A_142 = tpu.memref_slice %arg9[%scan3A_124, %dma_wait3A_141] : memref<128x80xi32, #tpu.memory_space<vmem>> -> memref<1x80xi32, #tpu.memory_space<vmem>>
        %dma_wait3A_143 = tpu.memref_squeeze %dma_wait3A_142 : memref<1x80xi32, #tpu.memory_space<vmem>> -> memref<80xi32, #tpu.memory_space<vmem>>
        %dma_wait3A_144 = arith.constant 0 : i32
        %dma_wait3A_145 = arith.constant 0 : i32
        %dma_wait3A_146 = tpu.memref_slice %arg7[%dma_wait3A_144, %dma_wait3A_145] : memref<10240x128xf32, #tpu.memory_space<vmem_shared>> -> memref<10240x128xf32, #tpu.memory_space<vmem_shared>>
        tpu.wait_indirect_dma semaphore(%run_scoped3A : memref<!tpu.dma_semaphore, #tpu.memory_space<semaphore_mem>>) src(%arg10 : memref<80x128xf32, #tpu.memory_space<vmem>>) dst(%dma_wait3A_146 : memref<10240x128xf32, #tpu.memory_space<vmem_shared>>)
        tpu.yield
      }) : () -> ()
    }
    %scan3A_61 = arith.constant 125 : i32
    %barrier3A_62 = arith.constant 0 : index
    tpu.barrier barrier_id(%barrier3A_62)
    %mul3A_63 = arith.constant 640 : i32
    %mul3A_64 = arith.muli %arg1, %mul3A_63 : i32
    %mul3A_65 = arith.constant 5 : i32
    %mul3A_66 = arith.muli %arg0, %mul3A_65 : i32
    %add3A_67 = arith.constant 2 : i32
    %add3A_68 = arith.addi %mul3A_66, %add3A_67 : i32
    %mul3A_69 = arith.constant 10240 : i32
    %mul3A_70 = arith.muli %add3A_68, %mul3A_69 : i32
    %mul3A_71 = arith.constant 640 : i32
    %mul3A_72 = arith.muli %arg1, %mul3A_71 : i32
    %add3A_73 = arith.addi %mul3A_70, %mul3A_72 : i32
    "tpu.region"() ({
      %run_scoped3A = tpu.sem_alloc : memref<!tpu.dma_semaphore, #tpu.memory_space<semaphore_mem>>
      %dma_start3A = arith.constant 0 : i32
      %dma_start3A_124 = tpu.memref_slice %arg6[%add3A_73, %dma_start3A] : memref<102400x128xf32, #tpu.memory_space<hbm>> -> memref<640x128xf32, #tpu.memory_space<hbm>>
      %dma_start3A_125 = arith.constant 0 : i32
      %dma_start3A_126 = tpu.memref_slice %arg7[%mul3A_64, %dma_start3A_125] : memref<10240x128xf32, #tpu.memory_space<vmem_shared>> -> memref<640x128xf32, #tpu.memory_space<vmem_shared>>
      tpu.enqueue_dma source(%dma_start3A_126 : memref<640x128xf32, #tpu.memory_space<vmem_shared>>) target(%dma_start3A_124 : memref<640x128xf32, #tpu.memory_space<hbm>>) target_semaphore(%run_scoped3A : memref<!tpu.dma_semaphore, #tpu.memory_space<semaphore_mem>>)
      %dma_wait3A = arith.constant 0 : i32
      %dma_wait3A_127 = tpu.memref_slice %arg6[%add3A_73, %dma_wait3A] : memref<102400x128xf32, #tpu.memory_space<hbm>> -> memref<640x128xf32, #tpu.memory_space<hbm>>
      %dma_wait3A_128 = arith.constant 0 : i32
      %dma_wait3A_129 = tpu.memref_slice %arg7[%mul3A_64, %dma_wait3A_128] : memref<10240x128xf32, #tpu.memory_space<vmem_shared>> -> memref<640x128xf32, #tpu.memory_space<vmem_shared>>
      tpu.wait_dma2 semaphore(%run_scoped3A : memref<!tpu.dma_semaphore, #tpu.memory_space<semaphore_mem>>) src(%dma_wait3A_129 : memref<640x128xf32, #tpu.memory_space<vmem_shared>>) dst(%dma_wait3A_127 : memref<640x128xf32, #tpu.memory_space<hbm>>)
      tpu.yield
    }) : () -> ()
    %mul3A_74 = arith.constant 640 : i32
    %mul3A_75 = arith.muli %arg1, %mul3A_74 : i32
    "tpu.region"() ({
      %run_scoped3A = tpu.sem_alloc : memref<!tpu.dma_semaphore, #tpu.memory_space<semaphore_mem>>
      %dma_start3A = arith.constant 0 : i32
      %dma_start3A_124 = tpu.memref_slice %arg7[%mul3A_75, %dma_start3A] : memref<10240x128xf32, #tpu.memory_space<vmem_shared>> -> memref<640x128xf32, #tpu.memory_space<vmem_shared>>
      tpu.enqueue_dma source(%arg5 : memref<640x128xf32, #tpu.memory_space<hbm>>) target(%dma_start3A_124 : memref<640x128xf32, #tpu.memory_space<vmem_shared>>) target_semaphore(%run_scoped3A : memref<!tpu.dma_semaphore, #tpu.memory_space<semaphore_mem>>)
      %dma_wait3A = arith.constant 0 : i32
      %dma_wait3A_125 = tpu.memref_slice %arg7[%mul3A_75, %dma_wait3A] : memref<10240x128xf32, #tpu.memory_space<vmem_shared>> -> memref<640x128xf32, #tpu.memory_space<vmem_shared>>
      tpu.wait_dma2 semaphore(%run_scoped3A : memref<!tpu.dma_semaphore, #tpu.memory_space<semaphore_mem>>) src(%arg5 : memref<640x128xf32, #tpu.memory_space<hbm>>) dst(%dma_wait3A_125 : memref<640x128xf32, #tpu.memory_space<vmem_shared>>)
      tpu.yield
    }) : () -> ()
    %add3A_76 = arith.constant 96 : i32
    %add3A_77 = arith.addi %add3A_76, %add3A : i32
    %mul3A_78 = arith.constant 128 : i32
    %mul3A_79 = arith.muli %add3A_77, %mul3A_78 : i32
    "tpu.region"() ({
      %run_scoped3A = tpu.sem_alloc : memref<!tpu.dma_semaphore, #tpu.memory_space<semaphore_mem>>
      %dma_start3A = arith.constant 0 : i32
      %dma_start3A_124 = tpu.memref_slice %arg2[%mul3A_79, %dma_start3A] : memref<20480x80xi32, #tpu.memory_space<hbm>> -> memref<128x80xi32, #tpu.memory_space<hbm>>
      %dma_start3A_125 = arith.constant 0 : i32
      %dma_start3A_126 = tpu.memref_slice %arg2[%mul3A_79, %dma_start3A_125] : memref<20480x80xi32, #tpu.memory_space<hbm>> -> memref<128x80xi32, #tpu.memory_space<hbm>>
      tpu.enqueue_dma source(%dma_start3A_126 : memref<128x80xi32, #tpu.memory_space<hbm>>) target(%arg8 : memref<128x80xi32, #tpu.memory_space<vmem>>) target_semaphore(%run_scoped3A : memref<!tpu.dma_semaphore, #tpu.memory_space<semaphore_mem>>)
      %dma_wait3A = arith.constant 0 : i32
      %dma_wait3A_127 = tpu.memref_slice %arg2[%mul3A_79, %dma_wait3A] : memref<20480x80xi32, #tpu.memory_space<hbm>> -> memref<128x80xi32, #tpu.memory_space<hbm>>
      %dma_wait3A_128 = arith.constant 0 : i32
      %dma_wait3A_129 = tpu.memref_slice %arg2[%mul3A_79, %dma_wait3A_128] : memref<20480x80xi32, #tpu.memory_space<hbm>> -> memref<128x80xi32, #tpu.memory_space<hbm>>
      tpu.wait_dma2 semaphore(%run_scoped3A : memref<!tpu.dma_semaphore, #tpu.memory_space<semaphore_mem>>) src(%dma_wait3A_129 : memref<128x80xi32, #tpu.memory_space<hbm>>) dst(%arg8 : memref<128x80xi32, #tpu.memory_space<vmem>>)
      tpu.yield
    }) : () -> ()
    "tpu.region"() ({
      %run_scoped3A = tpu.sem_alloc : memref<!tpu.dma_semaphore, #tpu.memory_space<semaphore_mem>>
      %dma_start3A = arith.constant 0 : i32
      %dma_start3A_124 = tpu.memref_slice %arg3[%mul3A_79, %dma_start3A] : memref<20480x80xi32, #tpu.memory_space<hbm>> -> memref<128x80xi32, #tpu.memory_space<hbm>>
      %dma_start3A_125 = arith.constant 0 : i32
      %dma_start3A_126 = tpu.memref_slice %arg3[%mul3A_79, %dma_start3A_125] : memref<20480x80xi32, #tpu.memory_space<hbm>> -> memref<128x80xi32, #tpu.memory_space<hbm>>
      tpu.enqueue_dma source(%dma_start3A_126 : memref<128x80xi32, #tpu.memory_space<hbm>>) target(%arg9 : memref<128x80xi32, #tpu.memory_space<vmem>>) target_semaphore(%run_scoped3A : memref<!tpu.dma_semaphore, #tpu.memory_space<semaphore_mem>>)
      %dma_wait3A = arith.constant 0 : i32
      %dma_wait3A_127 = tpu.memref_slice %arg3[%mul3A_79, %dma_wait3A] : memref<20480x80xi32, #tpu.memory_space<hbm>> -> memref<128x80xi32, #tpu.memory_space<hbm>>
      %dma_wait3A_128 = arith.constant 0 : i32
      %dma_wait3A_129 = tpu.memref_slice %arg3[%mul3A_79, %dma_wait3A_128] : memref<20480x80xi32, #tpu.memory_space<hbm>> -> memref<128x80xi32, #tpu.memory_space<hbm>>
      tpu.wait_dma2 semaphore(%run_scoped3A : memref<!tpu.dma_semaphore, #tpu.memory_space<semaphore_mem>>) src(%dma_wait3A_129 : memref<128x80xi32, #tpu.memory_space<hbm>>) dst(%arg9 : memref<128x80xi32, #tpu.memory_space<vmem>>)
      tpu.yield
    }) : () -> ()
    %barrier3A_80 = arith.constant 0 : index
    tpu.barrier barrier_id(%barrier3A_80)
    %scan3A_81 = arith.constant 0 : i32
    %scan3A_82 = arith.constant 0 : i32
    %scan3A_83 = arith.constant 125 : i32
    %scan3A_84 = arith.addi %scan3A_82, %scan3A_83 : i32
    %scan3A_85 = arith.constant 1 : i32
    scf.for %scan3A_124 = %scan3A_82 to %scan3A_84 step %scan3A_85  : i32 {
      %dma_start3A = arith.constant 0 : i32
      %dma_start3A_125 = tpu.memref_slice %arg8[%scan3A_124, %dma_start3A] : memref<128x80xi32, #tpu.memory_space<vmem>> -> memref<1x80xi32, #tpu.memory_space<vmem>>
      %dma_start3A_126 = tpu.memref_squeeze %dma_start3A_125 : memref<1x80xi32, #tpu.memory_space<vmem>> -> memref<80xi32, #tpu.memory_space<vmem>>
      %dma_start3A_127 = arith.constant 0 : i32
      %dma_start3A_128 = arith.constant 0 : i32
      %dma_start3A_129 = tpu.memref_slice %arg4[%dma_start3A_127, %dma_start3A_128] : memref<50000x128xf32, #tpu.memory_space<hbm>> -> memref<50000x128xf32, #tpu.memory_space<hbm>>
      tpu.enqueue_indirect_dma source(%dma_start3A_129 : memref<50000x128xf32, #tpu.memory_space<hbm>>) target(%arg10 : memref<80x128xf32, #tpu.memory_space<vmem>>) offsets(%dma_start3A_126 : memref<80xi32, #tpu.memory_space<vmem>>) semaphore(%arg11 : memref<!tpu.dma_semaphore, #tpu.memory_space<semaphore_mem>>)
      %dma_wait3A = arith.constant 0 : i32
      %dma_wait3A_130 = tpu.memref_slice %arg8[%scan3A_124, %dma_wait3A] : memref<128x80xi32, #tpu.memory_space<vmem>> -> memref<1x80xi32, #tpu.memory_space<vmem>>
      %dma_wait3A_131 = tpu.memref_squeeze %dma_wait3A_130 : memref<1x80xi32, #tpu.memory_space<vmem>> -> memref<80xi32, #tpu.memory_space<vmem>>
      %dma_wait3A_132 = arith.constant 0 : i32
      %dma_wait3A_133 = arith.constant 0 : i32
      %dma_wait3A_134 = tpu.memref_slice %arg4[%dma_wait3A_132, %dma_wait3A_133] : memref<50000x128xf32, #tpu.memory_space<hbm>> -> memref<50000x128xf32, #tpu.memory_space<hbm>>
      tpu.wait_indirect_dma semaphore(%arg11 : memref<!tpu.dma_semaphore, #tpu.memory_space<semaphore_mem>>) src(%dma_wait3A_134 : memref<50000x128xf32, #tpu.memory_space<hbm>>) dst(%arg10 : memref<80x128xf32, #tpu.memory_space<vmem>>)
      "tpu.region"() ({
        %run_scoped3A = tpu.sem_alloc : memref<!tpu.dma_semaphore, #tpu.memory_space<semaphore_mem>>
        %dma_start3A_135 = arith.constant 0 : i32
        %dma_start3A_136 = tpu.memref_slice %arg9[%scan3A_124, %dma_start3A_135] : memref<128x80xi32, #tpu.memory_space<vmem>> -> memref<1x80xi32, #tpu.memory_space<vmem>>
        %dma_start3A_137 = tpu.memref_squeeze %dma_start3A_136 : memref<1x80xi32, #tpu.memory_space<vmem>> -> memref<80xi32, #tpu.memory_space<vmem>>
        %dma_start3A_138 = arith.constant 0 : i32
        %dma_start3A_139 = arith.constant 0 : i32
        %dma_start3A_140 = tpu.memref_slice %arg7[%dma_start3A_138, %dma_start3A_139] : memref<10240x128xf32, #tpu.memory_space<vmem_shared>> -> memref<10240x128xf32, #tpu.memory_space<vmem_shared>>
        tpu.enqueue_indirect_dma source(%arg10 : memref<80x128xf32, #tpu.memory_space<vmem>>) target(%dma_start3A_140 : memref<10240x128xf32, #tpu.memory_space<vmem_shared>>) offsets(%dma_start3A_137 : memref<80xi32, #tpu.memory_space<vmem>>) semaphore(%run_scoped3A : memref<!tpu.dma_semaphore, #tpu.memory_space<semaphore_mem>>) {add = true}
        %dma_wait3A_141 = arith.constant 0 : i32
        %dma_wait3A_142 = tpu.memref_slice %arg9[%scan3A_124, %dma_wait3A_141] : memref<128x80xi32, #tpu.memory_space<vmem>> -> memref<1x80xi32, #tpu.memory_space<vmem>>
        %dma_wait3A_143 = tpu.memref_squeeze %dma_wait3A_142 : memref<1x80xi32, #tpu.memory_space<vmem>> -> memref<80xi32, #tpu.memory_space<vmem>>
        %dma_wait3A_144 = arith.constant 0 : i32
        %dma_wait3A_145 = arith.constant 0 : i32
        %dma_wait3A_146 = tpu.memref_slice %arg7[%dma_wait3A_144, %dma_wait3A_145] : memref<10240x128xf32, #tpu.memory_space<vmem_shared>> -> memref<10240x128xf32, #tpu.memory_space<vmem_shared>>
        tpu.wait_indirect_dma semaphore(%run_scoped3A : memref<!tpu.dma_semaphore, #tpu.memory_space<semaphore_mem>>) src(%arg10 : memref<80x128xf32, #tpu.memory_space<vmem>>) dst(%dma_wait3A_146 : memref<10240x128xf32, #tpu.memory_space<vmem_shared>>)
        tpu.yield
      }) : () -> ()
    }
    %scan3A_86 = arith.constant 125 : i32
    %barrier3A_87 = arith.constant 0 : index
    tpu.barrier barrier_id(%barrier3A_87)
    %mul3A_88 = arith.constant 640 : i32
    %mul3A_89 = arith.muli %arg1, %mul3A_88 : i32
    %mul3A_90 = arith.constant 5 : i32
    %mul3A_91 = arith.muli %arg0, %mul3A_90 : i32
    %add3A_92 = arith.constant 3 : i32
    %add3A_93 = arith.addi %mul3A_91, %add3A_92 : i32
    %mul3A_94 = arith.constant 10240 : i32
    %mul3A_95 = arith.muli %add3A_93, %mul3A_94 : i32
    %mul3A_96 = arith.constant 640 : i32
    %mul3A_97 = arith.muli %arg1, %mul3A_96 : i32
    %add3A_98 = arith.addi %mul3A_95, %mul3A_97 : i32
    "tpu.region"() ({
      %run_scoped3A = tpu.sem_alloc : memref<!tpu.dma_semaphore, #tpu.memory_space<semaphore_mem>>
      %dma_start3A = arith.constant 0 : i32
      %dma_start3A_124 = tpu.memref_slice %arg6[%add3A_98, %dma_start3A] : memref<102400x128xf32, #tpu.memory_space<hbm>> -> memref<640x128xf32, #tpu.memory_space<hbm>>
      %dma_start3A_125 = arith.constant 0 : i32
      %dma_start3A_126 = tpu.memref_slice %arg7[%mul3A_89, %dma_start3A_125] : memref<10240x128xf32, #tpu.memory_space<vmem_shared>> -> memref<640x128xf32, #tpu.memory_space<vmem_shared>>
      tpu.enqueue_dma source(%dma_start3A_126 : memref<640x128xf32, #tpu.memory_space<vmem_shared>>) target(%dma_start3A_124 : memref<640x128xf32, #tpu.memory_space<hbm>>) target_semaphore(%run_scoped3A : memref<!tpu.dma_semaphore, #tpu.memory_space<semaphore_mem>>)
      %dma_wait3A = arith.constant 0 : i32
      %dma_wait3A_127 = tpu.memref_slice %arg6[%add3A_98, %dma_wait3A] : memref<102400x128xf32, #tpu.memory_space<hbm>> -> memref<640x128xf32, #tpu.memory_space<hbm>>
      %dma_wait3A_128 = arith.constant 0 : i32
      %dma_wait3A_129 = tpu.memref_slice %arg7[%mul3A_89, %dma_wait3A_128] : memref<10240x128xf32, #tpu.memory_space<vmem_shared>> -> memref<640x128xf32, #tpu.memory_space<vmem_shared>>
      tpu.wait_dma2 semaphore(%run_scoped3A : memref<!tpu.dma_semaphore, #tpu.memory_space<semaphore_mem>>) src(%dma_wait3A_129 : memref<640x128xf32, #tpu.memory_space<vmem_shared>>) dst(%dma_wait3A_127 : memref<640x128xf32, #tpu.memory_space<hbm>>)
      tpu.yield
    }) : () -> ()
    %mul3A_99 = arith.constant 640 : i32
    %mul3A_100 = arith.muli %arg1, %mul3A_99 : i32
    "tpu.region"() ({
      %run_scoped3A = tpu.sem_alloc : memref<!tpu.dma_semaphore, #tpu.memory_space<semaphore_mem>>
      %dma_start3A = arith.constant 0 : i32
      %dma_start3A_124 = tpu.memref_slice %arg7[%mul3A_100, %dma_start3A] : memref<10240x128xf32, #tpu.memory_space<vmem_shared>> -> memref<640x128xf32, #tpu.memory_space<vmem_shared>>
      tpu.enqueue_dma source(%arg5 : memref<640x128xf32, #tpu.memory_space<hbm>>) target(%dma_start3A_124 : memref<640x128xf32, #tpu.memory_space<vmem_shared>>) target_semaphore(%run_scoped3A : memref<!tpu.dma_semaphore, #tpu.memory_space<semaphore_mem>>)
      %dma_wait3A = arith.constant 0 : i32
      %dma_wait3A_125 = tpu.memref_slice %arg7[%mul3A_100, %dma_wait3A] : memref<10240x128xf32, #tpu.memory_space<vmem_shared>> -> memref<640x128xf32, #tpu.memory_space<vmem_shared>>
      tpu.wait_dma2 semaphore(%run_scoped3A : memref<!tpu.dma_semaphore, #tpu.memory_space<semaphore_mem>>) src(%arg5 : memref<640x128xf32, #tpu.memory_space<hbm>>) dst(%dma_wait3A_125 : memref<640x128xf32, #tpu.memory_space<vmem_shared>>)
      tpu.yield
    }) : () -> ()
    %add3A_101 = arith.constant 128 : i32
    %add3A_102 = arith.addi %add3A_101, %add3A : i32
    %mul3A_103 = arith.constant 128 : i32
    %mul3A_104 = arith.muli %add3A_102, %mul3A_103 : i32
    "tpu.region"() ({
      %run_scoped3A = tpu.sem_alloc : memref<!tpu.dma_semaphore, #tpu.memory_space<semaphore_mem>>
      %dma_start3A = arith.constant 0 : i32
      %dma_start3A_124 = tpu.memref_slice %arg2[%mul3A_104, %dma_start3A] : memref<20480x80xi32, #tpu.memory_space<hbm>> -> memref<128x80xi32, #tpu.memory_space<hbm>>
      %dma_start3A_125 = arith.constant 0 : i32
      %dma_start3A_126 = tpu.memref_slice %arg2[%mul3A_104, %dma_start3A_125] : memref<20480x80xi32, #tpu.memory_space<hbm>> -> memref<128x80xi32, #tpu.memory_space<hbm>>
      tpu.enqueue_dma source(%dma_start3A_126 : memref<128x80xi32, #tpu.memory_space<hbm>>) target(%arg8 : memref<128x80xi32, #tpu.memory_space<vmem>>) target_semaphore(%run_scoped3A : memref<!tpu.dma_semaphore, #tpu.memory_space<semaphore_mem>>)
      %dma_wait3A = arith.constant 0 : i32
      %dma_wait3A_127 = tpu.memref_slice %arg2[%mul3A_104, %dma_wait3A] : memref<20480x80xi32, #tpu.memory_space<hbm>> -> memref<128x80xi32, #tpu.memory_space<hbm>>
      %dma_wait3A_128 = arith.constant 0 : i32
      %dma_wait3A_129 = tpu.memref_slice %arg2[%mul3A_104, %dma_wait3A_128] : memref<20480x80xi32, #tpu.memory_space<hbm>> -> memref<128x80xi32, #tpu.memory_space<hbm>>
      tpu.wait_dma2 semaphore(%run_scoped3A : memref<!tpu.dma_semaphore, #tpu.memory_space<semaphore_mem>>) src(%dma_wait3A_129 : memref<128x80xi32, #tpu.memory_space<hbm>>) dst(%arg8 : memref<128x80xi32, #tpu.memory_space<vmem>>)
      tpu.yield
    }) : () -> ()
    "tpu.region"() ({
      %run_scoped3A = tpu.sem_alloc : memref<!tpu.dma_semaphore, #tpu.memory_space<semaphore_mem>>
      %dma_start3A = arith.constant 0 : i32
      %dma_start3A_124 = tpu.memref_slice %arg3[%mul3A_104, %dma_start3A] : memref<20480x80xi32, #tpu.memory_space<hbm>> -> memref<128x80xi32, #tpu.memory_space<hbm>>
      %dma_start3A_125 = arith.constant 0 : i32
      %dma_start3A_126 = tpu.memref_slice %arg3[%mul3A_104, %dma_start3A_125] : memref<20480x80xi32, #tpu.memory_space<hbm>> -> memref<128x80xi32, #tpu.memory_space<hbm>>
      tpu.enqueue_dma source(%dma_start3A_126 : memref<128x80xi32, #tpu.memory_space<hbm>>) target(%arg9 : memref<128x80xi32, #tpu.memory_space<vmem>>) target_semaphore(%run_scoped3A : memref<!tpu.dma_semaphore, #tpu.memory_space<semaphore_mem>>)
      %dma_wait3A = arith.constant 0 : i32
      %dma_wait3A_127 = tpu.memref_slice %arg3[%mul3A_104, %dma_wait3A] : memref<20480x80xi32, #tpu.memory_space<hbm>> -> memref<128x80xi32, #tpu.memory_space<hbm>>
      %dma_wait3A_128 = arith.constant 0 : i32
      %dma_wait3A_129 = tpu.memref_slice %arg3[%mul3A_104, %dma_wait3A_128] : memref<20480x80xi32, #tpu.memory_space<hbm>> -> memref<128x80xi32, #tpu.memory_space<hbm>>
      tpu.wait_dma2 semaphore(%run_scoped3A : memref<!tpu.dma_semaphore, #tpu.memory_space<semaphore_mem>>) src(%dma_wait3A_129 : memref<128x80xi32, #tpu.memory_space<hbm>>) dst(%arg9 : memref<128x80xi32, #tpu.memory_space<vmem>>)
      tpu.yield
    }) : () -> ()
    %barrier3A_105 = arith.constant 0 : index
    tpu.barrier barrier_id(%barrier3A_105)
    %scan3A_106 = arith.constant 0 : i32
    %scan3A_107 = arith.constant 0 : i32
    %scan3A_108 = arith.constant 125 : i32
    %scan3A_109 = arith.addi %scan3A_107, %scan3A_108 : i32
    %scan3A_110 = arith.constant 1 : i32
    scf.for %scan3A_124 = %scan3A_107 to %scan3A_109 step %scan3A_110  : i32 {
      %dma_start3A = arith.constant 0 : i32
      %dma_start3A_125 = tpu.memref_slice %arg8[%scan3A_124, %dma_start3A] : memref<128x80xi32, #tpu.memory_space<vmem>> -> memref<1x80xi32, #tpu.memory_space<vmem>>
      %dma_start3A_126 = tpu.memref_squeeze %dma_start3A_125 : memref<1x80xi32, #tpu.memory_space<vmem>> -> memref<80xi32, #tpu.memory_space<vmem>>
      %dma_start3A_127 = arith.constant 0 : i32
      %dma_start3A_128 = arith.constant 0 : i32
      %dma_start3A_129 = tpu.memref_slice %arg4[%dma_start3A_127, %dma_start3A_128] : memref<50000x128xf32, #tpu.memory_space<hbm>> -> memref<50000x128xf32, #tpu.memory_space<hbm>>
      tpu.enqueue_indirect_dma source(%dma_start3A_129 : memref<50000x128xf32, #tpu.memory_space<hbm>>) target(%arg10 : memref<80x128xf32, #tpu.memory_space<vmem>>) offsets(%dma_start3A_126 : memref<80xi32, #tpu.memory_space<vmem>>) semaphore(%arg11 : memref<!tpu.dma_semaphore, #tpu.memory_space<semaphore_mem>>)
      %dma_wait3A = arith.constant 0 : i32
      %dma_wait3A_130 = tpu.memref_slice %arg8[%scan3A_124, %dma_wait3A] : memref<128x80xi32, #tpu.memory_space<vmem>> -> memref<1x80xi32, #tpu.memory_space<vmem>>
      %dma_wait3A_131 = tpu.memref_squeeze %dma_wait3A_130 : memref<1x80xi32, #tpu.memory_space<vmem>> -> memref<80xi32, #tpu.memory_space<vmem>>
      %dma_wait3A_132 = arith.constant 0 : i32
      %dma_wait3A_133 = arith.constant 0 : i32
      %dma_wait3A_134 = tpu.memref_slice %arg4[%dma_wait3A_132, %dma_wait3A_133] : memref<50000x128xf32, #tpu.memory_space<hbm>> -> memref<50000x128xf32, #tpu.memory_space<hbm>>
      tpu.wait_indirect_dma semaphore(%arg11 : memref<!tpu.dma_semaphore, #tpu.memory_space<semaphore_mem>>) src(%dma_wait3A_134 : memref<50000x128xf32, #tpu.memory_space<hbm>>) dst(%arg10 : memref<80x128xf32, #tpu.memory_space<vmem>>)
      "tpu.region"() ({
        %run_scoped3A = tpu.sem_alloc : memref<!tpu.dma_semaphore, #tpu.memory_space<semaphore_mem>>
        %dma_start3A_135 = arith.constant 0 : i32
        %dma_start3A_136 = tpu.memref_slice %arg9[%scan3A_124, %dma_start3A_135] : memref<128x80xi32, #tpu.memory_space<vmem>> -> memref<1x80xi32, #tpu.memory_space<vmem>>
        %dma_start3A_137 = tpu.memref_squeeze %dma_start3A_136 : memref<1x80xi32, #tpu.memory_space<vmem>> -> memref<80xi32, #tpu.memory_space<vmem>>
        %dma_start3A_138 = arith.constant 0 : i32
        %dma_start3A_139 = arith.constant 0 : i32
        %dma_start3A_140 = tpu.memref_slice %arg7[%dma_start3A_138, %dma_start3A_139] : memref<10240x128xf32, #tpu.memory_space<vmem_shared>> -> memref<10240x128xf32, #tpu.memory_space<vmem_shared>>
        tpu.enqueue_indirect_dma source(%arg10 : memref<80x128xf32, #tpu.memory_space<vmem>>) target(%dma_start3A_140 : memref<10240x128xf32, #tpu.memory_space<vmem_shared>>) offsets(%dma_start3A_137 : memref<80xi32, #tpu.memory_space<vmem>>) semaphore(%run_scoped3A : memref<!tpu.dma_semaphore, #tpu.memory_space<semaphore_mem>>) {add = true}
        %dma_wait3A_141 = arith.constant 0 : i32
        %dma_wait3A_142 = tpu.memref_slice %arg9[%scan3A_124, %dma_wait3A_141] : memref<128x80xi32, #tpu.memory_space<vmem>> -> memref<1x80xi32, #tpu.memory_space<vmem>>
        %dma_wait3A_143 = tpu.memref_squeeze %dma_wait3A_142 : memref<1x80xi32, #tpu.memory_space<vmem>> -> memref<80xi32, #tpu.memory_space<vmem>>
        %dma_wait3A_144 = arith.constant 0 : i32
        %dma_wait3A_145 = arith.constant 0 : i32
        %dma_wait3A_146 = tpu.memref_slice %arg7[%dma_wait3A_144, %dma_wait3A_145] : memref<10240x128xf32, #tpu.memory_space<vmem_shared>> -> memref<10240x128xf32, #tpu.memory_space<vmem_shared>>
        tpu.wait_indirect_dma semaphore(%run_scoped3A : memref<!tpu.dma_semaphore, #tpu.memory_space<semaphore_mem>>) src(%arg10 : memref<80x128xf32, #tpu.memory_space<vmem>>) dst(%dma_wait3A_146 : memref<10240x128xf32, #tpu.memory_space<vmem_shared>>)
        tpu.yield
      }) : () -> ()
    }
    %scan3A_111 = arith.constant 125 : i32
    %barrier3A_112 = arith.constant 0 : index
    tpu.barrier barrier_id(%barrier3A_112)
    %mul3A_113 = arith.constant 640 : i32
    %mul3A_114 = arith.muli %arg1, %mul3A_113 : i32
    %mul3A_115 = arith.constant 5 : i32
    %mul3A_116 = arith.muli %arg0, %mul3A_115 : i32
    %add3A_117 = arith.constant 4 : i32
    %add3A_118 = arith.addi %mul3A_116, %add3A_117 : i32
    %mul3A_119 = arith.constant 10240 : i32
    %mul3A_120 = arith.muli %add3A_118, %mul3A_119 : i32
    %mul3A_121 = arith.constant 640 : i32
    %mul3A_122 = arith.muli %arg1, %mul3A_121 : i32
    %add3A_123 = arith.addi %mul3A_120, %mul3A_122 : i32
    "tpu.region"() ({
      %run_scoped3A = tpu.sem_alloc : memref<!tpu.dma_semaphore, #tpu.memory_space<semaphore_mem>>
      %dma_start3A = arith.constant 0 : i32
      %dma_start3A_124 = tpu.memref_slice %arg6[%add3A_123, %dma_start3A] : memref<102400x128xf32, #tpu.memory_space<hbm>> -> memref<640x128xf32, #tpu.memory_space<hbm>>
      %dma_start3A_125 = arith.constant 0 : i32
      %dma_start3A_126 = tpu.memref_slice %arg7[%mul3A_114, %dma_start3A_125] : memref<10240x128xf32, #tpu.memory_space<vmem_shared>> -> memref<640x128xf32, #tpu.memory_space<vmem_shared>>
      tpu.enqueue_dma source(%dma_start3A_126 : memref<640x128xf32, #tpu.memory_space<vmem_shared>>) target(%dma_start3A_124 : memref<640x128xf32, #tpu.memory_space<hbm>>) target_semaphore(%run_scoped3A : memref<!tpu.dma_semaphore, #tpu.memory_space<semaphore_mem>>)
      %dma_wait3A = arith.constant 0 : i32
      %dma_wait3A_127 = tpu.memref_slice %arg6[%add3A_123, %dma_wait3A] : memref<102400x128xf32, #tpu.memory_space<hbm>> -> memref<640x128xf32, #tpu.memory_space<hbm>>
      %dma_wait3A_128 = arith.constant 0 : i32
      %dma_wait3A_129 = tpu.memref_slice %arg7[%mul3A_114, %dma_wait3A_128] : memref<10240x128xf32, #tpu.memory_space<vmem_shared>> -> memref<640x128xf32, #tpu.memory_space<vmem_shared>>
      tpu.wait_dma2 semaphore(%run_scoped3A : memref<!tpu.dma_semaphore, #tpu.memory_space<semaphore_mem>>) src(%dma_wait3A_129 : memref<640x128xf32, #tpu.memory_space<vmem_shared>>) dst(%dma_wait3A_127 : memref<640x128xf32, #tpu.memory_space<hbm>>)
      tpu.yield
    }) : () -> ()
    return
  }
}

module attributes {stable_mosaic.version = 14 : i64} {
  func.func @_k_pre_body(%arg0: i32, %arg1: memref<400x128xf32, #tpu.memory_space<vmem>>, %arg2: memref<128x128xf32, #tpu.memory_space<vmem>>, %arg3: memref<2x5x400x1xf32, #tpu.memory_space<vmem>>, %arg4: memref<400x128xf32, #tpu.memory_space<vmem>>, %arg5: memref<5x400x128xf32, #tpu.memory_space<vmem>>) attributes {dimension_semantics = [#tpu.dimension_semantics<arbitrary>], iteration_bounds = array<i64: 25>, scalar_prefetch = 0 : i64, scratch_operands = 0 : i64, tpu.core_type = #tpu.core_type<tc>, window_params = [{transform_indices = @transform_0, window_bounds = array<i64: 400, 128>}, {pipeline_mode = #tpu.pipeline_mode<synchronous>, transform_indices = @transform_1, window_bounds = array<i64: 128, 128>}, {transform_indices = @transform_2, window_bounds = array<i64: 2, 5, 400, 1>}, {transform_indices = @transform_3, window_bounds = array<i64: 400, 128>}, {transform_indices = @transform_4, window_bounds = array<i64: 5, 400, 128>}]} {
    %get3A = arith.constant 0 : index
    %get3A_0 = arith.constant 0 : index
    %get3A_1 = vector.load %arg1[%get3A, %get3A_0] : memref<400x128xf32, #tpu.memory_space<vmem>>, vector<400x128xf32>
    %get3A_2 = arith.constant 0 : index
    %get3A_3 = arith.constant 0 : index
    %get3A_4 = vector.load %arg2[%get3A_2, %get3A_3] : memref<128x128xf32, #tpu.memory_space<vmem>>, vector<128x128xf32>
    %dot_general3A = arith.constant dense<0.000000e+00> : vector<400x128xf32>
    %dot_general3A_5 = tpu.matmul %get3A_1, %get3A_4, %dot_general3A {dimension_numbers = #tpu.dot_dimension_numbers<[1], [0], [0], [1], [0, 0, 1, 1], [], []>, precision = #tpu.contract_precision<fp32>, transpose_lhs_hint = false} : vector<400x128xf32>, vector<128x128xf32>, vector<400x128xf32> -> vector<400x128xf32>
    %swap3A = arith.constant 0 : index
    %swap3A_6 = arith.constant 0 : index
    %swap3A_7 = vector.load %arg4[%swap3A, %swap3A_6] : memref<400x128xf32, #tpu.memory_space<vmem>>, vector<400x128xf32>
    tpu.vector_store %arg4[%swap3A, %swap3A_6], %dot_general3A_5 {strides = array<i32>} : memref<400x128xf32, #tpu.memory_space<vmem>>, vector<400x128xf32>,
    %get3A_8 = arith.constant 0 : index
    %get3A_9 = arith.constant 0 : index
    %get3A_10 = arith.constant 0 : index
    %get3A_11 = arith.constant 0 : index
    %get3A_12 = vector.load %arg3[%get3A_8, %get3A_9, %get3A_10, %get3A_11] : memref<2x5x400x1xf32, #tpu.memory_space<vmem>>, vector<2x5x400x1xf32>
    %slice3A = vector.extract_strided_slice %get3A_12 {offsets = [0, 0, 0, 0], sizes = [1, 5, 400, 1], strides = [1, 1, 1, 1]} : vector<2x5x400x1xf32> to vector<1x5x400x1xf32>
    %squeeze3A = vector.shape_cast %slice3A : vector<1x5x400x1xf32> to vector<5x400xf32>
    %slice3A_13 = vector.extract_strided_slice %get3A_12 {offsets = [1, 0, 0, 0], sizes = [1, 5, 400, 1], strides = [1, 1, 1, 1]} : vector<2x5x400x1xf32> to vector<1x5x400x1xf32>
    %squeeze3A_14 = vector.shape_cast %slice3A_13 : vector<1x5x400x1xf32> to vector<5x400xf32>
    %add3A = arith.addf %squeeze3A, %squeeze3A_14 : vector<5x400xf32>
    %add3A_15 = arith.constant 1.000000e+00 : f32
    %add3A_16 = vector.broadcast %add3A_15 : f32 to vector<5x400xf32>
    %add3A_17 = arith.addf %add3A, %add3A_16 : vector<5x400xf32>
    %rsqrt3A = math.rsqrt %add3A_17 : vector<5x400xf32>
    %broadcast_in_dim3A = vector.shape_cast %rsqrt3A : vector<5x400xf32> to vector<5x400x1xf32>
    %broadcast_in_dim3A_18 = vector.shape_cast %dot_general3A_5 : vector<400x128xf32> to vector<1x400x128xf32>
    %mul3A = vector.broadcast %broadcast_in_dim3A : vector<5x400x1xf32> to vector<5x400x128xf32>
    %mul3A_19 = vector.broadcast %broadcast_in_dim3A_18 : vector<1x400x128xf32> to vector<5x400x128xf32>
    %mul3A_20 = arith.mulf %mul3A, %mul3A_19 : vector<5x400x128xf32>
    %swap3A_21 = arith.constant 0 : index
    %swap3A_22 = arith.constant 0 : index
    %swap3A_23 = arith.constant 0 : index
    %swap3A_24 = vector.load %arg5[%swap3A_21, %swap3A_22, %swap3A_23] : memref<5x400x128xf32, #tpu.memory_space<vmem>>, vector<5x400x128xf32>
    tpu.vector_store %arg5[%swap3A_21, %swap3A_22, %swap3A_23], %mul3A_20 {strides = array<i32>} : memref<5x400x128xf32, #tpu.memory_space<vmem>>, vector<5x400x128xf32>,
    return
  }
  func.func @transform_0(%arg0: i32) -> (i32, i32) {
    %c0_i32 = arith.constant 0 : i32
    %c0_i32_0 = arith.constant 0 : i32
    return %arg0, %c0_i32 : i32, i32
  }
  func.func @transform_1(%arg0: i32) -> (i32, i32) {
    %c0_i32 = arith.constant 0 : i32
    %c0_i32_0 = arith.constant 0 : i32
    %c0_i32_1 = arith.constant 0 : i32
    return %c0_i32, %c0_i32_0 : i32, i32
  }
  func.func @transform_2(%arg0: i32) -> (i32, i32, i32, i32) {
    %c0_i32 = arith.constant 0 : i32
    %c0_i32_0 = arith.constant 0 : i32
    %c0_i32_1 = arith.constant 0 : i32
    %c0_i32_2 = arith.constant 0 : i32
    return %c0_i32, %c0_i32_0, %arg0, %c0_i32_1 : i32, i32, i32, i32
  }
  func.func @transform_3(%arg0: i32) -> (i32, i32) {
    %c0_i32 = arith.constant 0 : i32
    %c0_i32_0 = arith.constant 0 : i32
    return %arg0, %c0_i32 : i32, i32
  }
  func.func @transform_4(%arg0: i32) -> (i32, i32, i32) {
    %c0_i32 = arith.constant 0 : i32
    %c0_i32_0 = arith.constant 0 : i32
    %c0_i32_1 = arith.constant 0 : i32
    return %c0_i32, %arg0, %c0_i32_0 : i32, i32, i32
  }
}

module attributes {stable_mosaic.version = 14 : i64} {
  func.func @_k_mid_body(%arg0: i32, %arg1: memref<2x5x400x128xf32, #tpu.memory_space<vmem>>, %arg2: memref<5x400x128xf32, #tpu.memory_space<vmem>>, %arg3: memref<400x128xf32, #tpu.memory_space<vmem>>, %arg4: memref<1x128xf32, #tpu.memory_space<vmem>>, %arg5: memref<2x5x400x1xf32, #tpu.memory_space<vmem>>, %arg6: memref<128x128xf32, #tpu.memory_space<vmem>>, %arg7: memref<5x400x128xf32, #tpu.memory_space<vmem>>, %arg8: memref<5x400x128xf32, #tpu.memory_space<vmem>>) attributes {dimension_semantics = [#tpu.dimension_semantics<arbitrary>], iteration_bounds = array<i64: 25>, scalar_prefetch = 0 : i64, scratch_operands = 0 : i64, tpu.core_type = #tpu.core_type<tc>, window_params = [{transform_indices = @transform_0, window_bounds = array<i64: 2, 5, 400, 128>}, {transform_indices = @transform_1, window_bounds = array<i64: 5, 400, 128>}, {transform_indices = @transform_2, window_bounds = array<i64: 400, 128>}, {pipeline_mode = #tpu.pipeline_mode<synchronous>, transform_indices = @transform_3, window_bounds = array<i64: 1, 128>}, {transform_indices = @transform_4, window_bounds = array<i64: 2, 5, 400, 1>}, {pipeline_mode = #tpu.pipeline_mode<synchronous>, transform_indices = @transform_5, window_bounds = array<i64: 128, 128>}, {transform_indices = @transform_6, window_bounds = array<i64: 5, 400, 128>}, {transform_indices = @transform_7, window_bounds = array<i64: 5, 400, 128>}]} {
    %get3A = arith.constant 0 : index
    %get3A_0 = arith.constant 0 : index
    %get3A_1 = arith.constant 0 : index
    %get3A_2 = arith.constant 0 : index
    %get3A_3 = vector.load %arg5[%get3A, %get3A_0, %get3A_1, %get3A_2] : memref<2x5x400x1xf32, #tpu.memory_space<vmem>>, vector<2x5x400x1xf32>
    %slice3A = vector.extract_strided_slice %get3A_3 {offsets = [0, 0, 0, 0], sizes = [1, 5, 400, 1], strides = [1, 1, 1, 1]} : vector<2x5x400x1xf32> to vector<1x5x400x1xf32>
    %squeeze3A = vector.shape_cast %slice3A : vector<1x5x400x1xf32> to vector<5x400xf32>
    %slice3A_4 = vector.extract_strided_slice %get3A_3 {offsets = [1, 0, 0, 0], sizes = [1, 5, 400, 1], strides = [1, 1, 1, 1]} : vector<2x5x400x1xf32> to vector<1x5x400x1xf32>
    %squeeze3A_5 = vector.shape_cast %slice3A_4 : vector<1x5x400x1xf32> to vector<5x400xf32>
    %add3A = arith.addf %squeeze3A, %squeeze3A_5 : vector<5x400xf32>
    %add3A_6 = arith.constant 1.000000e+00 : f32
    %add3A_7 = vector.broadcast %add3A_6 : f32 to vector<5x400xf32>
    %add3A_8 = arith.addf %add3A, %add3A_7 : vector<5x400xf32>
    %rsqrt3A = math.rsqrt %add3A_8 : vector<5x400xf32>
    %get3A_9 = arith.constant 0 : index
    %get3A_10 = arith.constant 0 : index
    %get3A_11 = arith.constant 0 : index
    %get3A_12 = arith.constant 0 : index
    %get3A_13 = vector.load %arg1[%get3A_9, %get3A_10, %get3A_11, %get3A_12] : memref<2x5x400x128xf32, #tpu.memory_space<vmem>>, vector<1x5x400x128xf32>
    %get3A_14 = vector.shape_cast %get3A_13 : vector<1x5x400x128xf32> to vector<5x400x128xf32>
    %get3A_15 = arith.constant 1 : index
    %get3A_16 = arith.constant 0 : index
    %get3A_17 = arith.constant 0 : index
    %get3A_18 = arith.constant 0 : index
    %get3A_19 = vector.load %arg1[%get3A_15, %get3A_16, %get3A_17, %get3A_18] : memref<2x5x400x128xf32, #tpu.memory_space<vmem>>, vector<1x5x400x128xf32>
    %get3A_20 = vector.shape_cast %get3A_19 : vector<1x5x400x128xf32> to vector<5x400x128xf32>
    %add3A_21 = arith.addf %get3A_14, %get3A_20 : vector<5x400x128xf32>
    %broadcast_in_dim3A = vector.shape_cast %rsqrt3A : vector<5x400xf32> to vector<5x400x1xf32>
    %get3A_22 = arith.constant 0 : index
    %get3A_23 = arith.constant 0 : index
    %get3A_24 = arith.constant 0 : index
    %get3A_25 = vector.load %arg2[%get3A_22, %get3A_23, %get3A_24] : memref<5x400x128xf32, #tpu.memory_space<vmem>>, vector<5x400x128xf32>
    %add3A_26 = arith.addf %add3A_21, %get3A_25 : vector<5x400x128xf32>
    %mul3A = vector.broadcast %broadcast_in_dim3A : vector<5x400x1xf32> to vector<5x400x128xf32>
    %mul3A_27 = arith.mulf %mul3A, %add3A_26 : vector<5x400x128xf32>
    %get3A_28 = arith.constant 0 : index
    %get3A_29 = arith.constant 0 : index
    %get3A_30 = vector.load %arg4[%get3A_28, %get3A_29] : memref<1x128xf32, #tpu.memory_space<vmem>>, vector<1x128xf32>
    %broadcast_in_dim3A_31 = vector.shape_cast %get3A_30 : vector<1x128xf32> to vector<1x1x128xf32>
    %add3A_32 = vector.broadcast %broadcast_in_dim3A_31 : vector<1x1x128xf32> to vector<5x400x128xf32>
    %add3A_33 = arith.addf %mul3A_27, %add3A_32 : vector<5x400x128xf32>
    %max3A = arith.constant 0.000000e+00 : f32
    %max3A_34 = vector.broadcast %max3A : f32 to vector<5x400x128xf32>
    %max3A_35 = arith.maximumf %add3A_33, %max3A_34 : vector<5x400x128xf32>
    %get3A_36 = arith.constant 0 : index
    %get3A_37 = arith.constant 0 : index
    %get3A_38 = vector.load %arg3[%get3A_36, %get3A_37] : memref<400x128xf32, #tpu.memory_space<vmem>>, vector<400x128xf32>
    %broadcast_in_dim3A_39 = vector.shape_cast %get3A_38 : vector<400x128xf32> to vector<1x400x128xf32>
    %add3A_40 = vector.broadcast %broadcast_in_dim3A_39 : vector<1x400x128xf32> to vector<5x400x128xf32>
    %add3A_41 = arith.addf %max3A_35, %add3A_40 : vector<5x400x128xf32>
    %swap3A = arith.constant 0 : index
    %swap3A_42 = arith.constant 0 : index
    %swap3A_43 = arith.constant 0 : index
    %swap3A_44 = vector.load %arg7[%swap3A, %swap3A_42, %swap3A_43] : memref<5x400x128xf32, #tpu.memory_space<vmem>>, vector<5x400x128xf32>
    tpu.vector_store %arg7[%swap3A, %swap3A_42, %swap3A_43], %add3A_41 {strides = array<i32>} : memref<5x400x128xf32, #tpu.memory_space<vmem>>, vector<5x400x128xf32>,
    %get3A_45 = arith.constant 0 : index
    %get3A_46 = arith.constant 0 : index
    %get3A_47 = vector.load %arg6[%get3A_45, %get3A_46] : memref<128x128xf32, #tpu.memory_space<vmem>>, vector<128x128xf32>
    %dot_general3A = arith.constant dense<0.000000e+00> : vector<5x400x128xf32>
    %dot_general3A_48 = tpu.matmul %add3A_41, %get3A_47, %dot_general3A {dimension_numbers = #tpu.dot_dimension_numbers<[2], [0], [0, 1], [1], [0, 0, 0, 1, 1, 1], [], []>, precision = #tpu.contract_precision<fp32>, transpose_lhs_hint = false} : vector<5x400x128xf32>, vector<128x128xf32>, vector<5x400x128xf32> -> vector<5x400x128xf32>
    %broadcast_in_dim3A_49 = vector.shape_cast %rsqrt3A : vector<5x400xf32> to vector<5x400x1xf32>
    %mul3A_50 = vector.broadcast %broadcast_in_dim3A_49 : vector<5x400x1xf32> to vector<5x400x128xf32>
    %mul3A_51 = arith.mulf %mul3A_50, %dot_general3A_48 : vector<5x400x128xf32>
    %swap3A_52 = arith.constant 0 : index
    %swap3A_53 = arith.constant 0 : index
    %swap3A_54 = arith.constant 0 : index
    %swap3A_55 = vector.load %arg8[%swap3A_52, %swap3A_53, %swap3A_54] : memref<5x400x128xf32, #tpu.memory_space<vmem>>, vector<5x400x128xf32>
    tpu.vector_store %arg8[%swap3A_52, %swap3A_53, %swap3A_54], %mul3A_51 {strides = array<i32>} : memref<5x400x128xf32, #tpu.memory_space<vmem>>, vector<5x400x128xf32>,
    return
  }
  func.func @transform_0(%arg0: i32) -> (i32, i32, i32, i32) {
    %c0_i32 = arith.constant 0 : i32
    %c0_i32_0 = arith.constant 0 : i32
    %c0_i32_1 = arith.constant 0 : i32
    %c0_i32_2 = arith.constant 0 : i32
    return %c0_i32, %c0_i32_0, %arg0, %c0_i32_1 : i32, i32, i32, i32
  }
  func.func @transform_1(%arg0: i32) -> (i32, i32, i32) {
    %c0_i32 = arith.constant 0 : i32
    %c0_i32_0 = arith.constant 0 : i32
    %c0_i32_1 = arith.constant 0 : i32
    return %c0_i32, %arg0, %c0_i32_0 : i32, i32, i32
  }
  func.func @transform_2(%arg0: i32) -> (i32, i32) {
    %c0_i32 = arith.constant 0 : i32
    %c0_i32_0 = arith.constant 0 : i32
    return %arg0, %c0_i32 : i32, i32
  }
  func.func @transform_3(%arg0: i32) -> (i32, i32) {
    %c0_i32 = arith.constant 0 : i32
    %c0_i32_0 = arith.constant 0 : i32
    %c0_i32_1 = arith.constant 0 : i32
    return %c0_i32, %c0_i32_0 : i32, i32
  }
  func.func @transform_4(%arg0: i32) -> (i32, i32, i32, i32) {
    %c0_i32 = arith.constant 0 : i32
    %c0_i32_0 = arith.constant 0 : i32
    %c0_i32_1 = arith.constant 0 : i32
    %c0_i32_2 = arith.constant 0 : i32
    return %c0_i32, %c0_i32_0, %arg0, %c0_i32_1 : i32, i32, i32, i32
  }
  func.func @transform_5(%arg0: i32) -> (i32, i32) {
    %c0_i32 = arith.constant 0 : i32
    %c0_i32_0 = arith.constant 0 : i32
    %c0_i32_1 = arith.constant 0 : i32
    return %c0_i32, %c0_i32_0 : i32, i32
  }
  func.func @transform_6(%arg0: i32) -> (i32, i32, i32) {
    %c0_i32 = arith.constant 0 : i32
    %c0_i32_0 = arith.constant 0 : i32
    %c0_i32_1 = arith.constant 0 : i32
    return %c0_i32, %arg0, %c0_i32_0 : i32, i32, i32
  }
  func.func @transform_7(%arg0: i32) -> (i32, i32, i32) {
    %c0_i32 = arith.constant 0 : i32
    %c0_i32_0 = arith.constant 0 : i32
    %c0_i32_1 = arith.constant 0 : i32
    return %c0_i32, %arg0, %c0_i32_0 : i32, i32, i32
  }
}

module attributes {stable_mosaic.version = 14 : i64} {
  func.func @_k_post_body(%arg0: i32, %arg1: memref<2x5x400x128xf32, #tpu.memory_space<vmem>>, %arg2: memref<5x400x128xf32, #tpu.memory_space<vmem>>, %arg3: memref<5x400x128xf32, #tpu.memory_space<vmem>>, %arg4: memref<1x128xf32, #tpu.memory_space<vmem>>, %arg5: memref<2x5x400x1xf32, #tpu.memory_space<vmem>>, %arg6: memref<400x1xf32, #tpu.memory_space<vmem>>, %arg7: memref<128x64xf32, #tpu.memory_space<vmem>>, %arg8: memref<1x64xf32, #tpu.memory_space<vmem>>, %arg9: memref<64x1xf32, #tpu.memory_space<vmem>>, %arg10: memref<1x1xf32, #tpu.memory_space<vmem>>, %arg11: memref<400x1xf32, #tpu.memory_space<vmem>>) attributes {dimension_semantics = [#tpu.dimension_semantics<arbitrary>], iteration_bounds = array<i64: 25>, scalar_prefetch = 0 : i64, scratch_operands = 0 : i64, tpu.core_type = #tpu.core_type<tc>, window_params = [{transform_indices = @transform_0, window_bounds = array<i64: 2, 5, 400, 128>}, {transform_indices = @transform_1, window_bounds = array<i64: 5, 400, 128>}, {transform_indices = @transform_2, window_bounds = array<i64: 5, 400, 128>}, {pipeline_mode = #tpu.pipeline_mode<synchronous>, transform_indices = @transform_3, window_bounds = array<i64: 1, 128>}, {transform_indices = @transform_4, window_bounds = array<i64: 2, 5, 400, 1>}, {transform_indices = @transform_5, window_bounds = array<i64: 400, 1>}, {pipeline_mode = #tpu.pipeline_mode<synchronous>, transform_indices = @transform_6, window_bounds = array<i64: 128, 64>}, {pipeline_mode = #tpu.pipeline_mode<synchronous>, transform_indices = @transform_7, window_bounds = array<i64: 1, 64>}, {pipeline_mode = #tpu.pipeline_mode<synchronous>, transform_indices = @transform_8, window_bounds = array<i64: 64, 1>}, {pipeline_mode = #tpu.pipeline_mode<synchronous>, transform_indices = @transform_9, window_bounds = array<i64: 1, 1>}, {transform_indices = @transform_10, window_bounds = array<i64: 400, 1>}]} {
    %get3A = arith.constant 0 : index
    %get3A_0 = arith.constant 0 : index
    %get3A_1 = arith.constant 0 : index
    %get3A_2 = arith.constant 0 : index
    %get3A_3 = vector.load %arg5[%get3A, %get3A_0, %get3A_1, %get3A_2] : memref<2x5x400x1xf32, #tpu.memory_space<vmem>>, vector<2x5x400x1xf32>
    %slice3A = vector.extract_strided_slice %get3A_3 {offsets = [0, 0, 0, 0], sizes = [1, 5, 400, 1], strides = [1, 1, 1, 1]} : vector<2x5x400x1xf32> to vector<1x5x400x1xf32>
    %squeeze3A = vector.shape_cast %slice3A : vector<1x5x400x1xf32> to vector<5x400xf32>
    %slice3A_4 = vector.extract_strided_slice %get3A_3 {offsets = [1, 0, 0, 0], sizes = [1, 5, 400, 1], strides = [1, 1, 1, 1]} : vector<2x5x400x1xf32> to vector<1x5x400x1xf32>
    %squeeze3A_5 = vector.shape_cast %slice3A_4 : vector<1x5x400x1xf32> to vector<5x400xf32>
    %add3A = arith.addf %squeeze3A, %squeeze3A_5 : vector<5x400xf32>
    %add3A_6 = arith.constant 1.000000e+00 : f32
    %add3A_7 = vector.broadcast %add3A_6 : f32 to vector<5x400xf32>
    %add3A_8 = arith.addf %add3A, %add3A_7 : vector<5x400xf32>
    %rsqrt3A = math.rsqrt %add3A_8 : vector<5x400xf32>
    %broadcast_in_dim3A = vector.shape_cast %rsqrt3A : vector<5x400xf32> to vector<5x400x1xf32>
    %get3A_9 = arith.constant 0 : index
    %get3A_10 = arith.constant 0 : index
    %get3A_11 = arith.constant 0 : index
    %get3A_12 = arith.constant 0 : index
    %get3A_13 = vector.load %arg1[%get3A_9, %get3A_10, %get3A_11, %get3A_12] : memref<2x5x400x128xf32, #tpu.memory_space<vmem>>, vector<1x5x400x128xf32>
    %get3A_14 = vector.shape_cast %get3A_13 : vector<1x5x400x128xf32> to vector<5x400x128xf32>
    %get3A_15 = arith.constant 1 : index
    %get3A_16 = arith.constant 0 : index
    %get3A_17 = arith.constant 0 : index
    %get3A_18 = arith.constant 0 : index
    %get3A_19 = vector.load %arg1[%get3A_15, %get3A_16, %get3A_17, %get3A_18] : memref<2x5x400x128xf32, #tpu.memory_space<vmem>>, vector<1x5x400x128xf32>
    %get3A_20 = vector.shape_cast %get3A_19 : vector<1x5x400x128xf32> to vector<5x400x128xf32>
    %add3A_21 = arith.addf %get3A_14, %get3A_20 : vector<5x400x128xf32>
    %get3A_22 = arith.constant 0 : index
    %get3A_23 = arith.constant 0 : index
    %get3A_24 = arith.constant 0 : index
    %get3A_25 = vector.load %arg2[%get3A_22, %get3A_23, %get3A_24] : memref<5x400x128xf32, #tpu.memory_space<vmem>>, vector<5x400x128xf32>
    %add3A_26 = arith.addf %add3A_21, %get3A_25 : vector<5x400x128xf32>
    %mul3A = vector.broadcast %broadcast_in_dim3A : vector<5x400x1xf32> to vector<5x400x128xf32>
    %mul3A_27 = arith.mulf %mul3A, %add3A_26 : vector<5x400x128xf32>
    %get3A_28 = arith.constant 0 : index
    %get3A_29 = arith.constant 0 : index
    %get3A_30 = vector.load %arg4[%get3A_28, %get3A_29] : memref<1x128xf32, #tpu.memory_space<vmem>>, vector<1x128xf32>
    %broadcast_in_dim3A_31 = vector.shape_cast %get3A_30 : vector<1x128xf32> to vector<1x1x128xf32>
    %add3A_32 = vector.broadcast %broadcast_in_dim3A_31 : vector<1x1x128xf32> to vector<5x400x128xf32>
    %add3A_33 = arith.addf %mul3A_27, %add3A_32 : vector<5x400x128xf32>
    %get3A_34 = arith.constant 0 : index
    %get3A_35 = arith.constant 0 : index
    %get3A_36 = arith.constant 0 : index
    %get3A_37 = vector.load %arg3[%get3A_34, %get3A_35, %get3A_36] : memref<5x400x128xf32, #tpu.memory_space<vmem>>, vector<5x400x128xf32>
    %add3A_38 = arith.addf %add3A_33, %get3A_37 : vector<5x400x128xf32>
    %reduce_sum3A = arith.constant dense<0.000000e+00> : vector<400x128xf32>
    %reduce_sum3A_39 = vector.multi_reduction <add>, %add3A_38, %reduce_sum3A [0] : vector<5x400x128xf32> to vector<400x128xf32>
    %div3A = arith.constant 5.000000e+00 : f32
    %div3A_40 = vector.broadcast %div3A : f32 to vector<400x128xf32>
    %div3A_41 = arith.divf %reduce_sum3A_39, %div3A_40 : vector<400x128xf32>
    %get3A_42 = arith.constant 0 : index
    %get3A_43 = arith.constant 0 : index
    %get3A_44 = vector.load %arg6[%get3A_42, %get3A_43] : memref<400x1xf32, #tpu.memory_space<vmem>>, vector<400x1xf32>
    %mul3A_45 = vector.broadcast %get3A_44 : vector<400x1xf32> to vector<400x128xf32>
    %mul3A_46 = arith.mulf %div3A_41, %mul3A_45 : vector<400x128xf32>
    %get3A_47 = arith.constant 0 : index
    %get3A_48 = arith.constant 0 : index
    %get3A_49 = vector.load %arg7[%get3A_47, %get3A_48] : memref<128x64xf32, #tpu.memory_space<vmem>>, vector<128x64xf32>
    %dot_general3A = arith.constant dense<0.000000e+00> : vector<400x64xf32>
    %dot_general3A_50 = tpu.matmul %mul3A_46, %get3A_49, %dot_general3A {dimension_numbers = #tpu.dot_dimension_numbers<[1], [0], [0], [1], [0, 0, 1, 1], [], []>, precision = #tpu.contract_precision<fp32>, transpose_lhs_hint = false} : vector<400x128xf32>, vector<128x64xf32>, vector<400x64xf32> -> vector<400x64xf32>
    %get3A_51 = arith.constant 0 : index
    %get3A_52 = arith.constant 0 : index
    %get3A_53 = vector.load %arg8[%get3A_51, %get3A_52] : memref<1x64xf32, #tpu.memory_space<vmem>>, vector<1x64xf32>
    %add3A_54 = vector.broadcast %get3A_53 : vector<1x64xf32> to vector<400x64xf32>
    %add3A_55 = arith.addf %dot_general3A_50, %add3A_54 : vector<400x64xf32>
    %max3A = arith.constant 0.000000e+00 : f32
    %max3A_56 = vector.broadcast %max3A : f32 to vector<400x64xf32>
    %max3A_57 = arith.maximumf %add3A_55, %max3A_56 : vector<400x64xf32>
    %get3A_58 = arith.constant 0 : index
    %get3A_59 = arith.constant 0 : index
    %get3A_60 = vector.load %arg9[%get3A_58, %get3A_59] : memref<64x1xf32, #tpu.memory_space<vmem>>, vector<64x1xf32>
    %dot_general3A_61 = arith.constant dense<0.000000e+00> : vector<400x1xf32>
    %dot_general3A_62 = tpu.matmul %max3A_57, %get3A_60, %dot_general3A_61 {dimension_numbers = #tpu.dot_dimension_numbers<[1], [0], [0], [1], [0, 0, 1, 1], [], []>, precision = #tpu.contract_precision<fp32>, transpose_lhs_hint = false} : vector<400x64xf32>, vector<64x1xf32>, vector<400x1xf32> -> vector<400x1xf32>
    %get3A_63 = arith.constant 0 : index
    %get3A_64 = arith.constant 0 : index
    %get3A_65 = vector.load %arg10[%get3A_63, %get3A_64] : memref<1x1xf32, #tpu.memory_space<vmem>>, vector<1x1xf32>
    %add3A_66 = vector.broadcast %get3A_65 : vector<1x1xf32> to vector<400x1xf32>
    %add3A_67 = arith.addf %dot_general3A_62, %add3A_66 : vector<400x1xf32>
    %logistic3A = arith.negf %add3A_67 : vector<400x1xf32>
    %logistic3A_68 = math.exp %logistic3A : vector<400x1xf32>
    %logistic3A_69 = arith.constant 1.000000e+00 : f32
    %logistic3A_70 = vector.broadcast %logistic3A_69 : f32 to vector<400x1xf32>
    %logistic3A_71 = arith.addf %logistic3A_70, %logistic3A_68 : vector<400x1xf32>
    %logistic3A_72 = arith.divf %logistic3A_70, %logistic3A_71 : vector<400x1xf32>
    %swap3A = arith.constant 0 : index
    %swap3A_73 = arith.constant 0 : index
    %swap3A_74 = vector.load %arg11[%swap3A, %swap3A_73] : memref<400x1xf32, #tpu.memory_space<vmem>>, vector<400x1xf32>
    tpu.vector_store %arg11[%swap3A, %swap3A_73], %logistic3A_72 {strides = array<i32>} : memref<400x1xf32, #tpu.memory_space<vmem>>, vector<400x1xf32>,
    return
  }
  func.func @transform_0(%arg0: i32) -> (i32, i32, i32, i32) {
    %c0_i32 = arith.constant 0 : i32
    %c0_i32_0 = arith.constant 0 : i32
    %c0_i32_1 = arith.constant 0 : i32
    %c0_i32_2 = arith.constant 0 : i32
    return %c0_i32, %c0_i32_0, %arg0, %c0_i32_1 : i32, i32, i32, i32
  }
  func.func @transform_1(%arg0: i32) -> (i32, i32, i32) {
    %c0_i32 = arith.constant 0 : i32
    %c0_i32_0 = arith.constant 0 : i32
    %c0_i32_1 = arith.constant 0 : i32
    return %c0_i32, %arg0, %c0_i32_0 : i32, i32, i32
  }
  func.func @transform_2(%arg0: i32) -> (i32, i32, i32) {
    %c0_i32 = arith.constant 0 : i32
    %c0_i32_0 = arith.constant 0 : i32
    %c0_i32_1 = arith.constant 0 : i32
    return %c0_i32, %arg0, %c0_i32_0 : i32, i32, i32
  }
  func.func @transform_3(%arg0: i32) -> (i32, i32) {
    %c0_i32 = arith.constant 0 : i32
    %c0_i32_0 = arith.constant 0 : i32
    %c0_i32_1 = arith.constant 0 : i32
    return %c0_i32, %c0_i32_0 : i32, i32
  }
  func.func @transform_4(%arg0: i32) -> (i32, i32, i32, i32) {
    %c0_i32 = arith.constant 0 : i32
    %c0_i32_0 = arith.constant 0 : i32
    %c0_i32_1 = arith.constant 0 : i32
    %c0_i32_2 = arith.constant 0 : i32
    return %c0_i32, %c0_i32_0, %arg0, %c0_i32_1 : i32, i32, i32, i32
  }
  func.func @transform_5(%arg0: i32) -> (i32, i32) {
    %c0_i32 = arith.constant 0 : i32
    %c0_i32_0 = arith.constant 0 : i32
    return %arg0, %c0_i32 : i32, i32
  }
  func.func @transform_6(%arg0: i32) -> (i32, i32) {
    %c0_i32 = arith.constant 0 : i32
    %c0_i32_0 = arith.constant 0 : i32
    %c0_i32_1 = arith.constant 0 : i32
    return %c0_i32, %c0_i32_0 : i32, i32
  }
  func.func @transform_7(%arg0: i32) -> (i32, i32) {
    %c0_i32 = arith.constant 0 : i32
    %c0_i32_0 = arith.constant 0 : i32
    %c0_i32_1 = arith.constant 0 : i32
    return %c0_i32, %c0_i32_0 : i32, i32
  }
  func.func @transform_8(%arg0: i32) -> (i32, i32) {
    %c0_i32 = arith.constant 0 : i32
    %c0_i32_0 = arith.constant 0 : i32
    %c0_i32_1 = arith.constant 0 : i32
    return %c0_i32, %c0_i32_0 : i32, i32
  }
  func.func @transform_9(%arg0: i32) -> (i32, i32) {
    %c0_i32 = arith.constant 0 : i32
    %c0_i32_0 = arith.constant 0 : i32
    %c0_i32_1 = arith.constant 0 : i32
    return %c0_i32, %c0_i32_0 : i32, i32
  }
  func.func @transform_10(%arg0: i32) -> (i32, i32) {
    %c0_i32 = arith.constant 0 : i32
    %c0_i32_0 = arith.constant 0 : i32
    return %arg0, %c0_i32 : i32, i32
  }
}

</mosaic_0001>

<sc_bundles>
// kernel: kernel.11.cloned.1.call-start
scs
__scs_entry_jumppad:
0x0: {  	(pc) =	sbr.rel $0x88, $3  }
0x1: {  	(tag) =	ssettag $0x0;
	lr =	simm.s32 $0x1  }
0x2: {  	[smem:$0x3F96] =	sst lr;
	_ =	strace $0xD0000000  }
0x3: {  	_ = 	snop  }
0x4: {  	_ = 	snop  }
0x5: {  	_ = 	snop  }
0x6: {  	_ = 	snop  }
0x7: {  	_ = 	snop  }
__scs_overlays_trampoline_lowered:
0x8: {  	[smem:$0x3FA5] =	sst s0  }
0x9: {  	[smem:$0x3FA6] =	sst s1  }
0xa: {  	[smem:$0x3FA7] =	sst s2  }
0xb: {  	[smem:$0x3FA8] =	sst s3  }
0xc: {  	[smem:$0x3FA9] =	sst s4  }
0xd: {  	[smem:$0x3FAA] =	sst s5  }
0xe: {  	[smem:$0x3FAB] =	sst s6  }
0xf: {  	[smem:$0x3FAC] =	sst s7  }
0x10: {  	[smem:$0x3FAD] =	sst s8  }
0x11: {  	[smem:$0x3FAE] =	sst s9;
	s0 =	simm.s32 @!p0 $0x0  }
0x12: {  	s1 =	sld [smem:$0x3F94];
	s0 =	simm.s32 @p0 $0x1  }
0x13: {  	[smem:$0x3FAF] =	sst s0;
	s0 =	simm.s32 @!p1 $0x0  }
0x14: {  	s2 =	sld [smem:$0x3F93];
	s0 =	simm.s32 @p1 $0x1  }
0x15: {  	[smem:$0x3FB0] =	sst s0;
	s0 =	simm.s32 @!p2 $0x0  }
0x16: {  	s3 =	sld [smem:$0x3FDB];
	s0 =	simm.s32 @p2 $0x1  }
0x17: {  	s4 =	simm.s32 $0x1BF5;
	[smem:$0x3FB2] =	sst s0  }
0x18: {  	s0 =	sld [smem:$0x3F95];
	_ =	swait.ge [sflag:s4], $0x0  }
0x19: {  	s7 =	sld [smem:$0x3F96]  }
0x1a: {  	s8 =	sadd.s32 $0xFFFFE003, lr  }
0x1b: {  	s9 =	sadd.s32 $0xFFFFFEF7, lr;
	s5 =	simm.s32 $0xFFFFFFFF;
	p2 =	slt.u32 s8, $0xFFFFF086  }
0x1c: {  	p1 =	slt.u32 s9, $0xF7A;
	s5 =	simm.s32 @!p2 $0x0  }
0x1d: {  	s5 =	simm.s32 @p1 $0x1;
	p0 =	seq.s32 s7, s2  }
0x1e: {  	s7 =	smul.u32 @!p0 $0xF7A, s2;
	p2 =	seq.s32 @!p0 s5, $0x0  }
0x1f: {  	s9 =	smul.u32 $0xF7A, s1;
	s8 =	simm.s32 @!p0 $0x1BF5;
	p2 =	por !p2, p0  }
0x20: {  	[sflag:s8] =	ssyncset.s32 @!p0 $0xFFFFF086;
	s6 =	sadd.s32 @!p0 s3, s7;
	s7 =	simm.s32 @!p0 $0x108  }
0x21: {  	s3 =	sadd.s32 s3, s9;
	s6 =	sadd.s32 @!p0 $0x88, s6;
	s7 =	simm.s32 @p2 $0x1082  }
0x22: {  	[simem:s7], [sflag:s8] =	dma.local @!p0 [hbm:s6], $0xF7A  }
0x23: {  	s9 =	sor.u32 $0xD0000000, s2;
	s6 =	simm.s32 $0x108;
	_ =	swait.ge @!p0 [sflag:s8], $0x0  }
0x24: {  	s3 =	sadd.s32 $0x88, s3;
	s6 =	simm.s32 @!p1 $0x1082;
	[sflag:s4] =	ssyncset.s32 $0xFFFFF086  }
0x25: {  	[simem:s6], [sflag:s4] =	dma.local [hbm:s3], $0xF7A  }
0x26: {  	[smem:$0x3F96] =	sst s1;
	(tag) =	ssettag s2;
	_ =	strace s9  }
0x27: {  	s1 =	sld [smem:$0x3FA6]  }
0x28: {  	s2 =	sld [smem:$0x3FA7]  }
0x29: {  	s4 =	sld [smem:$0x3FA9]  }
0x2a: {  	p0 =	seq.s32 s5, $0x0;
	s5 =	sld [smem:$0x3FAA]  }
0x2b: {  	s6 =	sld [smem:$0x3FAB]  }
0x2c: {  	s7 =	sld [smem:$0x3FAC]  }
0x2d: {  	s3 =	simm.s32 $0x108;
	s8 =	sld [smem:$0x3FAD]  }
0x2e: {  	s3 =	simm.s32 @!p0 $0x1082;
	s9 =	sld [smem:$0x3FAE]  }
0x2f: {  	lr =	sadd.s32 s0, s3;
	s0 =	sld [smem:$0x3FA5]  }
0x30: {  	s3 =	sld [smem:$0x3FA8]  }
0x31: {  	[smem:$0x3FB1] =	sst s10  }
0x32: {  	s10 =	sld [smem:$0x3FAF];
	_ =	sdelay $0x3  }
0x33: {  	p0 =	seq.s32 s10, $0x1;
	s10 =	sld [smem:$0x3FB1];
	_ =	sdelay $0x3  }
0x34: {  	[smem:$0x3FB1] =	sst s10  }
0x35: {  	s10 =	sld [smem:$0x3FB0];
	_ =	sdelay $0x3  }
0x36: {  	p1 =	seq.s32 s10, $0x1;
	s10 =	sld [smem:$0x3FB1];
	_ =	sdelay $0x3  }
0x37: {  	[smem:$0x3FB1] =	sst s10  }
0x38: {  	s10 =	sld [smem:$0x3FB2]  }
0x39: {  	_ = 	snop;
	(pc) =	sbr.ind lr, $3  }
0x3a: {  	_ = 	snop  }
0x3b: {  	_ = 	snop  }
0x3c: {  	p2 =	seq.s32 s10, $0x1;
	s10 =	sld [smem:$0x3FB1]  }
0x3d: {  	_ =	shalt  }
0x3e: {  	_ =	shalt  }
0x3f: {  	_ =	shalt  }
0x40: {  	_ =	shalt  }
0x41: {  	_ =	shalt  }
0x42: {  	_ =	shalt  }
0x43: {  	_ =	shalt  }
0x44: {  	_ =	shalt  }
0x45: {  	_ =	shalt  }
0x46: {  	_ =	shalt  }
0x47: {  	_ =	shalt  }
0x48: {  	_ =	shalt  }
0x49: {  	_ =	shalt  }
0x4a: {  	_ =	shalt  }
0x4b: {  	_ =	shalt  }
0x4c: {  	_ =	shalt  }
0x4d: {  	_ =	shalt  }
0x4e: {  	_ =	shalt  }
0x4f: {  	_ =	shalt  }
0x50: {  	_ =	shalt  }
0x51: {  	_ =	shalt  }
0x52: {  	_ =	shalt  }
0x53: {  	_ =	shalt  }
0x54: {  	_ =	shalt  }
0x55: {  	_ =	shalt  }
0x56: {  	_ =	shalt  }
0x57: {  	_ =	shalt  }
0x58: {  	_ =	shalt  }
0x59: {  	_ =	shalt  }
0x5a: {  	_ =	shalt  }
0x5b: {  	_ =	shalt  }
0x5c: {  	_ =	shalt  }
0x5d: {  	_ =	shalt  }
0x5e: {  	_ =	shalt  }
0x5f: {  	_ =	shalt  }
0x60: {  	_ =	shalt  }
0x61: {  	_ =	shalt  }
0x62: {  	_ =	shalt  }
0x63: {  	_ =	shalt  }
0x64: {  	_ =	shalt  }
0x65: {  	_ =	shalt  }
0x66: {  	_ =	shalt  }
0x67: {  	_ =	shalt  }
0x68: {  	_ =	shalt  }
0x69: {  	_ =	shalt  }
0x6a: {  	_ =	shalt  }
0x6b: {  	_ =	shalt  }
0x6c: {  	_ =	shalt  }
0x6d: {  	_ =	shalt  }
0x6e: {  	_ =	shalt  }
0x6f: {  	_ =	shalt  }
0x70: {  	_ =	shalt  }
0x71: {  	_ =	shalt  }
0x72: {  	_ =	shalt  }
0x73: {  	_ =	shalt  }
0x74: {  	_ =	shalt  }
0x75: {  	_ =	shalt  }
0x76: {  	_ =	shalt  }
0x77: {  	_ =	shalt  }
0x78: {  	_ =	shalt  }
0x79: {  	_ =	shalt  }
0x7a: {  	_ =	shalt  }
0x7b: {  	_ =	shalt  }
0x7c: {  	_ =	shalt  }
0x7d: {  	_ =	shalt  }
0x7e: {  	_ =	shalt  }
0x7f: {  	_ =	shalt  }
0x80: {  	_ =	shalt  }
0x81: {  	_ =	shalt  }
0x82: {  	_ =	shalt  }
0x83: {  	_ =	shalt  }
0x84: {  	_ =	shalt  }
0x85: {  	_ =	shalt  }
0x86: {  	_ =	shalt  }
0x87: {  	_ =	shalt  }
.Lfunc_end0:
.L_simem_size_0:
called_computation.1_lowered:
.L_overlay_start_0:
0x88: {  	s2 =	sld [smem:$0x3FD9]  }
0x89: {  	s3 =	sld [smem:$0x3FFE];
	_ =	sdelay $0x1  }
0x8a: {  	s1 =	srdreg.scid  }
0x8b: {  	s0 =	sand.u32 $0x1, s1  }
0x8c: {  	s16 =	sshll.u32 s0, $0xA;
	s2 =	sadd.s32 s3, s2  }
0x8d: {  	s2 =	sadd.s32 s2, s16  }
0x8e: {  	[smem:$0x3FBD] =	sst s2  }
0x8f: {  	_ = 	snop  }
0x90: {  	(tm) =	ssettm $0x1  }
0x91: {  	s17 =	sld [smem:$0x3FFB];
	_ =	sdelay $0x3  }
0x92: {  	_ =	strace s17  }
0x93: {  	s2 =	sld [smem:$0x3FFC];
	_ =	sdelay $0x3  }
0x94: {  	_ =	strace s2  }
0x95: {  	s2 =	sld [smem:$0x3FFD];
	_ =	sdelay $0x3  }
0x96: {  	_ =	strace s2  }
0x97: {  	_ =	strace $0x8FFFFFFF  }
0x98: {  	s18 =	sld [smem:$0x3FDB];
	_ =	sdelay $0x1  }
0x99: {  	s19 =	simm.s32 $_scs_section_size  }
0x9a: {  	s4 =	simm.s32 $_size__tile_overlayer_lowered;
	s5 =	simm.s32 $_tile_overlayer_lowered  }
0x9b: {  	s22 =	simm.s32 $0x1BFF;
	s21 =	sshll.u32 s5, $0x1;
	s2 =	sadd.s32 s19, s18  }
0x9c: {  	s6 =	simm.s32 $0x0;
	s20 =	sshll.u32 s4, $0x1;
	s4 =	sadd.s32 s21, s2  }
0x9d: {  	[timem:s6], [sflag:s22] =	dma.local [hbm:s4], s20  }
0x9e: {  	_ =	swait.ge [sflag:s22], s20  }
0x9f: {  	s3 =	ssub.s32 $0x0, s20;
	[sflag:s22] =	ssyncset.done $0x0  }
0xa0: {  	[sflag:s22] =	ssyncadd.s32 s3;
	_ =	sdelay $0x1  }
0xa1: {  	s23 =	simm.s32 $0x1B8B  }
0xa2: {  	_ =	swait.ge [sflag:s23], $0x1  }
0xa3: {  	[sflag:s23] =	ssyncset.done $0x0  }
0xa4: {  	s25 =	simm.s32 $0x1B8E;
	s24 =	sld [smem:$0x3FFE];
	[sflag:s23] =	ssyncadd.s32 $0xFFFFFFFF  }
0xa5: {  	s26 =	simm.s32 $execute0_lowered;
	[smem:$0x3FD2] =	sst s25  }
0xa6: {  	s4 =	sshll.u32 s26, $0x1;
	_ =	strace $0x80000049;
	[dreg:$0x1] =	wrdreg $0xFFFFFFFF  }
0xa7: {  	s28 =	simm.s32 $_size_execute0_lowered;
	s2 =	sadd.s32 s2, s4;
	[dreg:$0x0] =	wrdreg $0x0  }
0xa8: {  	s4 =	sshll.u32 s28, $0x1;
	[dreg:$0x2] =	wrdreg s2  }
0xa9: {  	[dreg:$0x3] =	wrdreg s4  }
0xaa: {  	[dreg:$0x4] =	wrdreg $0xC0  }
0xab: {  	_ =	task [dreg:s6], $0x5FFFF  }
0xac: {  	[dreg:$0x1] =	wrdreg $0xFFFFFFFF  }
0xad: {  	[dreg:$0x0] =	wrdreg $0x60  }
0xae: {  	[dreg:$0x2] =	wrdreg s24  }
0xaf: {  	[dreg:$0x3] =	wrdreg $0x0  }
0xb0: {  	[dreg:$0x4] =	wrdreg $0x9  }
0xb1: {  	_ =	task.clear_ibuf [dreg:s6], $0x5FFFF;
	_ =	strace $0x90000049  }
0xb2: {  	s29 =	simm.s32 $0x9;
	_ =	strace $0x8000004B  }
0xb3: {  	_ =	swait.ge [sflag:s29], $0x1  }
0xb4: {  	[sflag:s29] =	ssyncadd.s32 $0xFFFFFFFF  }
0xb5: {  	_ =	strace $0x9000004B  }
0xb6: {  	_ =	sfence  }
0xb7: {  	s30 =	sld [smem:$0x0];
	_ =	sdelay $0x2  }
0xb8: {  	s31 =	sshll.u32 s1, $0xD;
	s1 =	sshrl.u32 s1, $0x2  }
0xb9: {  	s3 =	sand.u32 $0x4000, s31;
	s1 =	sadd.s32 s1, s30  }
0xba: {  	s0 =	sor.u32 s3, s0;
	s1 =	sshll.u32 s1, $0x11  }
0xbb: {  	s0 =	sor.u32 s1, s0  }
0xbc: {  	s0 =	sadd.s32 $0x8F2B, s0  }
0xbd: {  	[sflag:s0] =	ssyncadd.remote.s32 $0x1  }
0xbe: {  	_ =	sfence.sel $0xFFFF  }
0xbf: {  	[dreg:$0x0] =	wrdreg $0xFFFFFFFF;
	(pc) =	sbr.abs _section_cstart, $3  }
0xc0: {  	[dreg:$0x1] =	wrdreg $0xFFFFFFFF  }
0xc1: {  	_ =	task.clear_ibuf [dreg:s6], $0x2FFFF;
	_ =	strace $0x9FFFFFFF  }
0xc2: {  	(tm) =	ssettm $0x7FFFFFFF  }
0xc3: {  	_ =	shalt  }
tec
execute0_lowered:
.L_overlay_start_1:
0x0: {  	(tag) =	ssettag $0x1  }
0x1: {  	s0 =	rddreg [dreg:$0x0]  }
0x2: {  	s2 =	rddreg [dreg:$0x1];
	s3 =	simm.s32 $0x0;
	s1 =	srdreg.scid  }
0x3: {  	s9 =	stileid.u32;
	s28 =	simm.s32 $0x50;
	s29 =	simm.s32 $0x1C000  }
0x4: {  	s30 =	simm.s32 $0x1;
	s31 =	simm.s32 $0x0;
	[smem:$0x7FF] =	sst s3  }
0x5: {  	s1 =	sand.u32 $0x1, s1;
	s19 =	smul.u32 $0x280, s9;
	s20 =	sadd.s32 $0x232A00, s0  }
0x6: {  	s21 =	sadd.s32 $0x50200, s0;
	s4 =	sadd.s32 $0xA2A00, s0;
	s7 =	smul.u32 $0x50000, s9  }
0x7: {  	s23 =	sshll.u32 s9, $0x6;
	s24 =	sshll.u32 s9, $0xC;
	_ =	strace $0x8000004A  }
0x8: {  	s5 =	smul.u32 $0xC800, s1;
	s6 =	ssub.s32 $0x2, s1;
	s1 =	sshll.u32 s1, $0xB  }
0x9: {  	s8 =	sshrl.u32 s6, $0x1;
	s22 =	sshrl.u32 s7, $0x2;
	s7 =	sor.u32 $0x1C02, s23  }
0xa: {  	s1 =	sor.u32 s1, s24;
	s24 =	simm.s32 $0x2;
	s3 =	sadd.s32 s19, s5  }
0xb: {  	s5 =	sadd.s32 $0xA0200, s0;
	s25 =	sadd.s32 s20, s1;
	s26 =	sadd.s32 s21, s1  }
0xc: {  	s12 =	sor.u32 $0x10000, s1;
	s15 =	sor.u32 $0x20000, s1;
	s18 =	sor.u32 $0x30000, s1  }
0xd: {  	s1 =	sor.u32 $0x40000, s1;
	s3 =	sshll.u32 s3, $0x4;
	[dreg:$0x4] =	wrdreg s25  }
0xe: {  	[dreg:$0x5] =	wrdreg s26;
	s11 =	sadd.s32 s20, s12;
	s12 =	sadd.s32 s21, s12  }
0xf: {  	s14 =	sadd.s32 s20, s15;
	s15 =	sadd.s32 s21, s15;
	s17 =	sadd.s32 s20, s18  }
0x10: {  	s18 =	sadd.s32 s21, s18;
	s20 =	sadd.s32 s20, s1;
	s21 =	sadd.s32 s21, s1  }
0x11: {  	s25 =	simm.s32 $0x14000;
	s26 =	simm.s32 $0x18000;
	s0 =	sadd.s32 s3, s0  }
0x12: {  	s3 =	ssub.s32 s6, s8;
	s6 =	sadd.s32 s22, s2;
	s10 =	sadd.s32 $0x409400, s0  }
0x13: {  	[dreg:$0x3] =	wrdreg s6;
	s13 =	sadd.s32 $0x431400, s0;
	s16 =	sadd.s32 $0x459400, s0  }
0x14: {  	s19 =	sadd.s32 $0x481400, s0;
	s22 =	sadd.s32 $0x4A9400, s0;
	s23 =	smax.u32 s3, $0x1  }
.LBB2_1:
0x15: {  	s0 =	rddreg [dreg:$0x3]  }
0x16: {  	s0 =	sshrl.u32 s0, $0x3  }
0x17: {  	[spmem:s0], [sflag:s7] =	dma.local [hbm:s5], $0x2800  }
0x18: {  	_ =	swait.ge [sflag:s24], $0x2800  }
0x19: {  	[sflag:s24] =	ssyncset.done $0x0  }
0x1a: {  	s1 =	simm.s32 $0x0;
	s3 =	rddreg [dreg:$0x4];
	[sflag:s24] =	ssyncadd.s32 $0xFFFFD800  }
0x1b: {  	[tilespmem:s25], [sflag:$0x2] =	stream.linear.gather [hbm4b:s3+s1], $0x4000, $0x38;
	[tilespmem:$0x1E800] =	vst v63  }
0x1c: {  	_ =	swait.ge [sflag:s24], $0x4000  }
0x1d: {  	[sflag:s24] =	ssyncset.done $0x0  }
0x1e: {  	s6 =	rddreg [dreg:$0x5];
	[sflag:s24] =	ssyncadd.s32 $0xFFFFC000  }
0x1f: {  	[tilespmem:s26], [sflag:$0x2] =	stream.linear.gather [hbm4b:s6+s1], $0x4000, $0x38;
	[tilespmem:$0x1E800] =	vst v63  }
0x20: {  	_ =	swait.ge [sflag:s24], $0x4000  }
0x21: {  	[sflag:s24] =	ssyncset.done $0x0  }
0x22: {  	[sflag:s24] =	ssyncadd.s32 $0xFFFFC000  }
0x23: {  	s8 =	simm.s32 $0x14000;
	[bflag:$0x0] =	sbarrier.arrive $0xFFFF  }
0x24: {  	[tilespmem:s29], [sflag:$0x1] =	stream.indirect.gather [hbm4b:s4+s28], $0x80, s8, s28, $0xb8;
	[tilespmem:$0x1E800] =	vst v63  }
0x25: {  	_ =	swait.ge [sflag:s30], $0x2800  }
0x26: {  	[sflag:s30] =	ssyncset.done $0x0  }
0x27: {  	s9 =	simm.s32 $0x18000;
	[sflag:s30] =	ssyncadd.s32 $0xFFFFD800  }
0x28: {  	[spmem:s2] =	stream.indirect.scatter.add.f32 [tilespmem:s29], [sflag:$0x2], $0x80, s9, s28, $0xb8;
	[tilespmem:$0x1E800] =	vst v63  }
0x29: {  	_ =	swait.ge [sflag:s24], $0x2800  }
0x2a: {  	s3 =	simm.s32 $0x400;
	s1 =	simm.s32 $0x80;
	[sflag:s24] =	ssyncset.done $0x0  }
.LBB2_2:
0x2b: {  	s6 =	sadd.s32 $0x14000, s1  }
0x2c: {  	[sflag:s24] =	ssyncadd.s32 $0xFFFFD800;
	s8 =	smov.u32 s3;
	s9 =	sadd.s32 $0x200, s3  }
0x2d: {  	[tilespmem:s29], [sflag:$0x1] =	stream.indirect.gather [hbm4b:s4+s28], $0x80, s6, s28, $0xb8;
	[tilespmem:$0x1E800] =	vst v63  }
0x2e: {  	p0 =	sne.s32 s3, $0xF800;
	_ =	swait.ge [sflag:s30], $0x2800  }
.Ltmp0:
0x2f: {  	[sflag:s30] =	ssyncset.done $0x0;
	(pc) =	sbr.rel @p0 .LBB2_2-.Ltmp0, $4  }
0x30: {  	s1 =	sadd.s32 $0x18000, s1;
	[sflag:s30] =	ssyncadd.s32 $0xFFFFD800  }
0x31: {  	[spmem:s2] =	stream.indirect.scatter.add.f32 [tilespmem:s29], [sflag:$0x2], $0x80, s1, s28, $0xb8;
	[tilespmem:$0x1E800] =	vst v63  }
0x32: {  	_ =	swait.ge [sflag:s24], $0x2800  }
0x33: {  	s3 =	smov.u32 s9;
	s1 =	sshra.s32 s8, $0x2;
	[sflag:s24] =	ssyncset.done $0x0  }
0x34: {  	s3 =	sadd.s32 $0x14000, s1;
	[sflag:s24] =	ssyncadd.s32 $0xFFFFD800  }
0x35: {  	[tilespmem:s29], [sflag:$0x1] =	stream.indirect.gather [hbm4b:s4+s28], $0x80, s3, s28, $0xb8;
	[tilespmem:$0x1E800] =	vst v63  }
0x36: {  	_ =	swait.ge [sflag:s30], $0x2800  }
0x37: {  	[sflag:s30] =	ssyncset.done $0x0  }
0x38: {  	s3 =	sadd.s32 $0x18000, s1;
	[sflag:s30] =	ssyncadd.s32 $0xFFFFD800  }
0x39: {  	[spmem:s2] =	stream.indirect.scatter.add.f32 [tilespmem:s29], [sflag:$0x2], $0x80, s3, s28, $0xb8;
	[tilespmem:$0x1E800] =	vst v63  }
0x3a: {  	_ =	swait.ge [sflag:s24], $0x2800  }
0x3b: {  	[sflag:s24] =	ssyncset.done $0x0  }
0x3c: {  	[sflag:s24] =	ssyncadd.s32 $0xFFFFD800  }
0x3d: {  	[bflag:$0x0] =	sbarrier.arrive $0xFFFF  }
0x3e: {  	[hbm:s10], [sflag:s7] =	dma.local [spmem:s0], $0x2800  }
0x3f: {  	_ =	swait.ge [sflag:s24], $0x2800  }
0x40: {  	[sflag:s24] =	ssyncset.done $0x0  }
0x41: {  	[sflag:s24] =	ssyncadd.s32 $0xFFFFD800  }
0x42: {  	[spmem:s0], [sflag:s7] =	dma.local [hbm:s5], $0x2800  }
0x43: {  	_ =	swait.ge [sflag:s24], $0x2800  }
0x44: {  	[sflag:s24] =	ssyncset.done $0x0  }
0x45: {  	s6 =	simm.s32 $0x0;
	[sflag:s24] =	ssyncadd.s32 $0xFFFFD800  }
0x46: {  	[tilespmem:s25], [sflag:$0x2] =	stream.linear.gather [hbm4b:s11+s6], $0x4000, $0x38;
	[tilespmem:$0x1E800] =	vst v63  }
0x47: {  	_ =	swait.ge [sflag:s24], $0x4000  }
0x48: {  	[sflag:s24] =	ssyncset.done $0x0  }
0x49: {  	[sflag:s24] =	ssyncadd.s32 $0xFFFFC000  }
0x4a: {  	[tilespmem:s26], [sflag:$0x2] =	stream.linear.gather [hbm4b:s12+s6], $0x4000, $0x38;
	[tilespmem:$0x1E800] =	vst v63  }
0x4b: {  	_ =	swait.ge [sflag:s24], $0x4000  }
0x4c: {  	[sflag:s24] =	ssyncset.done $0x0  }
0x4d: {  	[sflag:s24] =	ssyncadd.s32 $0xFFFFC000  }
0x4e: {  	s8 =	simm.s32 $0x14000;
	[bflag:$0x0] =	sbarrier.arrive $0xFFFF  }
0x4f: {  	[tilespmem:s29], [sflag:$0x1] =	stream.indirect.gather [hbm4b:s4+s28], $0x80, s8, s28, $0xb8;
	[tilespmem:$0x1E800] =	vst v63  }
0x50: {  	_ =	swait.ge [sflag:s30], $0x2800  }
0x51: {  	[sflag:s30] =	ssyncset.done $0x0  }
0x52: {  	s9 =	simm.s32 $0x18000;
	[sflag:s30] =	ssyncadd.s32 $0xFFFFD800  }
0x53: {  	[spmem:s2] =	stream.indirect.scatter.add.f32 [tilespmem:s29], [sflag:$0x2], $0x80, s9, s28, $0xb8;
	[tilespmem:$0x1E800] =	vst v63  }
0x54: {  	_ =	swait.ge [sflag:s24], $0x2800  }
0x55: {  	s1 =	simm.s32 $0x80;
	s3 =	simm.s32 $0x400;
	[sflag:s24] =	ssyncset.done $0x0  }
.LBB2_4:
0x56: {  	s6 =	sadd.s32 $0x14000, s1  }
0x57: {  	[sflag:s24] =	ssyncadd.s32 $0xFFFFD800;
	s8 =	smov.u32 s3;
	s9 =	sadd.s32 $0x200, s3  }
0x58: {  	[tilespmem:s29], [sflag:$0x1] =	stream.indirect.gather [hbm4b:s4+s28], $0x80, s6, s28, $0xb8;
	[tilespmem:$0x1E800] =	vst v63  }
0x59: {  	p0 =	sne.s32 s3, $0xF800;
	_ =	swait.ge [sflag:s30], $0x2800  }
.Ltmp1:
0x5a: {  	[sflag:s30] =	ssyncset.done $0x0;
	(pc) =	sbr.rel @p0 .LBB2_4-.Ltmp1, $4  }
0x5b: {  	s1 =	sadd.s32 $0x18000, s1;
	[sflag:s30] =	ssyncadd.s32 $0xFFFFD800  }
0x5c: {  	[spmem:s2] =	stream.indirect.scatter.add.f32 [tilespmem:s29], [sflag:$0x2], $0x80, s1, s28, $0xb8;
	[tilespmem:$0x1E800] =	vst v63  }
0x5d: {  	_ =	swait.ge [sflag:s24], $0x2800  }
0x5e: {  	s3 =	smov.u32 s9;
	s1 =	sshra.s32 s8, $0x2;
	[sflag:s24] =	ssyncset.done $0x0  }
0x5f: {  	s3 =	sadd.s32 $0x14000, s1;
	[sflag:s24] =	ssyncadd.s32 $0xFFFFD800  }
0x60: {  	[tilespmem:s29], [sflag:$0x1] =	stream.indirect.gather [hbm4b:s4+s28], $0x80, s3, s28, $0xb8;
	[tilespmem:$0x1E800] =	vst v63  }
0x61: {  	_ =	swait.ge [sflag:s30], $0x2800  }
0x62: {  	[sflag:s30] =	ssyncset.done $0x0  }
0x63: {  	s3 =	sadd.s32 $0x18000, s1;
	[sflag:s30] =	ssyncadd.s32 $0xFFFFD800  }
0x64: {  	[spmem:s2] =	stream.indirect.scatter.add.f32 [tilespmem:s29], [sflag:$0x2], $0x80, s3, s28, $0xb8;
	[tilespmem:$0x1E800] =	vst v63  }
0x65: {  	_ =	swait.ge [sflag:s24], $0x2800  }
0x66: {  	[sflag:s24] =	ssyncset.done $0x0  }
0x67: {  	[sflag:s24] =	ssyncadd.s32 $0xFFFFD800  }
0x68: {  	[bflag:$0x0] =	sbarrier.arrive $0xFFFF  }
0x69: {  	[hbm:s13], [sflag:s7] =	dma.local [spmem:s0], $0x2800  }
0x6a: {  	_ =	swait.ge [sflag:s24], $0x2800  }
0x6b: {  	[sflag:s24] =	ssyncset.done $0x0  }
0x6c: {  	[sflag:s24] =	ssyncadd.s32 $0xFFFFD800  }
0x6d: {  	[spmem:s0], [sflag:s7] =	dma.local [hbm:s5], $0x2800  }
0x6e: {  	_ =	swait.ge [sflag:s24], $0x2800  }
0x6f: {  	[sflag:s24] =	ssyncset.done $0x0  }
0x70: {  	s6 =	simm.s32 $0x0;
	[sflag:s24] =	ssyncadd.s32 $0xFFFFD800  }
0x71: {  	[tilespmem:s25], [sflag:$0x2] =	stream.linear.gather [hbm4b:s14+s6], $0x4000, $0x38;
	[tilespmem:$0x1E800] =	vst v63  }
0x72: {  	_ =	swait.ge [sflag:s24], $0x4000  }
0x73: {  	[sflag:s24] =	ssyncset.done $0x0  }
0x74: {  	[sflag:s24] =	ssyncadd.s32 $0xFFFFC000  }
0x75: {  	[tilespmem:s26], [sflag:$0x2] =	stream.linear.gather [hbm4b:s15+s6], $0x4000, $0x38;
	[tilespmem:$0x1E800] =	vst v63  }
0x76: {  	_ =	swait.ge [sflag:s24], $0x4000  }
0x77: {  	[sflag:s24] =	ssyncset.done $0x0  }
0x78: {  	[sflag:s24] =	ssyncadd.s32 $0xFFFFC000  }
0x79: {  	s8 =	simm.s32 $0x14000;
	[bflag:$0x0] =	sbarrier.arrive $0xFFFF  }
0x7a: {  	[tilespmem:s29], [sflag:$0x1] =	stream.indirect.gather [hbm4b:s4+s28], $0x80, s8, s28, $0xb8;
	[tilespmem:$0x1E800] =	vst v63  }
0x7b: {  	_ =	swait.ge [sflag:s30], $0x2800  }
0x7c: {  	[sflag:s30] =	ssyncset.done $0x0  }
0x7d: {  	s9 =	simm.s32 $0x18000;
	[sflag:s30] =	ssyncadd.s32 $0xFFFFD800  }
0x7e: {  	[spmem:s2] =	stream.indirect.scatter.add.f32 [tilespmem:s29], [sflag:$0x2], $0x80, s9, s28, $0xb8;
	[tilespmem:$0x1E800] =	vst v63  }
0x7f: {  	_ =	swait.ge [sflag:s24], $0x2800  }
0x80: {  	s1 =	simm.s32 $0x80;
	s3 =	simm.s32 $0x400;
	[sflag:s24] =	ssyncset.done $0x0  }
.LBB2_6:
0x81: {  	s6 =	sadd.s32 $0x14000, s1  }
0x82: {  	[sflag:s24] =	ssyncadd.s32 $0xFFFFD800;
	s8 =	smov.u32 s3;
	s9 =	sadd.s32 $0x200, s3  }
0x83: {  	[tilespmem:s29], [sflag:$0x1] =	stream.indirect.gather [hbm4b:s4+s28], $0x80, s6, s28, $0xb8;
	[tilespmem:$0x1E800] =	vst v63  }
0x84: {  	p0 =	sne.s32 s3, $0xF800;
	_ =	swait.ge [sflag:s30], $0x2800  }
.Ltmp2:
0x85: {  	[sflag:s30] =	ssyncset.done $0x0;
	(pc) =	sbr.rel @p0 .LBB2_6-.Ltmp2, $4  }
0x86: {  	s1 =	sadd.s32 $0x18000, s1;
	[sflag:s30] =	ssyncadd.s32 $0xFFFFD800  }
0x87: {  	[spmem:s2] =	stream.indirect.scatter.add.f32 [tilespmem:s29], [sflag:$0x2], $0x80, s1, s28, $0xb8;
	[tilespmem:$0x1E800] =	vst v63  }
0x88: {  	_ =	swait.ge [sflag:s24], $0x2800  }
0x89: {  	s3 =	smov.u32 s9;
	s1 =	sshra.s32 s8, $0x2;
	[sflag:s24] =	ssyncset.done $0x0  }
0x8a: {  	s3 =	sadd.s32 $0x14000, s1;
	[sflag:s24] =	ssyncadd.s32 $0xFFFFD800  }
0x8b: {  	[tilespmem:s29], [sflag:$0x1] =	stream.indirect.gather [hbm4b:s4+s28], $0x80, s3, s28, $0xb8;
	[tilespmem:$0x1E800] =	vst v63  }
0x8c: {  	_ =	swait.ge [sflag:s30], $0x2800  }
0x8d: {  	[sflag:s30] =	ssyncset.done $0x0  }
0x8e: {  	s3 =	sadd.s32 $0x18000, s1;
	[sflag:s30] =	ssyncadd.s32 $0xFFFFD800  }
0x8f: {  	[spmem:s2] =	stream.indirect.scatter.add.f32 [tilespmem:s29], [sflag:$0x2], $0x80, s3, s28, $0xb8;
	[tilespmem:$0x1E800] =	vst v63  }
0x90: {  	_ =	swait.ge [sflag:s24], $0x2800  }
0x91: {  	[sflag:s24] =	ssyncset.done $0x0  }
0x92: {  	[sflag:s24] =	ssyncadd.s32 $0xFFFFD800  }
0x93: {  	[bflag:$0x0] =	sbarrier.arrive $0xFFFF  }
0x94: {  	[hbm:s16], [sflag:s7] =	dma.local [spmem:s0], $0x2800  }
0x95: {  	_ =	swait.ge [sflag:s24], $0x2800  }
0x96: {  	[sflag:s24] =	ssyncset.done $0x0  }
0x97: {  	[sflag:s24] =	ssyncadd.s32 $0xFFFFD800  }
0x98: {  	[spmem:s0], [sflag:s7] =	dma.local [hbm:s5], $0x2800  }
0x99: {  	_ =	swait.ge [sflag:s24], $0x2800  }
0x9a: {  	[sflag:s24] =	ssyncset.done $0x0  }
0x9b: {  	s6 =	simm.s32 $0x0;
	[sflag:s24] =	ssyncadd.s32 $0xFFFFD800  }
0x9c: {  	[tilespmem:s25], [sflag:$0x2] =	stream.linear.gather [hbm4b:s17+s6], $0x4000, $0x38;
	[tilespmem:$0x1E800] =	vst v63  }
0x9d: {  	_ =	swait.ge [sflag:s24], $0x4000  }
0x9e: {  	[sflag:s24] =	ssyncset.done $0x0  }
0x9f: {  	[sflag:s24] =	ssyncadd.s32 $0xFFFFC000  }
0xa0: {  	[tilespmem:s26], [sflag:$0x2] =	stream.linear.gather [hbm4b:s18+s6], $0x4000, $0x38;
	[tilespmem:$0x1E800] =	vst v63  }
0xa1: {  	_ =	swait.ge [sflag:s24], $0x4000  }
0xa2: {  	[sflag:s24] =	ssyncset.done $0x0  }
0xa3: {  	[sflag:s24] =	ssyncadd.s32 $0xFFFFC000  }
0xa4: {  	s8 =	simm.s32 $0x14000;
	[bflag:$0x0] =	sbarrier.arrive $0xFFFF  }
0xa5: {  	[tilespmem:s29], [sflag:$0x1] =	stream.indirect.gather [hbm4b:s4+s28], $0x80, s8, s28, $0xb8;
	[tilespmem:$0x1E800] =	vst v63  }
0xa6: {  	_ =	swait.ge [sflag:s30], $0x2800  }
0xa7: {  	[sflag:s30] =	ssyncset.done $0x0  }
0xa8: {  	s9 =	simm.s32 $0x18000;
	[sflag:s30] =	ssyncadd.s32 $0xFFFFD800  }
0xa9: {  	[spmem:s2] =	stream.indirect.scatter.add.f32 [tilespmem:s29], [sflag:$0x2], $0x80, s9, s28, $0xb8;
	[tilespmem:$0x1E800] =	vst v63  }
0xaa: {  	_ =	swait.ge [sflag:s24], $0x2800  }
0xab: {  	s1 =	simm.s32 $0x80;
	s3 =	simm.s32 $0x400;
	[sflag:s24] =	ssyncset.done $0x0  }
.LBB2_8:
0xac: {  	s6 =	sadd.s32 $0x14000, s1  }
0xad: {  	[sflag:s24] =	ssyncadd.s32 $0xFFFFD800;
	s8 =	smov.u32 s3;
	s9 =	sadd.s32 $0x200, s3  }
0xae: {  	[tilespmem:s29], [sflag:$0x1] =	stream.indirect.gather [hbm4b:s4+s28], $0x80, s6, s28, $0xb8;
	[tilespmem:$0x1E800] =	vst v63  }
0xaf: {  	p0 =	sne.s32 s3, $0xF800;
	_ =	swait.ge [sflag:s30], $0x2800  }
.Ltmp3:
0xb0: {  	[sflag:s30] =	ssyncset.done $0x0;
	(pc) =	sbr.rel @p0 .LBB2_8-.Ltmp3, $4  }
0xb1: {  	s1 =	sadd.s32 $0x18000, s1;
	[sflag:s30] =	ssyncadd.s32 $0xFFFFD800  }
0xb2: {  	[spmem:s2] =	stream.indirect.scatter.add.f32 [tilespmem:s29], [sflag:$0x2], $0x80, s1, s28, $0xb8;
	[tilespmem:$0x1E800] =	vst v63  }
0xb3: {  	_ =	swait.ge [sflag:s24], $0x2800  }
0xb4: {  	s3 =	smov.u32 s9;
	s1 =	sshra.s32 s8, $0x2;
	[sflag:s24] =	ssyncset.done $0x0  }
0xb5: {  	s3 =	sadd.s32 $0x14000, s1;
	[sflag:s24] =	ssyncadd.s32 $0xFFFFD800  }
0xb6: {  	[tilespmem:s29], [sflag:$0x1] =	stream.indirect.gather [hbm4b:s4+s28], $0x80, s3, s28, $0xb8;
	[tilespmem:$0x1E800] =	vst v63  }
0xb7: {  	_ =	swait.ge [sflag:s30], $0x2800  }
0xb8: {  	[sflag:s30] =	ssyncset.done $0x0  }
0xb9: {  	s3 =	sadd.s32 $0x18000, s1;
	[sflag:s30] =	ssyncadd.s32 $0xFFFFD800  }
0xba: {  	[spmem:s2] =	stream.indirect.scatter.add.f32 [tilespmem:s29], [sflag:$0x2], $0x80, s3, s28, $0xb8;
	[tilespmem:$0x1E800] =	vst v63  }
0xbb: {  	_ =	swait.ge [sflag:s24], $0x2800  }
0xbc: {  	[sflag:s24] =	ssyncset.done $0x0  }
0xbd: {  	[sflag:s24] =	ssyncadd.s32 $0xFFFFD800  }
0xbe: {  	[bflag:$0x0] =	sbarrier.arrive $0xFFFF  }
0xbf: {  	[hbm:s19], [sflag:s7] =	dma.local [spmem:s0], $0x2800  }
0xc0: {  	_ =	swait.ge [sflag:s24], $0x2800  }
0xc1: {  	[sflag:s24] =	ssyncset.done $0x0  }
0xc2: {  	[sflag:s24] =	ssyncadd.s32 $0xFFFFD800  }
0xc3: {  	[spmem:s0], [sflag:s7] =	dma.local [hbm:s5], $0x2800  }
0xc4: {  	_ =	swait.ge [sflag:s24], $0x2800  }
0xc5: {  	[sflag:s24] =	ssyncset.done $0x0  }
0xc6: {  	s6 =	simm.s32 $0x0;
	[sflag:s24] =	ssyncadd.s32 $0xFFFFD800  }
0xc7: {  	[tilespmem:s25], [sflag:$0x2] =	stream.linear.gather [hbm4b:s20+s6], $0x4000, $0x38;
	[tilespmem:$0x1E800] =	vst v63  }
0xc8: {  	_ =	swait.ge [sflag:s24], $0x4000  }
0xc9: {  	[sflag:s24] =	ssyncset.done $0x0  }
0xca: {  	[sflag:s24] =	ssyncadd.s32 $0xFFFFC000  }
0xcb: {  	[tilespmem:s26], [sflag:$0x2] =	stream.linear.gather [hbm4b:s21+s6], $0x4000, $0x38;
	[tilespmem:$0x1E800] =	vst v63  }
0xcc: {  	_ =	swait.ge [sflag:s24], $0x4000  }
0xcd: {  	[sflag:s24] =	ssyncset.done $0x0  }
0xce: {  	[sflag:s24] =	ssyncadd.s32 $0xFFFFC000  }
0xcf: {  	s8 =	simm.s32 $0x14000;
	[bflag:$0x0] =	sbarrier.arrive $0xFFFF  }
0xd0: {  	[tilespmem:s29], [sflag:$0x1] =	stream.indirect.gather [hbm4b:s4+s28], $0x80, s8, s28, $0xb8;
	[tilespmem:$0x1E800] =	vst v63  }
0xd1: {  	_ =	swait.ge [sflag:s30], $0x2800  }
0xd2: {  	[sflag:s30] =	ssyncset.done $0x0  }
0xd3: {  	s9 =	simm.s32 $0x18000;
	[sflag:s30] =	ssyncadd.s32 $0xFFFFD800  }
0xd4: {  	[spmem:s2] =	stream.indirect.scatter.add.f32 [tilespmem:s29], [sflag:$0x2], $0x80, s9, s28, $0xb8;
	[tilespmem:$0x1E800] =	vst v63  }
0xd5: {  	_ =	swait.ge [sflag:s24], $0x2800  }
0xd6: {  	s1 =	simm.s32 $0x80;
	s3 =	simm.s32 $0x400;
	[sflag:s24] =	ssyncset.done $0x0  }
.LBB2_10:
0xd7: {  	s6 =	sadd.s32 $0x14000, s1  }
0xd8: {  	[sflag:s24] =	ssyncadd.s32 $0xFFFFD800;
	s8 =	smov.u32 s3;
	s9 =	sadd.s32 $0x200, s3  }
0xd9: {  	[tilespmem:s29], [sflag:$0x1] =	stream.indirect.gather [hbm4b:s4+s28], $0x80, s6, s28, $0xb8;
	[tilespmem:$0x1E800] =	vst v63  }
0xda: {  	p0 =	sne.s32 s3, $0xF800;
	_ =	swait.ge [sflag:s30], $0x2800  }
.Ltmp4:
0xdb: {  	[sflag:s30] =	ssyncset.done $0x0;
	(pc) =	sbr.rel @p0 .LBB2_10-.Ltmp4, $4  }
0xdc: {  	s1 =	sadd.s32 $0x18000, s1;
	[sflag:s30] =	ssyncadd.s32 $0xFFFFD800  }
0xdd: {  	[spmem:s2] =	stream.indirect.scatter.add.f32 [tilespmem:s29], [sflag:$0x2], $0x80, s1, s28, $0xb8;
	[tilespmem:$0x1E800] =	vst v63  }
0xde: {  	_ =	swait.ge [sflag:s24], $0x2800  }
0xdf: {  	s3 =	smov.u32 s9;
	s1 =	sshra.s32 s8, $0x2;
	[sflag:s24] =	ssyncset.done $0x0  }
0xe0: {  	s3 =	sadd.s32 $0x14000, s1;
	[sflag:s24] =	ssyncadd.s32 $0xFFFFD800  }
0xe1: {  	[tilespmem:s29], [sflag:$0x1] =	stream.indirect.gather [hbm4b:s4+s28], $0x80, s3, s28, $0xb8;
	[tilespmem:$0x1E800] =	vst v63  }
0xe2: {  	_ =	swait.ge [sflag:s30], $0x2800  }
0xe3: {  	[sflag:s30] =	ssyncset.done $0x0  }
0xe4: {  	s9 =	sadd.s32 $0x18000, s1;
	[sflag:s30] =	ssyncadd.s32 $0xFFFFD800  }
0xe5: {  	[spmem:s2] =	stream.indirect.scatter.add.f32 [tilespmem:s29], [sflag:$0x2], $0x80, s9, s28, $0xb8;
	[tilespmem:$0x1E800] =	vst v63  }
0xe6: {  	_ =	swait.ge [sflag:s24], $0x2800  }
0xe7: {  	s31 =	sadd.s32 $0x1, s31;
	[sflag:s24] =	ssyncset.done $0x0  }
0xe8: {  	p0 =	sne.s32 s31, s23;
	[sflag:s24] =	ssyncadd.s32 $0xFFFFD800  }
.Ltmp5:
0xe9: {  	[bflag:$0x0] =	sbarrier.arrive $0xFFFF;
	(pc) =	sbr.rel @p0 .LBB2_1-.Ltmp5, $4  }
0xea: {  	[hbm:s22], [sflag:s7] =	dma.local [spmem:s0], $0x2800  }
0xeb: {  	_ =	swait.ge [sflag:s24], $0x2800  }
0xec: {  	[sflag:s24] =	ssyncset.done $0x0  }
0xed: {  	[sflag:s24] =	ssyncadd.s32 $0xFFFFD800  }
0xee: {  	_ =	sfence.sel $0x180000  }
0xef: {  	[bflag:$0x0] =	sbarrier.arrive $0xFFFF  }
0xf0: {  	_ =	strace $0x9000004A  }
0xf1: {  	s0 =	stileid.u32;
	[bflag:$0x2] =	sbarrier.arrive $0xFFFF  }
0xf2: {  	p0 =	sne.s32 s0, $0x0;
	s0 =	rddreg [dreg:$0x2]  }
0xf3: {  	s0 =	sadd.s32 @!p0 $0x100000, s0  }
0xf4: {  	[sflag:s0] =	ssyncadd.tile.s32 @!p0 $0x1;
	_ =	shalt  }
.Lfunc_end2:
_tile_overlayer_lowered:
.L_overlay_start_2:
0xf5: {  	(tag) =	ssettag $0x2  }
0xf6: {  	s0 =	rddreg [dreg:$0x0];
	s2 =	stileid.u32  }
0xf7: {  	s1 =	rddreg [dreg:$0x1];
	p0 =	sne.s32 s2, $0x0  }
0xf8: {  	s3 =	rddreg [dreg:$0x2];
	[bflag:$0x3] =	sbarrier.arrive $0xFFFF;
	s2 =	simm.s32 @!p0 $0x1C02  }
0xf9: {  	[timem:s3], [sflag:s2] =	dma.local @!p0 [hbm:s0], s1  }
0xfa: {  	s0 =	simm.s32 @!p0 $0x2  }
0xfb: {  	_ =	swait.ge @!p0 [sflag:s0], s1  }
0xfc: {  	s1 =	ssub.s32 @!p0 $0x0, s1;
	[sflag:s0] =	ssyncset.done @!p0 $0x0  }
0xfd: {  	[sflag:s0] =	ssyncadd.s32 @!p0 s1  }
0xfe: {  	[bflag:$0x3] =	sbarrier.arrive $0xFFFF  }
0xff: {  	_ =	shalt  }

// kernel: kernel.14.cloned.1.call-start
scs
__scs_entry_jumppad:
0x0: {  	(pc) =	sbr.rel $0x88, $3  }
0x1: {  	(tag) =	ssettag $0x0;
	lr =	simm.s32 $0x1  }
0x2: {  	[smem:$0x3F96] =	sst lr;
	_ =	strace $0xD0000000  }
0x3: {  	_ = 	snop  }
0x4: {  	_ = 	snop  }
0x5: {  	_ = 	snop  }
0x6: {  	_ = 	snop  }
0x7: {  	_ = 	snop  }
__scs_overlays_trampoline_lowered:
0x8: {  	[smem:$0x3FA5] =	sst s0  }
0x9: {  	[smem:$0x3FA6] =	sst s1  }
0xa: {  	[smem:$0x3FA7] =	sst s2  }
0xb: {  	[smem:$0x3FA8] =	sst s3  }
0xc: {  	[smem:$0x3FA9] =	sst s4  }
0xd: {  	[smem:$0x3FAA] =	sst s5  }
0xe: {  	[smem:$0x3FAB] =	sst s6  }
0xf: {  	[smem:$0x3FAC] =	sst s7  }
0x10: {  	[smem:$0x3FAD] =	sst s8  }
0x11: {  	[smem:$0x3FAE] =	sst s9;
	s0 =	simm.s32 @!p0 $0x0  }
0x12: {  	s1 =	sld [smem:$0x3F94];
	s0 =	simm.s32 @p0 $0x1  }
0x13: {  	[smem:$0x3FAF] =	sst s0;
	s0 =	simm.s32 @!p1 $0x0  }
0x14: {  	s2 =	sld [smem:$0x3F93];
	s0 =	simm.s32 @p1 $0x1  }
0x15: {  	[smem:$0x3FB0] =	sst s0;
	s0 =	simm.s32 @!p2 $0x0  }
0x16: {  	s3 =	sld [smem:$0x3FDB];
	s0 =	simm.s32 @p2 $0x1  }
0x17: {  	s4 =	simm.s32 $0x1BF5;
	[smem:$0x3FB2] =	sst s0  }
0x18: {  	s0 =	sld [smem:$0x3F95];
	_ =	swait.ge [sflag:s4], $0x0  }
0x19: {  	s7 =	sld [smem:$0x3F96]  }
0x1a: {  	s8 =	sadd.s32 $0xFFFFE003, lr  }
0x1b: {  	s9 =	sadd.s32 $0xFFFFFEF7, lr;
	s5 =	simm.s32 $0xFFFFFFFF;
	p2 =	slt.u32 s8, $0xFFFFF086  }
0x1c: {  	p1 =	slt.u32 s9, $0xF7A;
	s5 =	simm.s32 @!p2 $0x0  }
0x1d: {  	s5 =	simm.s32 @p1 $0x1;
	p0 =	seq.s32 s7, s2  }
0x1e: {  	s7 =	smul.u32 @!p0 $0xF7A, s2;
	p2 =	seq.s32 @!p0 s5, $0x0  }
0x1f: {  	s9 =	smul.u32 $0xF7A, s1;
	s8 =	simm.s32 @!p0 $0x1BF5;
	p2 =	por !p2, p0  }
0x20: {  	[sflag:s8] =	ssyncset.s32 @!p0 $0xFFFFF086;
	s6 =	sadd.s32 @!p0 s3, s7;
	s7 =	simm.s32 @!p0 $0x108  }
0x21: {  	s3 =	sadd.s32 s3, s9;
	s6 =	sadd.s32 @!p0 $0x88, s6;
	s7 =	simm.s32 @p2 $0x1082  }
0x22: {  	[simem:s7], [sflag:s8] =	dma.local @!p0 [hbm:s6], $0xF7A  }
0x23: {  	s9 =	sor.u32 $0xD0000000, s2;
	s6 =	simm.s32 $0x108;
	_ =	swait.ge @!p0 [sflag:s8], $0x0  }
0x24: {  	s3 =	sadd.s32 $0x88, s3;
	s6 =	simm.s32 @!p1 $0x1082;
	[sflag:s4] =	ssyncset.s32 $0xFFFFF086  }
0x25: {  	[simem:s6], [sflag:s4] =	dma.local [hbm:s3], $0xF7A  }
0x26: {  	[smem:$0x3F96] =	sst s1;
	(tag) =	ssettag s2;
	_ =	strace s9  }
0x27: {  	s1 =	sld [smem:$0x3FA6]  }
0x28: {  	s2 =	sld [smem:$0x3FA7]  }
0x29: {  	s4 =	sld [smem:$0x3FA9]  }
0x2a: {  	p0 =	seq.s32 s5, $0x0;
	s5 =	sld [smem:$0x3FAA]  }
0x2b: {  	s6 =	sld [smem:$0x3FAB]  }
0x2c: {  	s7 =	sld [smem:$0x3FAC]  }
0x2d: {  	s3 =	simm.s32 $0x108;
	s8 =	sld [smem:$0x3FAD]  }
0x2e: {  	s3 =	simm.s32 @!p0 $0x1082;
	s9 =	sld [smem:$0x3FAE]  }
0x2f: {  	lr =	sadd.s32 s0, s3;
	s0 =	sld [smem:$0x3FA5]  }
0x30: {  	s3 =	sld [smem:$0x3FA8]  }
0x31: {  	[smem:$0x3FB1] =	sst s10  }
0x32: {  	s10 =	sld [smem:$0x3FAF];
	_ =	sdelay $0x3  }
0x33: {  	p0 =	seq.s32 s10, $0x1;
	s10 =	sld [smem:$0x3FB1];
	_ =	sdelay $0x3  }
0x34: {  	[smem:$0x3FB1] =	sst s10  }
0x35: {  	s10 =	sld [smem:$0x3FB0];
	_ =	sdelay $0x3  }
0x36: {  	p1 =	seq.s32 s10, $0x1;
	s10 =	sld [smem:$0x3FB1];
	_ =	sdelay $0x3  }
0x37: {  	[smem:$0x3FB1] =	sst s10  }
0x38: {  	s10 =	sld [smem:$0x3FB2]  }
0x39: {  	_ = 	snop;
	(pc) =	sbr.ind lr, $3  }
0x3a: {  	_ = 	snop  }
0x3b: {  	_ = 	snop  }
0x3c: {  	p2 =	seq.s32 s10, $0x1;
	s10 =	sld [smem:$0x3FB1]  }
0x3d: {  	_ =	shalt  }
0x3e: {  	_ =	shalt  }
0x3f: {  	_ =	shalt  }
0x40: {  	_ =	shalt  }
0x41: {  	_ =	shalt  }
0x42: {  	_ =	shalt  }
0x43: {  	_ =	shalt  }
0x44: {  	_ =	shalt  }
0x45: {  	_ =	shalt  }
0x46: {  	_ =	shalt  }
0x47: {  	_ =	shalt  }
0x48: {  	_ =	shalt  }
0x49: {  	_ =	shalt  }
0x4a: {  	_ =	shalt  }
0x4b: {  	_ =	shalt  }
0x4c: {  	_ =	shalt  }
0x4d: {  	_ =	shalt  }
0x4e: {  	_ =	shalt  }
0x4f: {  	_ =	shalt  }
0x50: {  	_ =	shalt  }
0x51: {  	_ =	shalt  }
0x52: {  	_ =	shalt  }
0x53: {  	_ =	shalt  }
0x54: {  	_ =	shalt  }
0x55: {  	_ =	shalt  }
0x56: {  	_ =	shalt  }
0x57: {  	_ =	shalt  }
0x58: {  	_ =	shalt  }
0x59: {  	_ =	shalt  }
0x5a: {  	_ =	shalt  }
0x5b: {  	_ =	shalt  }
0x5c: {  	_ =	shalt  }
0x5d: {  	_ =	shalt  }
0x5e: {  	_ =	shalt  }
0x5f: {  	_ =	shalt  }
0x60: {  	_ =	shalt  }
0x61: {  	_ =	shalt  }
0x62: {  	_ =	shalt  }
0x63: {  	_ =	shalt  }
0x64: {  	_ =	shalt  }
0x65: {  	_ =	shalt  }
0x66: {  	_ =	shalt  }
0x67: {  	_ =	shalt  }
0x68: {  	_ =	shalt  }
0x69: {  	_ =	shalt  }
0x6a: {  	_ =	shalt  }
0x6b: {  	_ =	shalt  }
0x6c: {  	_ =	shalt  }
0x6d: {  	_ =	shalt  }
0x6e: {  	_ =	shalt  }
0x6f: {  	_ =	shalt  }
0x70: {  	_ =	shalt  }
0x71: {  	_ =	shalt  }
0x72: {  	_ =	shalt  }
0x73: {  	_ =	shalt  }
0x74: {  	_ =	shalt  }
0x75: {  	_ =	shalt  }
0x76: {  	_ =	shalt  }
0x77: {  	_ =	shalt  }
0x78: {  	_ =	shalt  }
0x79: {  	_ =	shalt  }
0x7a: {  	_ =	shalt  }
0x7b: {  	_ =	shalt  }
0x7c: {  	_ =	shalt  }
0x7d: {  	_ =	shalt  }
0x7e: {  	_ =	shalt  }
0x7f: {  	_ =	shalt  }
0x80: {  	_ =	shalt  }
0x81: {  	_ =	shalt  }
0x82: {  	_ =	shalt  }
0x83: {  	_ =	shalt  }
0x84: {  	_ =	shalt  }
0x85: {  	_ =	shalt  }
0x86: {  	_ =	shalt  }
0x87: {  	_ =	shalt  }
.Lfunc_end0:
.L_simem_size_0:
called_computation.2_lowered:
.L_overlay_start_0:
0x88: {  	s2 =	sld [smem:$0x3FD9]  }
0x89: {  	s3 =	sld [smem:$0x3FFE];
	_ =	sdelay $0x1  }
0x8a: {  	s1 =	srdreg.scid  }
0x8b: {  	s0 =	sand.u32 $0x1, s1  }
0x8c: {  	s16 =	sshll.u32 s0, $0xA;
	s2 =	sadd.s32 s3, s2  }
0x8d: {  	s2 =	sadd.s32 s2, s16  }
0x8e: {  	[smem:$0x3FBD] =	sst s2  }
0x8f: {  	_ = 	snop  }
0x90: {  	(tm) =	ssettm $0x1  }
0x91: {  	s17 =	sld [smem:$0x3FFB];
	_ =	sdelay $0x3  }
0x92: {  	_ =	strace s17  }
0x93: {  	s2 =	sld [smem:$0x3FFC];
	_ =	sdelay $0x3  }
0x94: {  	_ =	strace s2  }
0x95: {  	s2 =	sld [smem:$0x3FFD];
	_ =	sdelay $0x3  }
0x96: {  	_ =	strace s2  }
0x97: {  	_ =	strace $0x8FFFFFFF  }
0x98: {  	s18 =	sld [smem:$0x3FDB];
	_ =	sdelay $0x1  }
0x99: {  	s19 =	simm.s32 $_scs_section_size  }
0x9a: {  	s4 =	simm.s32 $_size__tile_overlayer_lowered;
	s5 =	simm.s32 $_tile_overlayer_lowered  }
0x9b: {  	s22 =	simm.s32 $0x1BFF;
	s21 =	sshll.u32 s5, $0x1;
	s2 =	sadd.s32 s19, s18  }
0x9c: {  	s6 =	simm.s32 $0x0;
	s20 =	sshll.u32 s4, $0x1;
	s4 =	sadd.s32 s21, s2  }
0x9d: {  	[timem:s6], [sflag:s22] =	dma.local [hbm:s4], s20  }
0x9e: {  	_ =	swait.ge [sflag:s22], s20  }
0x9f: {  	s3 =	ssub.s32 $0x0, s20;
	[sflag:s22] =	ssyncset.done $0x0  }
0xa0: {  	[sflag:s22] =	ssyncadd.s32 s3;
	_ =	sdelay $0x1  }
0xa1: {  	s23 =	simm.s32 $0x1B8B  }
0xa2: {  	_ =	swait.ge [sflag:s23], $0x1  }
0xa3: {  	[sflag:s23] =	ssyncset.done $0x0  }
0xa4: {  	s25 =	simm.s32 $0x1B8E;
	s24 =	sld [smem:$0x3FFE];
	[sflag:s23] =	ssyncadd.s32 $0xFFFFFFFF  }
0xa5: {  	s26 =	simm.s32 $execute0_lowered;
	[smem:$0x3FD2] =	sst s25  }
0xa6: {  	s4 =	sshll.u32 s26, $0x1;
	_ =	strace $0x8000004C;
	[dreg:$0x1] =	wrdreg $0xFFFFFFFF  }
0xa7: {  	s28 =	simm.s32 $_size_execute0_lowered;
	s2 =	sadd.s32 s2, s4;
	[dreg:$0x0] =	wrdreg $0x0  }
0xa8: {  	s4 =	sshll.u32 s28, $0x1;
	[dreg:$0x2] =	wrdreg s2  }
0xa9: {  	[dreg:$0x3] =	wrdreg s4  }
0xaa: {  	[dreg:$0x4] =	wrdreg $0xC0  }
0xab: {  	_ =	task [dreg:s6], $0x5FFFF  }
0xac: {  	[dreg:$0x1] =	wrdreg $0xFFFFFFFF  }
0xad: {  	[dreg:$0x0] =	wrdreg $0x60  }
0xae: {  	[dreg:$0x2] =	wrdreg s24  }
0xaf: {  	[dreg:$0x3] =	wrdreg $0x0  }
0xb0: {  	[dreg:$0x4] =	wrdreg $0x9  }
0xb1: {  	_ =	task.clear_ibuf [dreg:s6], $0x5FFFF;
	_ =	strace $0x9000004C  }
0xb2: {  	s29 =	simm.s32 $0x9;
	_ =	strace $0x8000004E  }
0xb3: {  	_ =	swait.ge [sflag:s29], $0x1  }
0xb4: {  	[sflag:s29] =	ssyncadd.s32 $0xFFFFFFFF  }
0xb5: {  	_ =	strace $0x9000004E  }
0xb6: {  	_ =	sfence  }
0xb7: {  	s30 =	sld [smem:$0x0];
	_ =	sdelay $0x2  }
0xb8: {  	s31 =	sshll.u32 s1, $0xD;
	s1 =	sshrl.u32 s1, $0x2  }
0xb9: {  	s3 =	sand.u32 $0x4000, s31;
	s1 =	sadd.s32 s1, s30  }
0xba: {  	s0 =	sor.u32 s3, s0;
	s1 =	sshll.u32 s1, $0x11  }
0xbb: {  	s0 =	sor.u32 s1, s0  }
0xbc: {  	s0 =	sadd.s32 $0x8F2B, s0  }
0xbd: {  	[sflag:s0] =	ssyncadd.remote.s32 $0x1  }
0xbe: {  	_ =	sfence.sel $0xFFFF  }
0xbf: {  	[dreg:$0x0] =	wrdreg $0xFFFFFFFF;
	(pc) =	sbr.abs _section_cstart, $3  }
0xc0: {  	[dreg:$0x1] =	wrdreg $0xFFFFFFFF  }
0xc1: {  	_ =	task.clear_ibuf [dreg:s6], $0x2FFFF;
	_ =	strace $0x9FFFFFFF  }
0xc2: {  	(tm) =	ssettm $0x7FFFFFFF  }
0xc3: {  	_ =	shalt  }
tec
execute0_lowered:
.L_overlay_start_1:
0x0: {  	(tag) =	ssettag $0x1  }
0x1: {  	s0 =	rddreg [dreg:$0x0]  }
0x2: {  	s1 =	rddreg [dreg:$0x1];
	s2 =	simm.s32 $0x0;
	s21 =	srdreg.scid  }
0x3: {  	s9 =	stileid.u32;
	s28 =	simm.s32 $0x50;
	s29 =	simm.s32 $0x1C000  }
0x4: {  	s30 =	simm.s32 $0x1;
	s31 =	simm.s32 $0x0;
	[smem:$0x7FF] =	sst s2  }
0x5: {  	s2 =	sand.u32 $0x1, s21;
	s3 =	smul.u32 $0x280, s9;
	s20 =	sadd.s32 $0x232A00, s0  }
0x6: {  	s21 =	sadd.s32 $0x50200, s0;
	s4 =	sadd.s32 $0x409400, s0;
	s7 =	smul.u32 $0x50000, s9  }
0x7: {  	s23 =	sshll.u32 s9, $0x6;
	s24 =	sshll.u32 s9, $0xC;
	_ =	strace $0x8000004D  }
0x8: {  	s5 =	smul.u32 $0xC800, s2;
	s6 =	ssub.s32 $0x2, s2;
	s2 =	sshll.u32 s2, $0xB  }
0x9: {  	s8 =	sshrl.u32 s6, $0x1;
	s22 =	sshrl.u32 s7, $0x2;
	s7 =	sor.u32 $0x1C02, s23  }
0xa: {  	s2 =	sor.u32 s2, s24;
	s24 =	simm.s32 $0x2;
	s3 =	sadd.s32 s3, s5  }
0xb: {  	s5 =	sadd.s32 $0xA0200, s0;
	s25 =	sadd.s32 s20, s2;
	s26 =	sadd.s32 s21, s2  }
0xc: {  	s12 =	sor.u32 $0x10000, s2;
	s15 =	sor.u32 $0x20000, s2;
	s18 =	sor.u32 $0x30000, s2  }
0xd: {  	s2 =	sor.u32 $0x40000, s2;
	s3 =	sshll.u32 s3, $0x4;
	[dreg:$0x4] =	wrdreg s25  }
0xe: {  	[dreg:$0x5] =	wrdreg s26;
	s11 =	sadd.s32 s20, s12;
	s12 =	sadd.s32 s21, s12  }
0xf: {  	s14 =	sadd.s32 s20, s15;
	s15 =	sadd.s32 s21, s15;
	s17 =	sadd.s32 s20, s18  }
0x10: {  	s18 =	sadd.s32 s21, s18;
	s20 =	sadd.s32 s20, s2;
	s21 =	sadd.s32 s21, s2  }
0x11: {  	s25 =	simm.s32 $0x14000;
	s26 =	simm.s32 $0x18000;
	s0 =	sadd.s32 s3, s0  }
0x12: {  	s3 =	ssub.s32 s6, s8;
	s6 =	sadd.s32 s22, s1;
	s10 =	sadd.s32 $0x4CCA00, s0  }
0x13: {  	[dreg:$0x3] =	wrdreg s6;
	s13 =	sadd.s32 $0x4F4A00, s0;
	s16 =	sadd.s32 $0x51CA00, s0  }
0x14: {  	s19 =	sadd.s32 $0x544A00, s0;
	s22 =	sadd.s32 $0x56CA00, s0;
	s23 =	smax.u32 s3, $0x1  }
.LBB2_1:
0x15: {  	s0 =	rddreg [dreg:$0x3]  }
0x16: {  	s0 =	sshrl.u32 s0, $0x3  }
0x17: {  	[spmem:s0], [sflag:s7] =	dma.local [hbm:s5], $0x2800  }
0x18: {  	_ =	swait.ge [sflag:s24], $0x2800  }
0x19: {  	[sflag:s24] =	ssyncset.done $0x0  }
0x1a: {  	s2 =	simm.s32 $0x0;
	s3 =	rddreg [dreg:$0x4];
	[sflag:s24] =	ssyncadd.s32 $0xFFFFD800  }
0x1b: {  	[tilespmem:s25], [sflag:$0x2] =	stream.linear.gather [hbm4b:s3+s2], $0x4000, $0x38;
	[tilespmem:$0x1E800] =	vst v63  }
0x1c: {  	_ =	swait.ge [sflag:s24], $0x4000  }
0x1d: {  	[sflag:s24] =	ssyncset.done $0x0  }
0x1e: {  	s6 =	rddreg [dreg:$0x5];
	[sflag:s24] =	ssyncadd.s32 $0xFFFFC000  }
0x1f: {  	[tilespmem:s26], [sflag:$0x2] =	stream.linear.gather [hbm4b:s6+s2], $0x4000, $0x38;
	[tilespmem:$0x1E800] =	vst v63  }
0x20: {  	_ =	swait.ge [sflag:s24], $0x4000  }
0x21: {  	[sflag:s24] =	ssyncset.done $0x0  }
0x22: {  	[sflag:s24] =	ssyncadd.s32 $0xFFFFC000  }
0x23: {  	s8 =	simm.s32 $0x14000;
	[bflag:$0x0] =	sbarrier.arrive $0xFFFF  }
0x24: {  	[tilespmem:s29], [sflag:$0x1] =	stream.indirect.gather [hbm4b:s4+s28], $0x80, s8, s28, $0xb8;
	[tilespmem:$0x1E800] =	vst v63  }
0x25: {  	_ =	swait.ge [sflag:s30], $0x2800  }
0x26: {  	[sflag:s30] =	ssyncset.done $0x0  }
0x27: {  	s9 =	simm.s32 $0x18000;
	[sflag:s30] =	ssyncadd.s32 $0xFFFFD800  }
0x28: {  	[spmem:s1] =	stream.indirect.scatter.add.f32 [tilespmem:s29], [sflag:$0x2], $0x80, s9, s28, $0xb8;
	[tilespmem:$0x1E800] =	vst v63  }
0x29: {  	_ =	swait.ge [sflag:s24], $0x2800  }
0x2a: {  	s3 =	simm.s32 $0x400;
	s2 =	simm.s32 $0x80;
	[sflag:s24] =	ssyncset.done $0x0  }
.LBB2_2:
0x2b: {  	s6 =	sadd.s32 $0x14000, s2  }
0x2c: {  	[sflag:s24] =	ssyncadd.s32 $0xFFFFD800;
	s8 =	smov.u32 s3;
	s9 =	sadd.s32 $0x200, s3  }
0x2d: {  	[tilespmem:s29], [sflag:$0x1] =	stream.indirect.gather [hbm4b:s4+s28], $0x80, s6, s28, $0xb8;
	[tilespmem:$0x1E800] =	vst v63  }
0x2e: {  	p0 =	sne.s32 s3, $0xF800;
	_ =	swait.ge [sflag:s30], $0x2800  }
.Ltmp0:
0x2f: {  	[sflag:s30] =	ssyncset.done $0x0;
	(pc) =	sbr.rel @p0 .LBB2_2-.Ltmp0, $4  }
0x30: {  	s2 =	sadd.s32 $0x18000, s2;
	[sflag:s30] =	ssyncadd.s32 $0xFFFFD800  }
0x31: {  	[spmem:s1] =	stream.indirect.scatter.add.f32 [tilespmem:s29], [sflag:$0x2], $0x80, s2, s28, $0xb8;
	[tilespmem:$0x1E800] =	vst v63  }
0x32: {  	_ =	swait.ge [sflag:s24], $0x2800  }
0x33: {  	s3 =	smov.u32 s9;
	s2 =	sshra.s32 s8, $0x2;
	[sflag:s24] =	ssyncset.done $0x0  }
0x34: {  	s3 =	sadd.s32 $0x14000, s2;
	[sflag:s24] =	ssyncadd.s32 $0xFFFFD800  }
0x35: {  	[tilespmem:s29], [sflag:$0x1] =	stream.indirect.gather [hbm4b:s4+s28], $0x80, s3, s28, $0xb8;
	[tilespmem:$0x1E800] =	vst v63  }
0x36: {  	_ =	swait.ge [sflag:s30], $0x2800  }
0x37: {  	[sflag:s30] =	ssyncset.done $0x0  }
0x38: {  	s3 =	sadd.s32 $0x18000, s2;
	[sflag:s30] =	ssyncadd.s32 $0xFFFFD800  }
0x39: {  	[spmem:s1] =	stream.indirect.scatter.add.f32 [tilespmem:s29], [sflag:$0x2], $0x80, s3, s28, $0xb8;
	[tilespmem:$0x1E800] =	vst v63  }
0x3a: {  	_ =	swait.ge [sflag:s24], $0x2800  }
0x3b: {  	[sflag:s24] =	ssyncset.done $0x0  }
0x3c: {  	[sflag:s24] =	ssyncadd.s32 $0xFFFFD800  }
0x3d: {  	[bflag:$0x0] =	sbarrier.arrive $0xFFFF  }
0x3e: {  	[hbm:s10], [sflag:s7] =	dma.local [spmem:s0], $0x2800  }
0x3f: {  	_ =	swait.ge [sflag:s24], $0x2800  }
0x40: {  	[sflag:s24] =	ssyncset.done $0x0  }
0x41: {  	[sflag:s24] =	ssyncadd.s32 $0xFFFFD800  }
0x42: {  	[spmem:s0], [sflag:s7] =	dma.local [hbm:s5], $0x2800  }
0x43: {  	_ =	swait.ge [sflag:s24], $0x2800  }
0x44: {  	[sflag:s24] =	ssyncset.done $0x0  }
0x45: {  	s6 =	simm.s32 $0x0;
	[sflag:s24] =	ssyncadd.s32 $0xFFFFD800  }
0x46: {  	[tilespmem:s25], [sflag:$0x2] =	stream.linear.gather [hbm4b:s11+s6], $0x4000, $0x38;
	[tilespmem:$0x1E800] =	vst v63  }
0x47: {  	_ =	swait.ge [sflag:s24], $0x4000  }
0x48: {  	[sflag:s24] =	ssyncset.done $0x0  }
0x49: {  	[sflag:s24] =	ssyncadd.s32 $0xFFFFC000  }
0x4a: {  	[tilespmem:s26], [sflag:$0x2] =	stream.linear.gather [hbm4b:s12+s6], $0x4000, $0x38;
	[tilespmem:$0x1E800] =	vst v63  }
0x4b: {  	_ =	swait.ge [sflag:s24], $0x4000  }
0x4c: {  	[sflag:s24] =	ssyncset.done $0x0  }
0x4d: {  	[sflag:s24] =	ssyncadd.s32 $0xFFFFC000  }
0x4e: {  	s8 =	simm.s32 $0x14000;
	[bflag:$0x0] =	sbarrier.arrive $0xFFFF  }
0x4f: {  	[tilespmem:s29], [sflag:$0x1] =	stream.indirect.gather [hbm4b:s4+s28], $0x80, s8, s28, $0xb8;
	[tilespmem:$0x1E800] =	vst v63  }
0x50: {  	_ =	swait.ge [sflag:s30], $0x2800  }
0x51: {  	[sflag:s30] =	ssyncset.done $0x0  }
0x52: {  	s9 =	simm.s32 $0x18000;
	[sflag:s30] =	ssyncadd.s32 $0xFFFFD800  }
0x53: {  	[spmem:s1] =	stream.indirect.scatter.add.f32 [tilespmem:s29], [sflag:$0x2], $0x80, s9, s28, $0xb8;
	[tilespmem:$0x1E800] =	vst v63  }
0x54: {  	_ =	swait.ge [sflag:s24], $0x2800  }
0x55: {  	s2 =	simm.s32 $0x80;
	s3 =	simm.s32 $0x400;
	[sflag:s24] =	ssyncset.done $0x0  }
.LBB2_4:
0x56: {  	s6 =	sadd.s32 $0x14000, s2  }
0x57: {  	[sflag:s24] =	ssyncadd.s32 $0xFFFFD800;
	s8 =	smov.u32 s3;
	s9 =	sadd.s32 $0x200, s3  }
0x58: {  	[tilespmem:s29], [sflag:$0x1] =	stream.indirect.gather [hbm4b:s4+s28], $0x80, s6, s28, $0xb8;
	[tilespmem:$0x1E800] =	vst v63  }
0x59: {  	p0 =	sne.s32 s3, $0xF800;
	_ =	swait.ge [sflag:s30], $0x2800  }
.Ltmp1:
0x5a: {  	[sflag:s30] =	ssyncset.done $0x0;
	(pc) =	sbr.rel @p0 .LBB2_4-.Ltmp1, $4  }
0x5b: {  	s2 =	sadd.s32 $0x18000, s2;
	[sflag:s30] =	ssyncadd.s32 $0xFFFFD800  }
0x5c: {  	[spmem:s1] =	stream.indirect.scatter.add.f32 [tilespmem:s29], [sflag:$0x2], $0x80, s2, s28, $0xb8;
	[tilespmem:$0x1E800] =	vst v63  }
0x5d: {  	_ =	swait.ge [sflag:s24], $0x2800  }
0x5e: {  	s3 =	smov.u32 s9;
	s2 =	sshra.s32 s8, $0x2;
	[sflag:s24] =	ssyncset.done $0x0  }
0x5f: {  	s3 =	sadd.s32 $0x14000, s2;
	[sflag:s24] =	ssyncadd.s32 $0xFFFFD800  }
0x60: {  	[tilespmem:s29], [sflag:$0x1] =	stream.indirect.gather [hbm4b:s4+s28], $0x80, s3, s28, $0xb8;
	[tilespmem:$0x1E800] =	vst v63  }
0x61: {  	_ =	swait.ge [sflag:s30], $0x2800  }
0x62: {  	[sflag:s30] =	ssyncset.done $0x0  }
0x63: {  	s3 =	sadd.s32 $0x18000, s2;
	[sflag:s30] =	ssyncadd.s32 $0xFFFFD800  }
0x64: {  	[spmem:s1] =	stream.indirect.scatter.add.f32 [tilespmem:s29], [sflag:$0x2], $0x80, s3, s28, $0xb8;
	[tilespmem:$0x1E800] =	vst v63  }
0x65: {  	_ =	swait.ge [sflag:s24], $0x2800  }
0x66: {  	[sflag:s24] =	ssyncset.done $0x0  }
0x67: {  	[sflag:s24] =	ssyncadd.s32 $0xFFFFD800  }
0x68: {  	[bflag:$0x0] =	sbarrier.arrive $0xFFFF  }
0x69: {  	[hbm:s13], [sflag:s7] =	dma.local [spmem:s0], $0x2800  }
0x6a: {  	_ =	swait.ge [sflag:s24], $0x2800  }
0x6b: {  	[sflag:s24] =	ssyncset.done $0x0  }
0x6c: {  	[sflag:s24] =	ssyncadd.s32 $0xFFFFD800  }
0x6d: {  	[spmem:s0], [sflag:s7] =	dma.local [hbm:s5], $0x2800  }
0x6e: {  	_ =	swait.ge [sflag:s24], $0x2800  }
0x6f: {  	[sflag:s24] =	ssyncset.done $0x0  }
0x70: {  	s6 =	simm.s32 $0x0;
	[sflag:s24] =	ssyncadd.s32 $0xFFFFD800  }
0x71: {  	[tilespmem:s25], [sflag:$0x2] =	stream.linear.gather [hbm4b:s14+s6], $0x4000, $0x38;
	[tilespmem:$0x1E800] =	vst v63  }
0x72: {  	_ =	swait.ge [sflag:s24], $0x4000  }
0x73: {  	[sflag:s24] =	ssyncset.done $0x0  }
0x74: {  	[sflag:s24] =	ssyncadd.s32 $0xFFFFC000  }
0x75: {  	[tilespmem:s26], [sflag:$0x2] =	stream.linear.gather [hbm4b:s15+s6], $0x4000, $0x38;
	[tilespmem:$0x1E800] =	vst v63  }
0x76: {  	_ =	swait.ge [sflag:s24], $0x4000  }
0x77: {  	[sflag:s24] =	ssyncset.done $0x0  }
0x78: {  	[sflag:s24] =	ssyncadd.s32 $0xFFFFC000  }
0x79: {  	s8 =	simm.s32 $0x14000;
	[bflag:$0x0] =	sbarrier.arrive $0xFFFF  }
0x7a: {  	[tilespmem:s29], [sflag:$0x1] =	stream.indirect.gather [hbm4b:s4+s28], $0x80, s8, s28, $0xb8;
	[tilespmem:$0x1E800] =	vst v63  }
0x7b: {  	_ =	swait.ge [sflag:s30], $0x2800  }
0x7c: {  	[sflag:s30] =	ssyncset.done $0x0  }
0x7d: {  	s9 =	simm.s32 $0x18000;
	[sflag:s30] =	ssyncadd.s32 $0xFFFFD800  }
0x7e: {  	[spmem:s1] =	stream.indirect.scatter.add.f32 [tilespmem:s29], [sflag:$0x2], $0x80, s9, s28, $0xb8;
	[tilespmem:$0x1E800] =	vst v63  }
0x7f: {  	_ =	swait.ge [sflag:s24], $0x2800  }
0x80: {  	s2 =	simm.s32 $0x80;
	s3 =	simm.s32 $0x400;
	[sflag:s24] =	ssyncset.done $0x0  }
.LBB2_6:
0x81: {  	s6 =	sadd.s32 $0x14000, s2  }
0x82: {  	[sflag:s24] =	ssyncadd.s32 $0xFFFFD800;
	s8 =	smov.u32 s3;
	s9 =	sadd.s32 $0x200, s3  }
0x83: {  	[tilespmem:s29], [sflag:$0x1] =	stream.indirect.gather [hbm4b:s4+s28], $0x80, s6, s28, $0xb8;
	[tilespmem:$0x1E800] =	vst v63  }
0x84: {  	p0 =	sne.s32 s3, $0xF800;
	_ =	swait.ge [sflag:s30], $0x2800  }
.Ltmp2:
0x85: {  	[sflag:s30] =	ssyncset.done $0x0;
	(pc) =	sbr.rel @p0 .LBB2_6-.Ltmp2, $4  }
0x86: {  	s2 =	sadd.s32 $0x18000, s2;
	[sflag:s30] =	ssyncadd.s32 $0xFFFFD800  }
0x87: {  	[spmem:s1] =	stream.indirect.scatter.add.f32 [tilespmem:s29], [sflag:$0x2], $0x80, s2, s28, $0xb8;
	[tilespmem:$0x1E800] =	vst v63  }
0x88: {  	_ =	swait.ge [sflag:s24], $0x2800  }
0x89: {  	s3 =	smov.u32 s9;
	s2 =	sshra.s32 s8, $0x2;
	[sflag:s24] =	ssyncset.done $0x0  }
0x8a: {  	s3 =	sadd.s32 $0x14000, s2;
	[sflag:s24] =	ssyncadd.s32 $0xFFFFD800  }
0x8b: {  	[tilespmem:s29], [sflag:$0x1] =	stream.indirect.gather [hbm4b:s4+s28], $0x80, s3, s28, $0xb8;
	[tilespmem:$0x1E800] =	vst v63  }
0x8c: {  	_ =	swait.ge [sflag:s30], $0x2800  }
0x8d: {  	[sflag:s30] =	ssyncset.done $0x0  }
0x8e: {  	s3 =	sadd.s32 $0x18000, s2;
	[sflag:s30] =	ssyncadd.s32 $0xFFFFD800  }
0x8f: {  	[spmem:s1] =	stream.indirect.scatter.add.f32 [tilespmem:s29], [sflag:$0x2], $0x80, s3, s28, $0xb8;
	[tilespmem:$0x1E800] =	vst v63  }
0x90: {  	_ =	swait.ge [sflag:s24], $0x2800  }
0x91: {  	[sflag:s24] =	ssyncset.done $0x0  }
0x92: {  	[sflag:s24] =	ssyncadd.s32 $0xFFFFD800  }
0x93: {  	[bflag:$0x0] =	sbarrier.arrive $0xFFFF  }
0x94: {  	[hbm:s16], [sflag:s7] =	dma.local [spmem:s0], $0x2800  }
0x95: {  	_ =	swait.ge [sflag:s24], $0x2800  }
0x96: {  	[sflag:s24] =	ssyncset.done $0x0  }
0x97: {  	[sflag:s24] =	ssyncadd.s32 $0xFFFFD800  }
0x98: {  	[spmem:s0], [sflag:s7] =	dma.local [hbm:s5], $0x2800  }
0x99: {  	_ =	swait.ge [sflag:s24], $0x2800  }
0x9a: {  	[sflag:s24] =	ssyncset.done $0x0  }
0x9b: {  	s6 =	simm.s32 $0x0;
	[sflag:s24] =	ssyncadd.s32 $0xFFFFD800  }
0x9c: {  	[tilespmem:s25], [sflag:$0x2] =	stream.linear.gather [hbm4b:s17+s6], $0x4000, $0x38;
	[tilespmem:$0x1E800] =	vst v63  }
0x9d: {  	_ =	swait.ge [sflag:s24], $0x4000  }
0x9e: {  	[sflag:s24] =	ssyncset.done $0x0  }
0x9f: {  	[sflag:s24] =	ssyncadd.s32 $0xFFFFC000  }
0xa0: {  	[tilespmem:s26], [sflag:$0x2] =	stream.linear.gather [hbm4b:s18+s6], $0x4000, $0x38;
	[tilespmem:$0x1E800] =	vst v63  }
0xa1: {  	_ =	swait.ge [sflag:s24], $0x4000  }
0xa2: {  	[sflag:s24] =	ssyncset.done $0x0  }
0xa3: {  	[sflag:s24] =	ssyncadd.s32 $0xFFFFC000  }
0xa4: {  	s8 =	simm.s32 $0x14000;
	[bflag:$0x0] =	sbarrier.arrive $0xFFFF  }
0xa5: {  	[tilespmem:s29], [sflag:$0x1] =	stream.indirect.gather [hbm4b:s4+s28], $0x80, s8, s28, $0xb8;
	[tilespmem:$0x1E800] =	vst v63  }
0xa6: {  	_ =	swait.ge [sflag:s30], $0x2800  }
0xa7: {  	[sflag:s30] =	ssyncset.done $0x0  }
0xa8: {  	s9 =	simm.s32 $0x18000;
	[sflag:s30] =	ssyncadd.s32 $0xFFFFD800  }
0xa9: {  	[spmem:s1] =	stream.indirect.scatter.add.f32 [tilespmem:s29], [sflag:$0x2], $0x80, s9, s28, $0xb8;
	[tilespmem:$0x1E800] =	vst v63  }
0xaa: {  	_ =	swait.ge [sflag:s24], $0x2800  }
0xab: {  	s2 =	simm.s32 $0x80;
	s3 =	simm.s32 $0x400;
	[sflag:s24] =	ssyncset.done $0x0  }
.LBB2_8:
0xac: {  	s6 =	sadd.s32 $0x14000, s2  }
0xad: {  	[sflag:s24] =	ssyncadd.s32 $0xFFFFD800;
	s8 =	smov.u32 s3;
	s9 =	sadd.s32 $0x200, s3  }
0xae: {  	[tilespmem:s29], [sflag:$0x1] =	stream.indirect.gather [hbm4b:s4+s28], $0x80, s6, s28, $0xb8;
	[tilespmem:$0x1E800] =	vst v63  }
0xaf: {  	p0 =	sne.s32 s3, $0xF800;
	_ =	swait.ge [sflag:s30], $0x2800  }
.Ltmp3:
0xb0: {  	[sflag:s30] =	ssyncset.done $0x0;
	(pc) =	sbr.rel @p0 .LBB2_8-.Ltmp3, $4  }
0xb1: {  	s2 =	sadd.s32 $0x18000, s2;
	[sflag:s30] =	ssyncadd.s32 $0xFFFFD800  }
0xb2: {  	[spmem:s1] =	stream.indirect.scatter.add.f32 [tilespmem:s29], [sflag:$0x2], $0x80, s2, s28, $0xb8;
	[tilespmem:$0x1E800] =	vst v63  }
0xb3: {  	_ =	swait.ge [sflag:s24], $0x2800  }
0xb4: {  	s3 =	smov.u32 s9;
	s2 =	sshra.s32 s8, $0x2;
	[sflag:s24] =	ssyncset.done $0x0  }
0xb5: {  	s3 =	sadd.s32 $0x14000, s2;
	[sflag:s24] =	ssyncadd.s32 $0xFFFFD800  }
0xb6: {  	[tilespmem:s29], [sflag:$0x1] =	stream.indirect.gather [hbm4b:s4+s28], $0x80, s3, s28, $0xb8;
	[tilespmem:$0x1E800] =	vst v63  }
0xb7: {  	_ =	swait.ge [sflag:s30], $0x2800  }
0xb8: {  	[sflag:s30] =	ssyncset.done $0x0  }
0xb9: {  	s3 =	sadd.s32 $0x18000, s2;
	[sflag:s30] =	ssyncadd.s32 $0xFFFFD800  }
0xba: {  	[spmem:s1] =	stream.indirect.scatter.add.f32 [tilespmem:s29], [sflag:$0x2], $0x80, s3, s28, $0xb8;
	[tilespmem:$0x1E800] =	vst v63  }
0xbb: {  	_ =	swait.ge [sflag:s24], $0x2800  }
0xbc: {  	[sflag:s24] =	ssyncset.done $0x0  }
0xbd: {  	[sflag:s24] =	ssyncadd.s32 $0xFFFFD800  }
0xbe: {  	[bflag:$0x0] =	sbarrier.arrive $0xFFFF  }
0xbf: {  	[hbm:s19], [sflag:s7] =	dma.local [spmem:s0], $0x2800  }
0xc0: {  	_ =	swait.ge [sflag:s24], $0x2800  }
0xc1: {  	[sflag:s24] =	ssyncset.done $0x0  }
0xc2: {  	[sflag:s24] =	ssyncadd.s32 $0xFFFFD800  }
0xc3: {  	[spmem:s0], [sflag:s7] =	dma.local [hbm:s5], $0x2800  }
0xc4: {  	_ =	swait.ge [sflag:s24], $0x2800  }
0xc5: {  	[sflag:s24] =	ssyncset.done $0x0  }
0xc6: {  	s6 =	simm.s32 $0x0;
	[sflag:s24] =	ssyncadd.s32 $0xFFFFD800  }
0xc7: {  	[tilespmem:s25], [sflag:$0x2] =	stream.linear.gather [hbm4b:s20+s6], $0x4000, $0x38;
	[tilespmem:$0x1E800] =	vst v63  }
0xc8: {  	_ =	swait.ge [sflag:s24], $0x4000  }
0xc9: {  	[sflag:s24] =	ssyncset.done $0x0  }
0xca: {  	[sflag:s24] =	ssyncadd.s32 $0xFFFFC000  }
0xcb: {  	[tilespmem:s26], [sflag:$0x2] =	stream.linear.gather [hbm4b:s21+s6], $0x4000, $0x38;
	[tilespmem:$0x1E800] =	vst v63  }
0xcc: {  	_ =	swait.ge [sflag:s24], $0x4000  }
0xcd: {  	[sflag:s24] =	ssyncset.done $0x0  }
0xce: {  	[sflag:s24] =	ssyncadd.s32 $0xFFFFC000  }
0xcf: {  	s8 =	simm.s32 $0x14000;
	[bflag:$0x0] =	sbarrier.arrive $0xFFFF  }
0xd0: {  	[tilespmem:s29], [sflag:$0x1] =	stream.indirect.gather [hbm4b:s4+s28], $0x80, s8, s28, $0xb8;
	[tilespmem:$0x1E800] =	vst v63  }
0xd1: {  	_ =	swait.ge [sflag:s30], $0x2800  }
0xd2: {  	[sflag:s30] =	ssyncset.done $0x0  }
0xd3: {  	s9 =	simm.s32 $0x18000;
	[sflag:s30] =	ssyncadd.s32 $0xFFFFD800  }
0xd4: {  	[spmem:s1] =	stream.indirect.scatter.add.f32 [tilespmem:s29], [sflag:$0x2], $0x80, s9, s28, $0xb8;
	[tilespmem:$0x1E800] =	vst v63  }
0xd5: {  	_ =	swait.ge [sflag:s24], $0x2800  }
0xd6: {  	s2 =	simm.s32 $0x80;
	s3 =	simm.s32 $0x400;
	[sflag:s24] =	ssyncset.done $0x0  }
.LBB2_10:
0xd7: {  	s6 =	sadd.s32 $0x14000, s2  }
0xd8: {  	[sflag:s24] =	ssyncadd.s32 $0xFFFFD800;
	s8 =	smov.u32 s3;
	s9 =	sadd.s32 $0x200, s3  }
0xd9: {  	[tilespmem:s29], [sflag:$0x1] =	stream.indirect.gather [hbm4b:s4+s28], $0x80, s6, s28, $0xb8;
	[tilespmem:$0x1E800] =	vst v63  }
0xda: {  	p0 =	sne.s32 s3, $0xF800;
	_ =	swait.ge [sflag:s30], $0x2800  }
.Ltmp4:
0xdb: {  	[sflag:s30] =	ssyncset.done $0x0;
	(pc) =	sbr.rel @p0 .LBB2_10-.Ltmp4, $4  }
0xdc: {  	s2 =	sadd.s32 $0x18000, s2;
	[sflag:s30] =	ssyncadd.s32 $0xFFFFD800  }
0xdd: {  	[spmem:s1] =	stream.indirect.scatter.add.f32 [tilespmem:s29], [sflag:$0x2], $0x80, s2, s28, $0xb8;
	[tilespmem:$0x1E800] =	vst v63  }
0xde: {  	_ =	swait.ge [sflag:s24], $0x2800  }
0xdf: {  	s3 =	smov.u32 s9;
	s2 =	sshra.s32 s8, $0x2;
	[sflag:s24] =	ssyncset.done $0x0  }
0xe0: {  	s3 =	sadd.s32 $0x14000, s2;
	[sflag:s24] =	ssyncadd.s32 $0xFFFFD800  }
0xe1: {  	[tilespmem:s29], [sflag:$0x1] =	stream.indirect.gather [hbm4b:s4+s28], $0x80, s3, s28, $0xb8;
	[tilespmem:$0x1E800] =	vst v63  }
0xe2: {  	_ =	swait.ge [sflag:s30], $0x2800  }
0xe3: {  	[sflag:s30] =	ssyncset.done $0x0  }
0xe4: {  	s9 =	sadd.s32 $0x18000, s2;
	[sflag:s30] =	ssyncadd.s32 $0xFFFFD800  }
0xe5: {  	[spmem:s1] =	stream.indirect.scatter.add.f32 [tilespmem:s29], [sflag:$0x2], $0x80, s9, s28, $0xb8;
	[tilespmem:$0x1E800] =	vst v63  }
0xe6: {  	_ =	swait.ge [sflag:s24], $0x2800  }
0xe7: {  	s31 =	sadd.s32 $0x1, s31;
	[sflag:s24] =	ssyncset.done $0x0  }
0xe8: {  	p0 =	sne.s32 s31, s23;
	[sflag:s24] =	ssyncadd.s32 $0xFFFFD800  }
.Ltmp5:
0xe9: {  	[bflag:$0x0] =	sbarrier.arrive $0xFFFF;
	(pc) =	sbr.rel @p0 .LBB2_1-.Ltmp5, $4  }
0xea: {  	[hbm:s22], [sflag:s7] =	dma.local [spmem:s0], $0x2800  }
0xeb: {  	_ =	swait.ge [sflag:s24], $0x2800  }
0xec: {  	[sflag:s24] =	ssyncset.done $0x0  }
0xed: {  	[sflag:s24] =	ssyncadd.s32 $0xFFFFD800  }
0xee: {  	_ =	sfence.sel $0x180000  }
0xef: {  	[bflag:$0x0] =	sbarrier.arrive $0xFFFF  }
0xf0: {  	_ =	strace $0x9000004D  }
0xf1: {  	s0 =	stileid.u32;
	[bflag:$0x2] =	sbarrier.arrive $0xFFFF  }
0xf2: {  	p0 =	sne.s32 s0, $0x0;
	s0 =	rddreg [dreg:$0x2]  }
0xf3: {  	s0 =	sadd.s32 @!p0 $0x100000, s0  }
0xf4: {  	[sflag:s0] =	ssyncadd.tile.s32 @!p0 $0x1;
	_ =	shalt  }
.Lfunc_end2:
_tile_overlayer_lowered:
.L_overlay_start_2:
0xf5: {  	(tag) =	ssettag $0x2  }
0xf6: {  	s0 =	rddreg [dreg:$0x0];
	s2 =	stileid.u32  }
0xf7: {  	s1 =	rddreg [dreg:$0x1];
	p0 =	sne.s32 s2, $0x0  }
0xf8: {  	s3 =	rddreg [dreg:$0x2];
	[bflag:$0x3] =	sbarrier.arrive $0xFFFF;
	s2 =	simm.s32 @!p0 $0x1C02  }
0xf9: {  	[timem:s3], [sflag:s2] =	dma.local @!p0 [hbm:s0], s1  }
0xfa: {  	s0 =	simm.s32 @!p0 $0x2  }
0xfb: {  	_ =	swait.ge @!p0 [sflag:s0], s1  }
0xfc: {  	s1 =	ssub.s32 @!p0 $0x0, s1;
	[sflag:s0] =	ssyncset.done @!p0 $0x0  }
0xfd: {  	[sflag:s0] =	ssyncadd.s32 @!p0 s1  }
0xfe: {  	[bflag:$0x3] =	sbarrier.arrive $0xFFFF  }
0xff: {  	_ =	shalt  }

// kernel: kernel.8.cloned.1.call-start
scs
__scs_entry_jumppad:
0x0: {  	(pc) =	sbr.rel $0x88, $3  }
0x1: {  	(tag) =	ssettag $0x0;
	lr =	simm.s32 $0x1  }
0x2: {  	[smem:$0x3F96] =	sst lr;
	_ =	strace $0xD0000000  }
0x3: {  	_ = 	snop  }
0x4: {  	_ = 	snop  }
0x5: {  	_ = 	snop  }
0x6: {  	_ = 	snop  }
0x7: {  	_ = 	snop  }
__scs_overlays_trampoline_lowered:
0x8: {  	[smem:$0x3FA5] =	sst s0  }
0x9: {  	[smem:$0x3FA6] =	sst s1  }
0xa: {  	[smem:$0x3FA7] =	sst s2  }
0xb: {  	[smem:$0x3FA8] =	sst s3  }
0xc: {  	[smem:$0x3FA9] =	sst s4  }
0xd: {  	[smem:$0x3FAA] =	sst s5  }
0xe: {  	[smem:$0x3FAB] =	sst s6  }
0xf: {  	[smem:$0x3FAC] =	sst s7  }
0x10: {  	[smem:$0x3FAD] =	sst s8  }
0x11: {  	[smem:$0x3FAE] =	sst s9;
	s0 =	simm.s32 @!p0 $0x0  }
0x12: {  	s1 =	sld [smem:$0x3F94];
	s0 =	simm.s32 @p0 $0x1  }
0x13: {  	[smem:$0x3FAF] =	sst s0;
	s0 =	simm.s32 @!p1 $0x0  }
0x14: {  	s2 =	sld [smem:$0x3F93];
	s0 =	simm.s32 @p1 $0x1  }
0x15: {  	[smem:$0x3FB0] =	sst s0;
	s0 =	simm.s32 @!p2 $0x0  }
0x16: {  	s3 =	sld [smem:$0x3FDB];
	s0 =	simm.s32 @p2 $0x1  }
0x17: {  	s4 =	simm.s32 $0x1BF5;
	[smem:$0x3FB2] =	sst s0  }
0x18: {  	s0 =	sld [smem:$0x3F95];
	_ =	swait.ge [sflag:s4], $0x0  }
0x19: {  	s7 =	sld [smem:$0x3F96]  }
0x1a: {  	s8 =	sadd.s32 $0xFFFFE003, lr  }
0x1b: {  	s9 =	sadd.s32 $0xFFFFFEF7, lr;
	s5 =	simm.s32 $0xFFFFFFFF;
	p2 =	slt.u32 s8, $0xFFFFF086  }
0x1c: {  	p1 =	slt.u32 s9, $0xF7A;
	s5 =	simm.s32 @!p2 $0x0  }
0x1d: {  	s5 =	simm.s32 @p1 $0x1;
	p0 =	seq.s32 s7, s2  }
0x1e: {  	s7 =	smul.u32 @!p0 $0xF7A, s2;
	p2 =	seq.s32 @!p0 s5, $0x0  }
0x1f: {  	s9 =	smul.u32 $0xF7A, s1;
	s8 =	simm.s32 @!p0 $0x1BF5;
	p2 =	por !p2, p0  }
0x20: {  	[sflag:s8] =	ssyncset.s32 @!p0 $0xFFFFF086;
	s6 =	sadd.s32 @!p0 s3, s7;
	s7 =	simm.s32 @!p0 $0x108  }
0x21: {  	s3 =	sadd.s32 s3, s9;
	s6 =	sadd.s32 @!p0 $0x88, s6;
	s7 =	simm.s32 @p2 $0x1082  }
0x22: {  	[simem:s7], [sflag:s8] =	dma.local @!p0 [hbm:s6], $0xF7A  }
0x23: {  	s9 =	sor.u32 $0xD0000000, s2;
	s6 =	simm.s32 $0x108;
	_ =	swait.ge @!p0 [sflag:s8], $0x0  }
0x24: {  	s3 =	sadd.s32 $0x88, s3;
	s6 =	simm.s32 @!p1 $0x1082;
	[sflag:s4] =	ssyncset.s32 $0xFFFFF086  }
0x25: {  	[simem:s6], [sflag:s4] =	dma.local [hbm:s3], $0xF7A  }
0x26: {  	[smem:$0x3F96] =	sst s1;
	(tag) =	ssettag s2;
	_ =	strace s9  }
0x27: {  	s1 =	sld [smem:$0x3FA6]  }
0x28: {  	s2 =	sld [smem:$0x3FA7]  }
0x29: {  	s4 =	sld [smem:$0x3FA9]  }
0x2a: {  	p0 =	seq.s32 s5, $0x0;
	s5 =	sld [smem:$0x3FAA]  }
0x2b: {  	s6 =	sld [smem:$0x3FAB]  }
0x2c: {  	s7 =	sld [smem:$0x3FAC]  }
0x2d: {  	s3 =	simm.s32 $0x108;
	s8 =	sld [smem:$0x3FAD]  }
0x2e: {  	s3 =	simm.s32 @!p0 $0x1082;
	s9 =	sld [smem:$0x3FAE]  }
0x2f: {  	lr =	sadd.s32 s0, s3;
	s0 =	sld [smem:$0x3FA5]  }
0x30: {  	s3 =	sld [smem:$0x3FA8]  }
0x31: {  	[smem:$0x3FB1] =	sst s10  }
0x32: {  	s10 =	sld [smem:$0x3FAF];
	_ =	sdelay $0x3  }
0x33: {  	p0 =	seq.s32 s10, $0x1;
	s10 =	sld [smem:$0x3FB1];
	_ =	sdelay $0x3  }
0x34: {  	[smem:$0x3FB1] =	sst s10  }
0x35: {  	s10 =	sld [smem:$0x3FB0];
	_ =	sdelay $0x3  }
0x36: {  	p1 =	seq.s32 s10, $0x1;
	s10 =	sld [smem:$0x3FB1];
	_ =	sdelay $0x3  }
0x37: {  	[smem:$0x3FB1] =	sst s10  }
0x38: {  	s10 =	sld [smem:$0x3FB2]  }
0x39: {  	_ = 	snop;
	(pc) =	sbr.ind lr, $3  }
0x3a: {  	_ = 	snop  }
0x3b: {  	_ = 	snop  }
0x3c: {  	p2 =	seq.s32 s10, $0x1;
	s10 =	sld [smem:$0x3FB1]  }
0x3d: {  	_ =	shalt  }
0x3e: {  	_ =	shalt  }
0x3f: {  	_ =	shalt  }
0x40: {  	_ =	shalt  }
0x41: {  	_ =	shalt  }
0x42: {  	_ =	shalt  }
0x43: {  	_ =	shalt  }
0x44: {  	_ =	shalt  }
0x45: {  	_ =	shalt  }
0x46: {  	_ =	shalt  }
0x47: {  	_ =	shalt  }
0x48: {  	_ =	shalt  }
0x49: {  	_ =	shalt  }
0x4a: {  	_ =	shalt  }
0x4b: {  	_ =	shalt  }
0x4c: {  	_ =	shalt  }
0x4d: {  	_ =	shalt  }
0x4e: {  	_ =	shalt  }
0x4f: {  	_ =	shalt  }
0x50: {  	_ =	shalt  }
0x51: {  	_ =	shalt  }
0x52: {  	_ =	shalt  }
0x53: {  	_ =	shalt  }
0x54: {  	_ =	shalt  }
0x55: {  	_ =	shalt  }
0x56: {  	_ =	shalt  }
0x57: {  	_ =	shalt  }
0x58: {  	_ =	shalt  }
0x59: {  	_ =	shalt  }
0x5a: {  	_ =	shalt  }
0x5b: {  	_ =	shalt  }
0x5c: {  	_ =	shalt  }
0x5d: {  	_ =	shalt  }
0x5e: {  	_ =	shalt  }
0x5f: {  	_ =	shalt  }
0x60: {  	_ =	shalt  }
0x61: {  	_ =	shalt  }
0x62: {  	_ =	shalt  }
0x63: {  	_ =	shalt  }
0x64: {  	_ =	shalt  }
0x65: {  	_ =	shalt  }
0x66: {  	_ =	shalt  }
0x67: {  	_ =	shalt  }
0x68: {  	_ =	shalt  }
0x69: {  	_ =	shalt  }
0x6a: {  	_ =	shalt  }
0x6b: {  	_ =	shalt  }
0x6c: {  	_ =	shalt  }
0x6d: {  	_ =	shalt  }
0x6e: {  	_ =	shalt  }
0x6f: {  	_ =	shalt  }
0x70: {  	_ =	shalt  }
0x71: {  	_ =	shalt  }
0x72: {  	_ =	shalt  }
0x73: {  	_ =	shalt  }
0x74: {  	_ =	shalt  }
0x75: {  	_ =	shalt  }
0x76: {  	_ =	shalt  }
0x77: {  	_ =	shalt  }
0x78: {  	_ =	shalt  }
0x79: {  	_ =	shalt  }
0x7a: {  	_ =	shalt  }
0x7b: {  	_ =	shalt  }
0x7c: {  	_ =	shalt  }
0x7d: {  	_ =	shalt  }
0x7e: {  	_ =	shalt  }
0x7f: {  	_ =	shalt  }
0x80: {  	_ =	shalt  }
0x81: {  	_ =	shalt  }
0x82: {  	_ =	shalt  }
0x83: {  	_ =	shalt  }
0x84: {  	_ =	shalt  }
0x85: {  	_ =	shalt  }
0x86: {  	_ =	shalt  }
0x87: {  	_ =	shalt  }
.Lfunc_end0:
.L_simem_size_0:
called_computation_lowered:
.L_overlay_start_0:
0x88: {  	s2 =	sld [smem:$0x3FD9]  }
0x89: {  	s3 =	sld [smem:$0x3FFE];
	_ =	sdelay $0x1  }
0x8a: {  	s1 =	srdreg.scid  }
0x8b: {  	s0 =	sand.u32 $0x1, s1  }
0x8c: {  	s17 =	sshll.u32 s0, $0xA;
	s2 =	sadd.s32 s3, s2  }
0x8d: {  	s2 =	sadd.s32 s2, s17  }
0x8e: {  	[smem:$0x3FBD] =	sst s2  }
0x8f: {  	_ = 	snop  }
0x90: {  	s2 =	sld [smem:$0x3FD0];
	(tm) =	ssettm $0x1  }
0x91: {  	s18 =	sld [smem:$0x3FFB];
	_ =	sdelay $0x3  }
0x92: {  	_ =	strace s18  }
0x93: {  	s3 =	sld [smem:$0x3FFC];
	_ =	sdelay $0x3  }
0x94: {  	_ =	strace s3  }
0x95: {  	s3 =	sld [smem:$0x3FFD];
	_ =	sdelay $0x3  }
0x96: {  	_ =	strace s3  }
0x97: {  	_ =	strace $0x8FFFFFFF  }
0x98: {  	s19 =	sld [smem:$0x3FDB];
	_ =	sdelay $0x1  }
0x99: {  	s4 =	simm.s32 $_scs_section_size  }
0x9a: {  	s5 =	simm.s32 $_size__tile_overlayer_lowered;
	s6 =	simm.s32 $_tile_overlayer_lowered  }
0x9b: {  	s22 =	simm.s32 $0x1BFF;
	s21 =	sshll.u32 s6, $0x1;
	s3 =	sadd.s32 s4, s19  }
0x9c: {  	s7 =	simm.s32 $0x0;
	s20 =	sshll.u32 s5, $0x1;
	s5 =	sadd.s32 s21, s3  }
0x9d: {  	[timem:s7], [sflag:s22] =	dma.local [hbm:s5], s20  }
0x9e: {  	_ =	swait.ge [sflag:s22], s20  }
0x9f: {  	s4 =	ssub.s32 $0x0, s20;
	[sflag:s22] =	ssyncset.done $0x0  }
0xa0: {  	[sflag:s22] =	ssyncadd.s32 s4;
	_ =	sdelay $0x1  }
0xa1: {  	s23 =	simm.s32 $0x1B8B  }
0xa2: {  	_ =	swait.ge [sflag:s23], $0x1  }
0xa3: {  	[sflag:s23] =	ssyncset.done $0x0  }
0xa4: {  	s25 =	simm.s32 $0x1B8E;
	s24 =	sld [smem:$0x3FFE];
	[sflag:s23] =	ssyncadd.s32 $0xFFFFFFFF  }
0xa5: {  	s26 =	simm.s32 $execute0_lowered;
	[smem:$0x3FD2] =	sst s25  }
0xa6: {  	s5 =	sshll.u32 s26, $0x1;
	_ =	strace $0x80000046;
	[dreg:$0x1] =	wrdreg $0xFFFFFFFF  }
0xa7: {  	s28 =	simm.s32 $_size_execute0_lowered;
	s3 =	sadd.s32 s3, s5;
	[dreg:$0x0] =	wrdreg $0x0  }
0xa8: {  	s5 =	sshll.u32 s28, $0x1;
	[dreg:$0x2] =	wrdreg s3  }
0xa9: {  	[dreg:$0x3] =	wrdreg s5  }
0xaa: {  	[dreg:$0x4] =	wrdreg $0xC0  }
0xab: {  	_ =	task [dreg:s7], $0x5FFFF  }
0xac: {  	[dreg:$0x1] =	wrdreg $0xFFFFFFFF  }
0xad: {  	[dreg:$0x0] =	wrdreg $0x60  }
0xae: {  	[dreg:$0x2] =	wrdreg s24  }
0xaf: {  	[dreg:$0x3] =	wrdreg s2  }
0xb0: {  	[dreg:$0x4] =	wrdreg $0x0  }
0xb1: {  	[dreg:$0x5] =	wrdreg $0x9  }
0xb2: {  	_ =	task.clear_ibuf [dreg:s7], $0x6FFFF;
	_ =	strace $0x90000046  }
0xb3: {  	s29 =	simm.s32 $0x9;
	_ =	strace $0x80000048  }
0xb4: {  	_ =	swait.ge [sflag:s29], $0x1  }
0xb5: {  	[sflag:s29] =	ssyncadd.s32 $0xFFFFFFFF  }
0xb6: {  	_ =	strace $0x90000048  }
0xb7: {  	_ =	sfence  }
0xb8: {  	s30 =	sld [smem:$0x0];
	_ =	sdelay $0x2  }
0xb9: {  	s31 =	sshll.u32 s1, $0xD;
	s1 =	sshrl.u32 s1, $0x2  }
0xba: {  	s3 =	sand.u32 $0x4000, s31;
	s1 =	sadd.s32 s1, s30  }
0xbb: {  	s0 =	sor.u32 s3, s0;
	s1 =	sshll.u32 s1, $0x11  }
0xbc: {  	s0 =	sor.u32 s1, s0  }
0xbd: {  	s0 =	sadd.s32 $0x8F2B, s0  }
0xbe: {  	[sflag:s0] =	ssyncadd.remote.s32 $0x1  }
0xbf: {  	_ =	sfence.sel $0xFFFF  }
0xc0: {  	[dreg:$0x0] =	wrdreg $0xFFFFFFFF;
	(pc) =	sbr.abs _section_cstart, $3  }
0xc1: {  	[dreg:$0x1] =	wrdreg $0xFFFFFFFF  }
0xc2: {  	_ =	task.clear_ibuf [dreg:s7], $0x2FFFF;
	_ =	strace $0x9FFFFFFF  }
0xc3: {  	(tm) =	ssettm $0x7FFFFFFF  }
tec
execute0_lowered:
.L_overlay_start_1:
0x0: {  	(tag) =	ssettag $0x1  }
0x1: {  	s6 =	rddreg [dreg:$0x0]  }
0x2: {  	s1 =	rddreg [dreg:$0x1]  }
0x3: {  	s3 =	rddreg [dreg:$0x2]  }
0x4: {  	s0 =	rddreg [dreg:$0x3]  }
0x5: {  	s5 =	srdreg.scid;
	s4 =	simm.s32 $0x0;
	s2 =	stileid.u32  }
0x6: {  	s17 =	simm.s32 $0x18000;
	s18 =	simm.s32 $0x2;
	s21 =	simm.s32 $0x14000  }
0x7: {  	s22 =	simm.s32 $0x50;
	s23 =	simm.s32 $0x1;
	s24 =	simm.s32 $0x0  }
0x8: {  	s5 =	sand.u32 $0x1, s5;
	s7 =	sshll.u32 s2, $0xC;
	s9 =	smul.u32 $0x280, s2  }
0x9: {  	[smem:$0x7FF] =	sst s4;
	s30 =	smul.u32 $0x50000, s2;
	s19 =	sshll.u32 s2, $0x6  }
0xa: {  	s8 =	sshll.u32 s5, $0xB;
	s26 =	smul.u32 $0xC800, s5;
	_ =	strace $0x80000047  }
0xb: {  	s29 =	ssub.s32 $0x2, s5;
	s5 =	sadd.s32 $0xA0200, s6;
	s19 =	sor.u32 $0x1C02, s19  }
0xc: {  	s7 =	sor.u32 s8, s7;
	s10 =	sshrl.u32 s29, $0x1;
	s31 =	sshrl.u32 s30, $0x2  }
0xd: {  	s14 =	sadd.s32 s7, s6;
	s28 =	sadd.s32 s9, s26;
	s16 =	ssub.s32 s29, s10  }
0xe: {  	s20 =	sadd.s32 s31, s3;
	s7 =	sshll.u32 s28, $0x4;
	s8 =	sadd.s32 $0x60200, s14  }
0xf: {  	s10 =	sadd.s32 $0x70200, s14;
	s12 =	sadd.s32 $0x80200, s14;
	s16 =	smax.u32 s16, $0x1  }
0x10: {  	s15 =	sadd.s32 s7, s6;
	s6 =	sadd.s32 $0x50200, s14;
	s14 =	sadd.s32 $0x90200, s14  }
0x11: {  	s7 =	sadd.s32 $0xA2A00, s15;
	s9 =	sadd.s32 $0xCAA00, s15;
	s11 =	sadd.s32 $0xF2A00, s15  }
0x12: {  	s20 =	sshrl.u32 s20, $0x3;
	s13 =	sadd.s32 $0x11AA00, s15;
	s15 =	sadd.s32 $0x142A00, s15  }
.LBB2_1:
0x13: {  	[tilespmem:s17], [sflag:$0x2] =	stream.linear.gather [hbm4b:s1+s4], $0x2800, $0x38;
	[tilespmem:$0x1A800] =	vst v63  }
0x14: {  	_ =	swait.ge [sflag:s18], $0x2800  }
0x15: {  	[sflag:s18] =	ssyncset.done $0x0  }
0x16: {  	[sflag:s18] =	ssyncadd.s32 $0xFFFFD800  }
0x17: {  	[spmem:s20], [sflag:s19] =	dma.local [hbm:s5], $0x2800  }
0x18: {  	_ =	swait.ge [sflag:s18], $0x2800  }
0x19: {  	[sflag:s18] =	ssyncset.done $0x0  }
0x1a: {  	[sflag:s18] =	ssyncadd.s32 $0xFFFFD800  }
0x1b: {  	[tilespmem:s21], [sflag:$0x2] =	stream.linear.gather [hbm4b:s6+s4], $0x4000, $0x38;
	[tilespmem:$0x1A800] =	vst v63  }
0x1c: {  	_ =	swait.ge [sflag:s18], $0x4000  }
0x1d: {  	[sflag:s18] =	ssyncset.done $0x0  }
0x1e: {  	[sflag:s18] =	ssyncadd.s32 $0xFFFFC000  }
0x1f: {  	s25 =	simm.s32 $0x0;
	[bflag:$0x0] =	sbarrier.arrive $0xFFFF  }
.LBB2_2:
0x20: {  	p0 =	sne.s32 s25, $0xF800  }
.Ltmp0:
0x21: {  	_ = 	snop;
	(pc) =	sbr.rel @p0 .LBB2_2-.Ltmp0, $4  }
0x22: {  	_ = 	snop  }
0x23: {  	s26 =	sshra.s32 s25, $0x2  }
0x24: {  	s25 =	sadd.s32 $0x200, s25;
	s26 =	sadd.s32 $0x14000, s26  }
0x25: {  	[spmem:s3] =	stream.indirect.scatter.add.f32 [tilespmem:s17], [sflag:$0x1], $0x80, s26, s22, $0xb8;
	[tilespmem:$0x1A800] =	vst v63  }
0x26: {  	_ =	swait.ge [sflag:s23], $0x2800  }
0x27: {  	s25 =	simm.s32 $0x7C;
	[sflag:s23] =	ssyncset.done $0x0  }
.LBB2_4:
0x28: {  	p0 =	sne.s32 s25, $0x1;
	s25 =	sadd.s32 $0xFFFFFFFF, s25;
	[sflag:s23] =	ssyncadd.s32 $0xFFFFD800  }
.Ltmp1:
0x29: {  	(pc) =	sbr.rel @p0 .LBB2_4-.Ltmp1, $3  }
0x2a: {  	_ =	sdelay $0x1  }
0x2b: {  	_ =	swait.ge [sflag:s23], $0x2800  }
0x2c: {  	[sflag:s23] =	ssyncset.done $0x0  }
0x2d: {  	[sflag:s23] =	ssyncadd.s32 $0xFFFFD800  }
0x2e: {  	[bflag:$0x0] =	sbarrier.arrive $0xFFFF  }
0x2f: {  	[hbm:s7], [sflag:s19] =	dma.local [spmem:s20], $0x2800  }
0x30: {  	_ =	swait.ge [sflag:s18], $0x2800  }
0x31: {  	[sflag:s18] =	ssyncset.done $0x0  }
0x32: {  	[sflag:s18] =	ssyncadd.s32 $0xFFFFD800  }
0x33: {  	[spmem:s20], [sflag:s19] =	dma.local [hbm:s5], $0x2800  }
0x34: {  	_ =	swait.ge [sflag:s18], $0x2800  }
0x35: {  	[sflag:s18] =	ssyncset.done $0x0  }
0x36: {  	s25 =	simm.s32 $0x0;
	[sflag:s18] =	ssyncadd.s32 $0xFFFFD800  }
0x37: {  	[tilespmem:s21], [sflag:$0x2] =	stream.linear.gather [hbm4b:s8+s25], $0x4000, $0x38;
	[tilespmem:$0x1A800] =	vst v63  }
0x38: {  	_ =	swait.ge [sflag:s18], $0x4000  }
0x39: {  	[sflag:s18] =	ssyncset.done $0x0  }
0x3a: {  	[sflag:s18] =	ssyncadd.s32 $0xFFFFC000  }
0x3b: {  	[bflag:$0x0] =	sbarrier.arrive $0xFFFF  }
.LBB2_6:
0x3c: {  	p0 =	sne.s32 s25, $0xF800  }
.Ltmp2:
0x3d: {  	_ = 	snop;
	(pc) =	sbr.rel @p0 .LBB2_6-.Ltmp2, $4  }
0x3e: {  	_ = 	snop  }
0x3f: {  	s26 =	sshra.s32 s25, $0x2  }
0x40: {  	s25 =	sadd.s32 $0x200, s25;
	s26 =	sadd.s32 $0x14000, s26  }
0x41: {  	[spmem:s3] =	stream.indirect.scatter.add.f32 [tilespmem:s17], [sflag:$0x1], $0x80, s26, s22, $0xb8;
	[tilespmem:$0x1A800] =	vst v63  }
0x42: {  	_ =	swait.ge [sflag:s23], $0x2800  }
0x43: {  	s25 =	simm.s32 $0x7C;
	[sflag:s23] =	ssyncset.done $0x0  }
.LBB2_8:
0x44: {  	p0 =	sne.s32 s25, $0x1;
	s25 =	sadd.s32 $0xFFFFFFFF, s25;
	[sflag:s23] =	ssyncadd.s32 $0xFFFFD800  }
.Ltmp3:
0x45: {  	(pc) =	sbr.rel @p0 .LBB2_8-.Ltmp3, $3  }
0x46: {  	_ =	sdelay $0x1  }
0x47: {  	_ =	swait.ge [sflag:s23], $0x2800  }
0x48: {  	[sflag:s23] =	ssyncset.done $0x0  }
0x49: {  	[sflag:s23] =	ssyncadd.s32 $0xFFFFD800  }
0x4a: {  	[bflag:$0x0] =	sbarrier.arrive $0xFFFF  }
0x4b: {  	[hbm:s9], [sflag:s19] =	dma.local [spmem:s20], $0x2800  }
0x4c: {  	_ =	swait.ge [sflag:s18], $0x2800  }
0x4d: {  	[sflag:s18] =	ssyncset.done $0x0  }
0x4e: {  	[sflag:s18] =	ssyncadd.s32 $0xFFFFD800  }
0x4f: {  	[spmem:s20], [sflag:s19] =	dma.local [hbm:s5], $0x2800  }
0x50: {  	_ =	swait.ge [sflag:s18], $0x2800  }
0x51: {  	[sflag:s18] =	ssyncset.done $0x0  }
0x52: {  	s25 =	simm.s32 $0x0;
	[sflag:s18] =	ssyncadd.s32 $0xFFFFD800  }
0x53: {  	[tilespmem:s21], [sflag:$0x2] =	stream.linear.gather [hbm4b:s10+s25], $0x4000, $0x38;
	[tilespmem:$0x1A800] =	vst v63  }
0x54: {  	_ =	swait.ge [sflag:s18], $0x4000  }
0x55: {  	[sflag:s18] =	ssyncset.done $0x0  }
0x56: {  	[sflag:s18] =	ssyncadd.s32 $0xFFFFC000  }
0x57: {  	[bflag:$0x0] =	sbarrier.arrive $0xFFFF  }
.LBB2_10:
0x58: {  	p0 =	sne.s32 s25, $0xF800  }
.Ltmp4:
0x59: {  	_ = 	snop;
	(pc) =	sbr.rel @p0 .LBB2_10-.Ltmp4, $4  }
0x5a: {  	_ = 	snop  }
0x5b: {  	s26 =	sshra.s32 s25, $0x2  }
0x5c: {  	s25 =	sadd.s32 $0x200, s25;
	s26 =	sadd.s32 $0x14000, s26  }
0x5d: {  	[spmem:s3] =	stream.indirect.scatter.add.f32 [tilespmem:s17], [sflag:$0x1], $0x80, s26, s22, $0xb8;
	[tilespmem:$0x1A800] =	vst v63  }
0x5e: {  	_ =	swait.ge [sflag:s23], $0x2800  }
0x5f: {  	s25 =	simm.s32 $0x7C;
	[sflag:s23] =	ssyncset.done $0x0  }
.LBB2_12:
0x60: {  	p0 =	sne.s32 s25, $0x1;
	s25 =	sadd.s32 $0xFFFFFFFF, s25;
	[sflag:s23] =	ssyncadd.s32 $0xFFFFD800  }
.Ltmp5:
0x61: {  	(pc) =	sbr.rel @p0 .LBB2_12-.Ltmp5, $3  }
0x62: {  	_ =	sdelay $0x1  }
0x63: {  	_ =	swait.ge [sflag:s23], $0x2800  }
0x64: {  	[sflag:s23] =	ssyncset.done $0x0  }
0x65: {  	[sflag:s23] =	ssyncadd.s32 $0xFFFFD800  }
0x66: {  	[bflag:$0x0] =	sbarrier.arrive $0xFFFF  }
0x67: {  	[hbm:s11], [sflag:s19] =	dma.local [spmem:s20], $0x2800  }
0x68: {  	_ =	swait.ge [sflag:s18], $0x2800  }
0x69: {  	[sflag:s18] =	ssyncset.done $0x0  }
0x6a: {  	[sflag:s18] =	ssyncadd.s32 $0xFFFFD800  }
0x6b: {  	[spmem:s20], [sflag:s19] =	dma.local [hbm:s5], $0x2800  }
0x6c: {  	_ =	swait.ge [sflag:s18], $0x2800  }
0x6d: {  	[sflag:s18] =	ssyncset.done $0x0  }
0x6e: {  	s25 =	simm.s32 $0x0;
	[sflag:s18] =	ssyncadd.s32 $0xFFFFD800  }
0x6f: {  	[tilespmem:s21], [sflag:$0x2] =	stream.linear.gather [hbm4b:s12+s25], $0x4000, $0x38;
	[tilespmem:$0x1A800] =	vst v63  }
0x70: {  	_ =	swait.ge [sflag:s18], $0x4000  }
0x71: {  	[sflag:s18] =	ssyncset.done $0x0  }
0x72: {  	[sflag:s18] =	ssyncadd.s32 $0xFFFFC000  }
0x73: {  	[bflag:$0x0] =	sbarrier.arrive $0xFFFF  }
.LBB2_14:
0x74: {  	p0 =	sne.s32 s25, $0xF800  }
.Ltmp6:
0x75: {  	_ = 	snop;
	(pc) =	sbr.rel @p0 .LBB2_14-.Ltmp6, $4  }
0x76: {  	_ = 	snop  }
0x77: {  	s26 =	sshra.s32 s25, $0x2  }
0x78: {  	s25 =	sadd.s32 $0x200, s25;
	s26 =	sadd.s32 $0x14000, s26  }
0x79: {  	[spmem:s3] =	stream.indirect.scatter.add.f32 [tilespmem:s17], [sflag:$0x1], $0x80, s26, s22, $0xb8;
	[tilespmem:$0x1A800] =	vst v63  }
0x7a: {  	_ =	swait.ge [sflag:s23], $0x2800  }
0x7b: {  	s25 =	simm.s32 $0x7C;
	[sflag:s23] =	ssyncset.done $0x0  }
.LBB2_16:
0x7c: {  	p0 =	sne.s32 s25, $0x1;
	s25 =	sadd.s32 $0xFFFFFFFF, s25;
	[sflag:s23] =	ssyncadd.s32 $0xFFFFD800  }
.Ltmp7:
0x7d: {  	(pc) =	sbr.rel @p0 .LBB2_16-.Ltmp7, $3  }
0x7e: {  	_ =	sdelay $0x1  }
0x7f: {  	_ =	swait.ge [sflag:s23], $0x2800  }
0x80: {  	[sflag:s23] =	ssyncset.done $0x0  }
0x81: {  	[sflag:s23] =	ssyncadd.s32 $0xFFFFD800  }
0x82: {  	[bflag:$0x0] =	sbarrier.arrive $0xFFFF  }
0x83: {  	[hbm:s13], [sflag:s19] =	dma.local [spmem:s20], $0x2800  }
0x84: {  	_ =	swait.ge [sflag:s18], $0x2800  }
0x85: {  	[sflag:s18] =	ssyncset.done $0x0  }
0x86: {  	[sflag:s18] =	ssyncadd.s32 $0xFFFFD800  }
0x87: {  	[spmem:s20], [sflag:s19] =	dma.local [hbm:s5], $0x2800  }
0x88: {  	_ =	swait.ge [sflag:s18], $0x2800  }
0x89: {  	[sflag:s18] =	ssyncset.done $0x0  }
0x8a: {  	s25 =	simm.s32 $0x0;
	[sflag:s18] =	ssyncadd.s32 $0xFFFFD800  }
0x8b: {  	[tilespmem:s21], [sflag:$0x2] =	stream.linear.gather [hbm4b:s14+s25], $0x4000, $0x38;
	[tilespmem:$0x1A800] =	vst v63  }
0x8c: {  	_ =	swait.ge [sflag:s18], $0x4000  }
0x8d: {  	[sflag:s18] =	ssyncset.done $0x0  }
0x8e: {  	[sflag:s18] =	ssyncadd.s32 $0xFFFFC000  }
0x8f: {  	[bflag:$0x0] =	sbarrier.arrive $0xFFFF  }
.LBB2_18:
0x90: {  	p0 =	sne.s32 s25, $0xF800  }
.Ltmp8:
0x91: {  	_ = 	snop;
	(pc) =	sbr.rel @p0 .LBB2_18-.Ltmp8, $4  }
0x92: {  	_ = 	snop  }
0x93: {  	s26 =	sshra.s32 s25, $0x2  }
0x94: {  	s25 =	sadd.s32 $0x200, s25;
	s26 =	sadd.s32 $0x14000, s26  }
0x95: {  	[spmem:s3] =	stream.indirect.scatter.add.f32 [tilespmem:s17], [sflag:$0x1], $0x80, s26, s22, $0xb8;
	[tilespmem:$0x1A800] =	vst v63  }
0x96: {  	_ =	swait.ge [sflag:s23], $0x2800  }
0x97: {  	s25 =	simm.s32 $0x7C;
	[sflag:s23] =	ssyncset.done $0x0  }
.LBB2_20:
0x98: {  	p0 =	sne.s32 s25, $0x1;
	s25 =	sadd.s32 $0xFFFFFFFF, s25;
	[sflag:s23] =	ssyncadd.s32 $0xFFFFD800  }
.Ltmp9:
0x99: {  	(pc) =	sbr.rel @p0 .LBB2_20-.Ltmp9, $3  }
0x9a: {  	_ =	sdelay $0x1  }
0x9b: {  	_ =	swait.ge [sflag:s23], $0x2800  }
0x9c: {  	[sflag:s23] =	ssyncset.done $0x0  }
0x9d: {  	s24 =	sadd.s32 $0x1, s24  }
0x9e: {  	[sflag:s23] =	ssyncadd.s32 $0xFFFFD800;
	p0 =	sne.s32 s24, s16  }
.Ltmp10:
0x9f: {  	[bflag:$0x0] =	sbarrier.arrive $0xFFFF;
	(pc) =	sbr.rel @p0 .LBB2_1-.Ltmp10, $4  }
0xa0: {  	[hbm:s15], [sflag:s19] =	dma.local [spmem:s20], $0x2800  }
0xa1: {  	_ =	swait.ge [sflag:s18], $0x2800  }
0xa2: {  	[sflag:s18] =	ssyncset.done $0x0  }
0xa3: {  	[sflag:s18] =	ssyncadd.s32 $0xFFFFD800  }
0xa4: {  	_ =	sfence.sel $0x180000  }
0xa5: {  	[bflag:$0x0] =	sbarrier.arrive $0xFFFF  }
0xa6: {  	p0 =	sne.s32 s2, $0x0;
	_ =	strace $0x90000047  }
0xa7: {  	s0 =	sadd.s32 @!p0 $0x100000, s0;
	[bflag:$0x2] =	sbarrier.arrive $0xFFFF  }
0xa8: {  	[sflag:s0] =	ssyncadd.tile.s32 @!p0 $0x1;
	_ =	shalt  }
.Lfunc_end2:
_tile_overlayer_lowered:
.L_overlay_start_2:
0xa9: {  	(tag) =	ssettag $0x2  }
0xaa: {  	s0 =	rddreg [dreg:$0x0];
	s2 =	stileid.u32  }
0xab: {  	s1 =	rddreg [dreg:$0x1];
	p0 =	sne.s32 s2, $0x0  }
0xac: {  	s3 =	rddreg [dreg:$0x2];
	[bflag:$0x3] =	sbarrier.arrive $0xFFFF;
	s2 =	simm.s32 @!p0 $0x1C02  }
0xad: {  	[timem:s3], [sflag:s2] =	dma.local @!p0 [hbm:s0], s1  }
0xae: {  	s0 =	simm.s32 @!p0 $0x2  }
0xaf: {  	_ =	swait.ge @!p0 [sflag:s0], s1  }
0xb0: {  	s1 =	ssub.s32 @!p0 $0x0, s1;
	[sflag:s0] =	ssyncset.done @!p0 $0x0  }
0xb1: {  	[sflag:s0] =	ssyncadd.s32 @!p0 s1  }
0xb2: {  	[bflag:$0x3] =	sbarrier.arrive $0xFFFF  }
0xb3: {  	_ =	shalt  }

</sc_bundles>
